<compile_context>
chip_gen: v7x
topology: tpu7x:2x2x1
jax: 0.10.2.dev20260603
libtpu: 0.0.44.dev20260713+nightly
codegen_flags: <defaults>
</compile_context>

<pallas_src>
import jax
import jax.numpy as jnp
from jax.experimental import pallas as pl
from jax.experimental.pallas import tpu as pltpu
from jax.experimental.pallas import tpu_sc as plsc

D = 1024
E = 8
N_TOK = 4096
BLK = 256
A_TOT = N_TOK * 2
PAD = A_TOT + E * BLK
NB = PAD // BLK
TBLK = 512
GBLK = N_TOK // TBLK
EPAD = 128
YASG = 2 * N_TOK + TBLK
NW = 32
RPW = PAD // NW
CH = 40
NCH = RPW // CH

_BIG = 1 << 30


def _gate_body(x_ref, w_ref, b_ref, i0_ref, i1_ref, w0_ref, w1_ref,
               c0_ref, c1_ref):
    logits = jnp.dot(x_ref[...], w_ref[...],
                     preferred_element_type=jnp.float32) + b_ref[...]
    m = jnp.max(logits, axis=1, keepdims=True)
    ex = jnp.exp(logits - m)
    p = ex / jnp.sum(ex, axis=1, keepdims=True)
    iota = jax.lax.broadcasted_iota(jnp.int32, (TBLK, EPAD), 1)
    v0 = jnp.max(p, axis=1, keepdims=True)
    i0 = jnp.min(jnp.where(p == v0, iota, _BIG), axis=1, keepdims=True)
    p2 = jnp.where(iota == i0, -1.0, p)
    v1 = jnp.max(p2, axis=1, keepdims=True)
    i1 = jnp.min(jnp.where(p2 == v1, iota, _BIG), axis=1, keepdims=True)
    zeros_i = jnp.zeros((TBLK, EPAD), jnp.int32)
    i0_ref[...] = i0 + zeros_i
    i1_ref[...] = i1 + zeros_i
    zeros_f = jnp.zeros((TBLK, EPAD), jnp.float32)
    w0_ref[...] = v0 + zeros_f
    w1_ref[...] = v1 + zeros_f
    oh0 = (iota == i0).astype(jnp.int32)
    oh1 = (iota == i1).astype(jnp.int32)
    c0_ref[...] = jnp.sum(oh0, axis=0, keepdims=True).reshape(1, 1, EPAD)
    c1_ref[...] = jnp.sum(oh1, axis=0, keepdims=True).reshape(1, 1, EPAD)


def _gating(x, gate_W, gate_b):
    gwp = jnp.zeros((D, EPAD), jnp.float32).at[:, :E].set(gate_W)
    gbp = jnp.full((1, EPAD), -1e30, jnp.float32).at[0, :E].set(gate_b)
    out_sh = [jax.ShapeDtypeStruct((N_TOK, EPAD), jnp.int32),
              jax.ShapeDtypeStruct((N_TOK, EPAD), jnp.int32),
              jax.ShapeDtypeStruct((N_TOK, EPAD), jnp.float32),
              jax.ShapeDtypeStruct((N_TOK, EPAD), jnp.float32),
              jax.ShapeDtypeStruct((GBLK, 1, EPAD), jnp.int32),
              jax.ShapeDtypeStruct((GBLK, 1, EPAD), jnp.int32)]
    blk = pl.BlockSpec((TBLK, EPAD), lambda i: (i, 0))
    cblk = pl.BlockSpec((1, 1, EPAD), lambda i: (i, 0, 0))
    return pl.pallas_call(
        _gate_body,
        grid=(GBLK,),
        in_specs=[pl.BlockSpec((TBLK, D), lambda i: (i, 0)),
                  pl.BlockSpec((D, EPAD), lambda i: (0, 0)),
                  pl.BlockSpec((1, EPAD), lambda i: (0, 0))],
        out_specs=[blk, blk, blk, blk, cblk, cblk],
        out_shape=out_sh,
    )(x, gwp, gbp)


def _router_body(i0_ref, i1_ref, c0_ref, c1_ref, pos_ref, blk_ref, acc_ref):
    step = pl.program_id(0)

    @pl.when(step == 0)
    def _():
        acc_ref[...] = jnp.zeros((8, EPAD), jnp.float32)

    sel = jnp.where(step < GBLK, i0_ref[:, 0:1], i1_ref[:, 0:1])
    lane = jax.lax.broadcasted_iota(jnp.int32, (TBLK, EPAD), 1)
    oh = (lane == sel).astype(jnp.float32)

    tot = (jnp.sum(c0_ref[...], axis=0) +
           jnp.sum(c1_ref[...], axis=0)).astype(jnp.int32)
    pc = (((tot + (BLK - 1)) // BLK) * BLK).astype(jnp.float32)
    iu0 = jax.lax.broadcasted_iota(jnp.int32, (EPAD, EPAD), 0)
    iu1 = jax.lax.broadcasted_iota(jnp.int32, (EPAD, EPAD), 1)
    U = (iu0 < iu1).astype(jnp.float32)
    poff = jnp.dot(pc, U, preferred_element_type=jnp.float32)

    il0 = jax.lax.broadcasted_iota(jnp.int32, (TBLK, TBLK), 0)
    il1 = jax.lax.broadcasted_iota(jnp.int32, (TBLK, TBLK), 1)
    L = (il1 <= il0).astype(jnp.float32)
    csum = jnp.dot(L, oh, preferred_element_type=jnp.float32)

    accrow = acc_ref[0:1, :]
    base = poff + accrow
    posv = jnp.sum(oh * (base + csum - 1.0), axis=1, keepdims=True)
    pos_ref[...] = (posv + jnp.zeros((TBLK, EPAD), jnp.float32)).astype(
        jnp.int32)
    newrow = accrow + jnp.sum(oh, axis=0, keepdims=True)
    acc_ref[...] = jnp.broadcast_to(newrow, (8, EPAD))

    pend = poff + pc
    ib0 = jax.lax.broadcasted_iota(jnp.int32, (EPAD, EPAD), 0)
    ib1 = jax.lax.broadcasted_iota(jnp.int32, (EPAD, EPAD), 1)
    starts = (ib0 * BLK).astype(jnp.float32)
    ge = jnp.where((ib1 < E) & (starts >= pend), 1, 0)
    be = jnp.minimum(jnp.sum(ge, axis=1, keepdims=True), E - 1)
    blk_ref[...] = be + jnp.zeros((EPAD, EPAD), jnp.int32)


def _router(i0b, i1b, cnt0, cnt1):
    cspec = pl.BlockSpec((GBLK, 1, EPAD), lambda i: (0, 0, 0))
    return pl.pallas_call(
        _router_body,
        grid=(2 * GBLK,),
        in_specs=[pl.BlockSpec((TBLK, EPAD), lambda i: (i % GBLK, 0)),
                  pl.BlockSpec((TBLK, EPAD), lambda i: (i % GBLK, 0)),
                  cspec, cspec],
        out_specs=[pl.BlockSpec((TBLK, EPAD), lambda i: (i, 0)),
                   pl.BlockSpec((EPAD, EPAD), lambda i: (0, 0))],
        out_shape=[jax.ShapeDtypeStruct((A_TOT, EPAD), jnp.int32),
                   jax.ShapeDtypeStruct((EPAD, EPAD), jnp.int32)],
        scratch_shapes=[pltpu.VMEM((8, EPAD), jnp.float32)],
    )(i0b, i1b, cnt0, cnt1)


TPW = N_TOK // NW
DCH = 32
DNCH = TPW // DCH


def _sc_dispatch(x, pos0, pos1):
    mesh = plsc.VectorSubcoreMesh(core_axis_name="core",
                                  subcore_axis_name="subcore")

    @pl.kernel(out_type=jax.ShapeDtypeStruct((PAD, D), jnp.float32),
               mesh=mesh,
               scratch_types=[pltpu.VMEM((DCH,), jnp.int32),
                              pltpu.VMEM((DCH,), jnp.int32),
                              pltpu.VMEM((DCH,), jnp.int32),
                              pltpu.VMEM((DCH,), jnp.int32),
                              pltpu.VMEM((DCH, D), jnp.float32),
                              pltpu.VMEM((DCH, D), jnp.float32),
                              pltpu.SemaphoreType.DMA,
                              pltpu.SemaphoreType.DMA,
                              pltpu.SemaphoreType.DMA,
                              pltpu.SemaphoreType.DMA])
    def dispatch_k(x_hbm, p0_hbm, p1_hbm, o_hbm,
                   ia0, ia1, ib0, ib1, buf0, buf1, sa0, sa1, sb0, sb1):
        wid = (jax.lax.axis_index("subcore") * 2
               + jax.lax.axis_index("core"))
        base = wid * TPW
        ia = (ia0, ia1)
        ib = (ib0, ib1)
        buf = (buf0, buf1)
        sa = (sa0, sa1)
        sb = (sb0, sb1)
        cpa = [None, None]
        cpb = [None, None]
        for c in range(DNCH):
            s = c % 2
            if cpa[s] is not None:
                cpa[s].wait()
                cpb[s].wait()
            off = base + c * DCH
            pltpu.sync_copy(x_hbm.at[pl.ds(off, DCH)], buf[s])
            pltpu.sync_copy(p0_hbm.at[pl.ds(off, DCH)], ia[s])
            pltpu.sync_copy(p1_hbm.at[pl.ds(off, DCH)], ib[s])
            cpa[s] = pltpu.async_copy(buf[s], o_hbm.at[ia[s]], sa[s])
            cpb[s] = pltpu.async_copy(buf[s], o_hbm.at[ib[s]], sb[s])
        cpa[0].wait()
        cpb[0].wait()
        cpa[1].wait()
        cpb[1].wait()

    return dispatch_k(x, pos0, pos1)


def _ffn_body(be_ref, x_ref, w1_ref, b1_ref, w2_ref, b2_ref, o_ref):
    h = jnp.dot(x_ref[...], w1_ref[0],
                preferred_element_type=jnp.float32) + b1_ref[0]
    h = jnp.maximum(h, 0.0)
    o_ref[...] = jnp.dot(h, w2_ref[0],
                         preferred_element_type=jnp.float32) + b2_ref[0]


def _grouped_ffn(block_expert, x_sorted, fc1_W, fc1_b, fc2_W, fc2_b):
    spec = pltpu.PrefetchScalarGridSpec(
        num_scalar_prefetch=1,
        grid=(NB,),
        in_specs=[
            pl.BlockSpec((BLK, D), lambda i, be: (i, 0)),
            pl.BlockSpec((1, D, D), lambda i, be: (be[i], 0, 0)),
            pl.BlockSpec((1, 1, D), lambda i, be: (be[i], 0, 0)),
            pl.BlockSpec((1, D, D), lambda i, be: (be[i], 0, 0)),
            pl.BlockSpec((1, 1, D), lambda i, be: (be[i], 0, 0)),
        ],
        out_specs=pl.BlockSpec((BLK, D), lambda i, be: (i, 0)),
    )
    return pl.pallas_call(
        _ffn_body,
        grid_spec=spec,
        out_shape=jax.ShapeDtypeStruct((PAD, D), jnp.float32),
    )(block_expert, x_sorted, fc1_W, fc1_b.reshape(E, 1, D),
      fc2_W, fc2_b.reshape(E, 1, D))


def _sc_scatter(y_sorted, dest):
    mesh = plsc.VectorSubcoreMesh(core_axis_name="core",
                                  subcore_axis_name="subcore")

    @pl.kernel(out_type=jax.ShapeDtypeStruct((YASG, D), jnp.float32),
               mesh=mesh,
               scratch_types=[pltpu.VMEM((CH,), jnp.int32),
                              pltpu.VMEM((CH,), jnp.int32),
                              pltpu.VMEM((CH, D), jnp.float32),
                              pltpu.VMEM((CH, D), jnp.float32),
                              pltpu.SemaphoreType.DMA,
                              pltpu.SemaphoreType.DMA])
    def scatter_k(y_hbm, d_hbm, o_hbm, idx0, idx1, buf0, buf1, sem0, sem1):
        wid = (jax.lax.axis_index("subcore") * 2
               + jax.lax.axis_index("core"))
        base = wid * RPW
        idx = (idx0, idx1)
        buf = (buf0, buf1)
        sem = (sem0, sem1)
        cps = [None, None]
        for c in range(NCH):
            s = c % 2
            if cps[s] is not None:
                cps[s].wait()
            pltpu.sync_copy(y_hbm.at[pl.ds(base + c * CH, CH)], buf[s])
            pltpu.sync_copy(d_hbm.at[pl.ds(base + c * CH, CH)], idx[s])
            cps[s] = pltpu.async_copy(buf[s], o_hbm.at[idx[s]], sem[s])
        cps[0].wait()
        cps[1].wait()

    return scatter_k(y_sorted, dest)


def _combine_body(y0_ref, y1_ref, w0_ref, w1_ref, o_ref):
    o_ref[...] = (w0_ref[:, 0:1] * y0_ref[...] +
                  w1_ref[:, 0:1] * y1_ref[...])


def _combine(yasg, w0b, w1b):
    wblk = pl.BlockSpec((TBLK, EPAD), lambda i: (i, 0))
    return pl.pallas_call(
        _combine_body,
        grid=(GBLK,),
        in_specs=[pl.BlockSpec((TBLK, D), lambda i: (i, 0)),
                  pl.BlockSpec((TBLK, D), lambda i: (i + GBLK, 0)),
                  wblk, wblk],
        out_specs=pl.BlockSpec((TBLK, D), lambda i: (i, 0)),
        out_shape=jax.ShapeDtypeStruct((N_TOK, D), jnp.float32),
    )(yasg, yasg, w0b, w1b)


def kernel(x, gate_W, gate_b, fc1_W, fc1_b, fc2_W, fc2_b):
    i0b, i1b, w0b, w1b, cnt0, cnt1 = _gating(x, gate_W, gate_b)
    pos_all, blkexp = _router(i0b, i1b, cnt0, cnt1)
    pos_flat = pos_all[:, 0]
    block_expert = blkexp[:NB, 0]

    x_sorted = _sc_dispatch(x, pos_flat[:N_TOK], pos_flat[N_TOK:])
    y_sorted = _grouped_ffn(block_expert, x_sorted, fc1_W, fc1_b, fc2_W, fc2_b)
    dest = (2 * N_TOK + (jnp.arange(PAD) % TBLK)).astype(jnp.int32)
    dest = dest.at[pos_flat].set(jnp.arange(A_TOT, dtype=jnp.int32))
    yasg = _sc_scatter(y_sorted, dest)
    return _combine(yasg, w0b, w1b)

# --- scband reference (transcript-rebuilt; emitter-appended) ---
"""Pipeline reference for scband-mo-elayer-41188736369136 (READ-ONLY COPY).

The authoritative reference and input builder live on the scoring server;
editing this copy changes nothing except your own understanding.
"""

import jax, jax.numpy as jnp
import numpy as np

D = 1024
E = 8
TOP_K = 2
N_TOK = 4096


def setup_inputs(seed: int = 0) -> dict:
    key = jax.random.key(seed)
    ks = jax.random.split(key, 8)
    x = jax.random.normal(ks[0], (N_TOK, D), dtype=jnp.float32)
    # gate linear: weight [E, D] torch-style -> store as [D, E] for matmul
    gate_W = jax.random.normal(ks[1], (D, E), dtype=jnp.float32) * (1.0 / np.sqrt(D))
    gate_b = jnp.zeros((E,), dtype=jnp.float32)
    # stacked expert params: fc1 [E, D, D], fc2 [E, D, D]
    fc1_W = jax.random.normal(ks[2], (E, D, D), dtype=jnp.float32) * (1.0 / np.sqrt(D))
    fc1_b = jax.random.normal(ks[3], (E, D), dtype=jnp.float32) * 0.01
    fc2_W = jax.random.normal(ks[4], (E, D, D), dtype=jnp.float32) * (1.0 / np.sqrt(D))
    fc2_b = jax.random.normal(ks[5], (E, D), dtype=jnp.float32) * 0.01
    return {"x": x, "gate_W": gate_W, "gate_b": gate_b,
            "fc1_W": fc1_W, "fc1_b": fc1_b, "fc2_W": fc2_W, "fc2_b": fc2_b}


def reference(x, gate_W, gate_b, fc1_W, fc1_b, fc2_W, fc2_b):
    n = x.shape[0]
    # gating
    gate_logits = x @ gate_W + gate_b              # [N, E]
    gate_weights = jax.nn.softmax(gate_logits, axis=1)
    if TOP_K < E:
        topk_vals, topk_idx = jax.lax.top_k(gate_weights, TOP_K)  # [N, K]
        mask = jnp.zeros_like(gate_weights)
        rows = jnp.arange(n)[:, None]
        gate_weights = mask.at[rows, topk_idx].set(topk_vals)
    # dense expert computation: every expert on every token
    h = jnp.einsum('nd,edf->nef', x, fc1_W) + fc1_b[None, :, :]   # [N, E, D]
    h = jax.nn.relu(h)
    expert_outputs = jnp.einsum('nef,efg->neg', h, fc2_W) + fc2_b[None, :, :]  # [N, E, D]
    # weighted sum over experts
    output = jnp.sum(gate_weights[:, :, None] * expert_outputs, axis=1)  # [N, D]
    return output

if __name__ == "__main__":
    import jax
    _d = setup_inputs()
    print(jax.jit(kernel)(*tuple(_d.values())))

</pallas_src>

<mosaic_0001>
#map = affine_map<(d0, d1) -> (0, 0)>
#map1 = affine_map<(d0, d1) -> (0)>
module attributes {stable_mosaic.version = 14 : i64} {
  func.func @dispatch_k(%arg0: i32, %arg1: i32, %arg2: memref<4096x1024xf32, #tpu.memory_space<hbm>>, %arg3: memref<4096xi32, #tpu.memory_space<hbm>>, %arg4: memref<4096xi32, #tpu.memory_space<hbm>>, %arg5: memref<10240x1024xf32, #tpu.memory_space<hbm>>, %arg6: memref<32xi32, #tpu.memory_space<vmem>>, %arg7: memref<32xi32, #tpu.memory_space<vmem>>, %arg8: memref<32xi32, #tpu.memory_space<vmem>>, %arg9: memref<32xi32, #tpu.memory_space<vmem>>, %arg10: memref<32x1024xf32, #tpu.memory_space<vmem>>, %arg11: memref<32x1024xf32, #tpu.memory_space<vmem>>, %arg12: memref<!tpu.dma_semaphore, #tpu.memory_space<semaphore_mem>>, %arg13: memref<!tpu.dma_semaphore, #tpu.memory_space<semaphore_mem>>, %arg14: memref<!tpu.dma_semaphore, #tpu.memory_space<semaphore_mem>>, %arg15: memref<!tpu.dma_semaphore, #tpu.memory_space<semaphore_mem>>) attributes {dimension_semantics = [#tpu.dimension_semantics<core_parallel>, #tpu.dimension_semantics<subcore_parallel>], iteration_bounds = array<i64: 2, 16>, scalar_prefetch = 0 : i64, scratch_operands = 10 : i64, tpu.core_type = #tpu.core_type<sc_vector_subcore>, window_params = [{transform_indices = #map}, {transform_indices = #map1}, {transform_indices = #map1}, {transform_indices = #map}]} {
    %mul3A = arith.constant 2 : i32
    %mul3A_0 = arith.muli %arg1, %mul3A : i32
    %add3A = arith.addi %mul3A_0, %arg0 : i32
    %mul3A_1 = arith.constant 128 : i32
    %mul3A_2 = arith.muli %add3A, %mul3A_1 : i32
    %add3A_3 = arith.constant 0 : i32
    %add3A_4 = arith.addi %mul3A_2, %add3A_3 : i32
    "tpu.region"() ({
      %run_scoped3A = tpu.sem_alloc : memref<!tpu.dma_semaphore, #tpu.memory_space<semaphore_mem>>
      %dma_start3A_57 = arith.constant 0 : i32
      %dma_start3A_58 = tpu.memref_slice %arg2[%add3A_4, %dma_start3A_57] : memref<4096x1024xf32, #tpu.memory_space<hbm>> -> memref<32x1024xf32, #tpu.memory_space<hbm>>
      %dma_start3A_59 = arith.constant 0 : i32
      %dma_start3A_60 = tpu.memref_slice %arg2[%add3A_4, %dma_start3A_59] : memref<4096x1024xf32, #tpu.memory_space<hbm>> -> memref<32x1024xf32, #tpu.memory_space<hbm>>
      tpu.enqueue_dma source(%dma_start3A_60 : memref<32x1024xf32, #tpu.memory_space<hbm>>) target(%arg10 : memref<32x1024xf32, #tpu.memory_space<vmem>>) target_semaphore(%run_scoped3A : memref<!tpu.dma_semaphore, #tpu.memory_space<semaphore_mem>>)
      %dma_wait3A_61 = arith.constant 0 : i32
      %dma_wait3A_62 = tpu.memref_slice %arg2[%add3A_4, %dma_wait3A_61] : memref<4096x1024xf32, #tpu.memory_space<hbm>> -> memref<32x1024xf32, #tpu.memory_space<hbm>>
      %dma_wait3A_63 = arith.constant 0 : i32
      %dma_wait3A_64 = tpu.memref_slice %arg2[%add3A_4, %dma_wait3A_63] : memref<4096x1024xf32, #tpu.memory_space<hbm>> -> memref<32x1024xf32, #tpu.memory_space<hbm>>
      tpu.wait_dma2 semaphore(%run_scoped3A : memref<!tpu.dma_semaphore, #tpu.memory_space<semaphore_mem>>) src(%dma_wait3A_64 : memref<32x1024xf32, #tpu.memory_space<hbm>>) dst(%arg10 : memref<32x1024xf32, #tpu.memory_space<vmem>>)
      tpu.yield
    }) : () -> ()
    "tpu.region"() ({
      %run_scoped3A = tpu.sem_alloc : memref<!tpu.dma_semaphore, #tpu.memory_space<semaphore_mem>>
      %dma_start3A_57 = tpu.memref_slice %arg3[%add3A_4] : memref<4096xi32, #tpu.memory_space<hbm>> -> memref<32xi32, #tpu.memory_space<hbm>>
      %dma_start3A_58 = tpu.memref_slice %arg3[%add3A_4] : memref<4096xi32, #tpu.memory_space<hbm>> -> memref<32xi32, #tpu.memory_space<hbm>>
      tpu.enqueue_dma source(%dma_start3A_58 : memref<32xi32, #tpu.memory_space<hbm>>) target(%arg6 : memref<32xi32, #tpu.memory_space<vmem>>) target_semaphore(%run_scoped3A : memref<!tpu.dma_semaphore, #tpu.memory_space<semaphore_mem>>)
      %dma_wait3A_59 = tpu.memref_slice %arg3[%add3A_4] : memref<4096xi32, #tpu.memory_space<hbm>> -> memref<32xi32, #tpu.memory_space<hbm>>
      %dma_wait3A_60 = tpu.memref_slice %arg3[%add3A_4] : memref<4096xi32, #tpu.memory_space<hbm>> -> memref<32xi32, #tpu.memory_space<hbm>>
      tpu.wait_dma2 semaphore(%run_scoped3A : memref<!tpu.dma_semaphore, #tpu.memory_space<semaphore_mem>>) src(%dma_wait3A_60 : memref<32xi32, #tpu.memory_space<hbm>>) dst(%arg6 : memref<32xi32, #tpu.memory_space<vmem>>)
      tpu.yield
    }) : () -> ()
    "tpu.region"() ({
      %run_scoped3A = tpu.sem_alloc : memref<!tpu.dma_semaphore, #tpu.memory_space<semaphore_mem>>
      %dma_start3A_57 = tpu.memref_slice %arg4[%add3A_4] : memref<4096xi32, #tpu.memory_space<hbm>> -> memref<32xi32, #tpu.memory_space<hbm>>
      %dma_start3A_58 = tpu.memref_slice %arg4[%add3A_4] : memref<4096xi32, #tpu.memory_space<hbm>> -> memref<32xi32, #tpu.memory_space<hbm>>
      tpu.enqueue_dma source(%dma_start3A_58 : memref<32xi32, #tpu.memory_space<hbm>>) target(%arg8 : memref<32xi32, #tpu.memory_space<vmem>>) target_semaphore(%run_scoped3A : memref<!tpu.dma_semaphore, #tpu.memory_space<semaphore_mem>>)
      %dma_wait3A_59 = tpu.memref_slice %arg4[%add3A_4] : memref<4096xi32, #tpu.memory_space<hbm>> -> memref<32xi32, #tpu.memory_space<hbm>>
      %dma_wait3A_60 = tpu.memref_slice %arg4[%add3A_4] : memref<4096xi32, #tpu.memory_space<hbm>> -> memref<32xi32, #tpu.memory_space<hbm>>
      tpu.wait_dma2 semaphore(%run_scoped3A : memref<!tpu.dma_semaphore, #tpu.memory_space<semaphore_mem>>) src(%dma_wait3A_60 : memref<32xi32, #tpu.memory_space<hbm>>) dst(%arg8 : memref<32xi32, #tpu.memory_space<vmem>>)
      tpu.yield
    }) : () -> ()
    %dma_start3A = arith.constant 0 : i32
    %dma_start3A_5 = arith.constant 0 : i32
    %dma_start3A_6 = tpu.memref_slice %arg5[%dma_start3A, %dma_start3A_5] : memref<10240x1024xf32, #tpu.memory_space<hbm>> -> memref<10240x1024xf32, #tpu.memory_space<hbm>>
    tpu.enqueue_indirect_dma source(%arg10 : memref<32x1024xf32, #tpu.memory_space<vmem>>) target(%dma_start3A_6 : memref<10240x1024xf32, #tpu.memory_space<hbm>>) offsets(%arg6 : memref<32xi32, #tpu.memory_space<vmem>>) semaphore(%arg12 : memref<!tpu.dma_semaphore, #tpu.memory_space<semaphore_mem>>)
    %dma_start3A_7 = arith.constant 0 : i32
    %dma_start3A_8 = arith.constant 0 : i32
    %dma_start3A_9 = tpu.memref_slice %arg5[%dma_start3A_7, %dma_start3A_8] : memref<10240x1024xf32, #tpu.memory_space<hbm>> -> memref<10240x1024xf32, #tpu.memory_space<hbm>>
    tpu.enqueue_indirect_dma source(%arg10 : memref<32x1024xf32, #tpu.memory_space<vmem>>) target(%dma_start3A_9 : memref<10240x1024xf32, #tpu.memory_space<hbm>>) offsets(%arg8 : memref<32xi32, #tpu.memory_space<vmem>>) semaphore(%arg14 : memref<!tpu.dma_semaphore, #tpu.memory_space<semaphore_mem>>)
    %add3A_10 = arith.constant 32 : i32
    %add3A_11 = arith.addi %mul3A_2, %add3A_10 : i32
    "tpu.region"() ({
      %run_scoped3A = tpu.sem_alloc : memref<!tpu.dma_semaphore, #tpu.memory_space<semaphore_mem>>
      %dma_start3A_57 = arith.constant 0 : i32
      %dma_start3A_58 = tpu.memref_slice %arg2[%add3A_11, %dma_start3A_57] : memref<4096x1024xf32, #tpu.memory_space<hbm>> -> memref<32x1024xf32, #tpu.memory_space<hbm>>
      %dma_start3A_59 = arith.constant 0 : i32
      %dma_start3A_60 = tpu.memref_slice %arg2[%add3A_11, %dma_start3A_59] : memref<4096x1024xf32, #tpu.memory_space<hbm>> -> memref<32x1024xf32, #tpu.memory_space<hbm>>
      tpu.enqueue_dma source(%dma_start3A_60 : memref<32x1024xf32, #tpu.memory_space<hbm>>) target(%arg11 : memref<32x1024xf32, #tpu.memory_space<vmem>>) target_semaphore(%run_scoped3A : memref<!tpu.dma_semaphore, #tpu.memory_space<semaphore_mem>>)
      %dma_wait3A_61 = arith.constant 0 : i32
      %dma_wait3A_62 = tpu.memref_slice %arg2[%add3A_11, %dma_wait3A_61] : memref<4096x1024xf32, #tpu.memory_space<hbm>> -> memref<32x1024xf32, #tpu.memory_space<hbm>>
      %dma_wait3A_63 = arith.constant 0 : i32
      %dma_wait3A_64 = tpu.memref_slice %arg2[%add3A_11, %dma_wait3A_63] : memref<4096x1024xf32, #tpu.memory_space<hbm>> -> memref<32x1024xf32, #tpu.memory_space<hbm>>
      tpu.wait_dma2 semaphore(%run_scoped3A : memref<!tpu.dma_semaphore, #tpu.memory_space<semaphore_mem>>) src(%dma_wait3A_64 : memref<32x1024xf32, #tpu.memory_space<hbm>>) dst(%arg11 : memref<32x1024xf32, #tpu.memory_space<vmem>>)
      tpu.yield
    }) : () -> ()
    "tpu.region"() ({
      %run_scoped3A = tpu.sem_alloc : memref<!tpu.dma_semaphore, #tpu.memory_space<semaphore_mem>>
      %dma_start3A_57 = tpu.memref_slice %arg3[%add3A_11] : memref<4096xi32, #tpu.memory_space<hbm>> -> memref<32xi32, #tpu.memory_space<hbm>>
      %dma_start3A_58 = tpu.memref_slice %arg3[%add3A_11] : memref<4096xi32, #tpu.memory_space<hbm>> -> memref<32xi32, #tpu.memory_space<hbm>>
      tpu.enqueue_dma source(%dma_start3A_58 : memref<32xi32, #tpu.memory_space<hbm>>) target(%arg7 : memref<32xi32, #tpu.memory_space<vmem>>) target_semaphore(%run_scoped3A : memref<!tpu.dma_semaphore, #tpu.memory_space<semaphore_mem>>)
      %dma_wait3A_59 = tpu.memref_slice %arg3[%add3A_11] : memref<4096xi32, #tpu.memory_space<hbm>> -> memref<32xi32, #tpu.memory_space<hbm>>
      %dma_wait3A_60 = tpu.memref_slice %arg3[%add3A_11] : memref<4096xi32, #tpu.memory_space<hbm>> -> memref<32xi32, #tpu.memory_space<hbm>>
      tpu.wait_dma2 semaphore(%run_scoped3A : memref<!tpu.dma_semaphore, #tpu.memory_space<semaphore_mem>>) src(%dma_wait3A_60 : memref<32xi32, #tpu.memory_space<hbm>>) dst(%arg7 : memref<32xi32, #tpu.memory_space<vmem>>)
      tpu.yield
    }) : () -> ()
    "tpu.region"() ({
      %run_scoped3A = tpu.sem_alloc : memref<!tpu.dma_semaphore, #tpu.memory_space<semaphore_mem>>
      %dma_start3A_57 = tpu.memref_slice %arg4[%add3A_11] : memref<4096xi32, #tpu.memory_space<hbm>> -> memref<32xi32, #tpu.memory_space<hbm>>
      %dma_start3A_58 = tpu.memref_slice %arg4[%add3A_11] : memref<4096xi32, #tpu.memory_space<hbm>> -> memref<32xi32, #tpu.memory_space<hbm>>
      tpu.enqueue_dma source(%dma_start3A_58 : memref<32xi32, #tpu.memory_space<hbm>>) target(%arg9 : memref<32xi32, #tpu.memory_space<vmem>>) target_semaphore(%run_scoped3A : memref<!tpu.dma_semaphore, #tpu.memory_space<semaphore_mem>>)
      %dma_wait3A_59 = tpu.memref_slice %arg4[%add3A_11] : memref<4096xi32, #tpu.memory_space<hbm>> -> memref<32xi32, #tpu.memory_space<hbm>>
      %dma_wait3A_60 = tpu.memref_slice %arg4[%add3A_11] : memref<4096xi32, #tpu.memory_space<hbm>> -> memref<32xi32, #tpu.memory_space<hbm>>
      tpu.wait_dma2 semaphore(%run_scoped3A : memref<!tpu.dma_semaphore, #tpu.memory_space<semaphore_mem>>) src(%dma_wait3A_60 : memref<32xi32, #tpu.memory_space<hbm>>) dst(%arg9 : memref<32xi32, #tpu.memory_space<vmem>>)
      tpu.yield
    }) : () -> ()
    %dma_start3A_12 = arith.constant 0 : i32
    %dma_start3A_13 = arith.constant 0 : i32
    %dma_start3A_14 = tpu.memref_slice %arg5[%dma_start3A_12, %dma_start3A_13] : memref<10240x1024xf32, #tpu.memory_space<hbm>> -> memref<10240x1024xf32, #tpu.memory_space<hbm>>
    tpu.enqueue_indirect_dma source(%arg11 : memref<32x1024xf32, #tpu.memory_space<vmem>>) target(%dma_start3A_14 : memref<10240x1024xf32, #tpu.memory_space<hbm>>) offsets(%arg7 : memref<32xi32, #tpu.memory_space<vmem>>) semaphore(%arg13 : memref<!tpu.dma_semaphore, #tpu.memory_space<semaphore_mem>>)
    %dma_start3A_15 = arith.constant 0 : i32
    %dma_start3A_16 = arith.constant 0 : i32
    %dma_start3A_17 = tpu.memref_slice %arg5[%dma_start3A_15, %dma_start3A_16] : memref<10240x1024xf32, #tpu.memory_space<hbm>> -> memref<10240x1024xf32, #tpu.memory_space<hbm>>
    tpu.enqueue_indirect_dma source(%arg11 : memref<32x1024xf32, #tpu.memory_space<vmem>>) target(%dma_start3A_17 : memref<10240x1024xf32, #tpu.memory_space<hbm>>) offsets(%arg9 : memref<32xi32, #tpu.memory_space<vmem>>) semaphore(%arg15 : memref<!tpu.dma_semaphore, #tpu.memory_space<semaphore_mem>>)
    %dma_wait3A = arith.constant 0 : i32
    %dma_wait3A_18 = arith.constant 0 : i32
    %dma_wait3A_19 = tpu.memref_slice %arg5[%dma_wait3A, %dma_wait3A_18] : memref<10240x1024xf32, #tpu.memory_space<hbm>> -> memref<10240x1024xf32, #tpu.memory_space<hbm>>
    tpu.wait_indirect_dma semaphore(%arg12 : memref<!tpu.dma_semaphore, #tpu.memory_space<semaphore_mem>>) src(%arg10 : memref<32x1024xf32, #tpu.memory_space<vmem>>) dst(%dma_wait3A_19 : memref<10240x1024xf32, #tpu.memory_space<hbm>>)
    %dma_wait3A_20 = arith.constant 0 : i32
    %dma_wait3A_21 = arith.constant 0 : i32
    %dma_wait3A_22 = tpu.memref_slice %arg5[%dma_wait3A_20, %dma_wait3A_21] : memref<10240x1024xf32, #tpu.memory_space<hbm>> -> memref<10240x1024xf32, #tpu.memory_space<hbm>>
    tpu.wait_indirect_dma semaphore(%arg14 : memref<!tpu.dma_semaphore, #tpu.memory_space<semaphore_mem>>) src(%arg10 : memref<32x1024xf32, #tpu.memory_space<vmem>>) dst(%dma_wait3A_22 : memref<10240x1024xf32, #tpu.memory_space<hbm>>)
    %add3A_23 = arith.constant 64 : i32
    %add3A_24 = arith.addi %mul3A_2, %add3A_23 : i32
    "tpu.region"() ({
      %run_scoped3A = tpu.sem_alloc : memref<!tpu.dma_semaphore, #tpu.memory_space<semaphore_mem>>
      %dma_start3A_57 = arith.constant 0 : i32
      %dma_start3A_58 = tpu.memref_slice %arg2[%add3A_24, %dma_start3A_57] : memref<4096x1024xf32, #tpu.memory_space<hbm>> -> memref<32x1024xf32, #tpu.memory_space<hbm>>
      %dma_start3A_59 = arith.constant 0 : i32
      %dma_start3A_60 = tpu.memref_slice %arg2[%add3A_24, %dma_start3A_59] : memref<4096x1024xf32, #tpu.memory_space<hbm>> -> memref<32x1024xf32, #tpu.memory_space<hbm>>
      tpu.enqueue_dma source(%dma_start3A_60 : memref<32x1024xf32, #tpu.memory_space<hbm>>) target(%arg10 : memref<32x1024xf32, #tpu.memory_space<vmem>>) target_semaphore(%run_scoped3A : memref<!tpu.dma_semaphore, #tpu.memory_space<semaphore_mem>>)
      %dma_wait3A_61 = arith.constant 0 : i32
      %dma_wait3A_62 = tpu.memref_slice %arg2[%add3A_24, %dma_wait3A_61] : memref<4096x1024xf32, #tpu.memory_space<hbm>> -> memref<32x1024xf32, #tpu.memory_space<hbm>>
      %dma_wait3A_63 = arith.constant 0 : i32
      %dma_wait3A_64 = tpu.memref_slice %arg2[%add3A_24, %dma_wait3A_63] : memref<4096x1024xf32, #tpu.memory_space<hbm>> -> memref<32x1024xf32, #tpu.memory_space<hbm>>
      tpu.wait_dma2 semaphore(%run_scoped3A : memref<!tpu.dma_semaphore, #tpu.memory_space<semaphore_mem>>) src(%dma_wait3A_64 : memref<32x1024xf32, #tpu.memory_space<hbm>>) dst(%arg10 : memref<32x1024xf32, #tpu.memory_space<vmem>>)
      tpu.yield
    }) : () -> ()
    "tpu.region"() ({
      %run_scoped3A = tpu.sem_alloc : memref<!tpu.dma_semaphore, #tpu.memory_space<semaphore_mem>>
      %dma_start3A_57 = tpu.memref_slice %arg3[%add3A_24] : memref<4096xi32, #tpu.memory_space<hbm>> -> memref<32xi32, #tpu.memory_space<hbm>>
      %dma_start3A_58 = tpu.memref_slice %arg3[%add3A_24] : memref<4096xi32, #tpu.memory_space<hbm>> -> memref<32xi32, #tpu.memory_space<hbm>>
      tpu.enqueue_dma source(%dma_start3A_58 : memref<32xi32, #tpu.memory_space<hbm>>) target(%arg6 : memref<32xi32, #tpu.memory_space<vmem>>) target_semaphore(%run_scoped3A : memref<!tpu.dma_semaphore, #tpu.memory_space<semaphore_mem>>)
      %dma_wait3A_59 = tpu.memref_slice %arg3[%add3A_24] : memref<4096xi32, #tpu.memory_space<hbm>> -> memref<32xi32, #tpu.memory_space<hbm>>
      %dma_wait3A_60 = tpu.memref_slice %arg3[%add3A_24] : memref<4096xi32, #tpu.memory_space<hbm>> -> memref<32xi32, #tpu.memory_space<hbm>>
      tpu.wait_dma2 semaphore(%run_scoped3A : memref<!tpu.dma_semaphore, #tpu.memory_space<semaphore_mem>>) src(%dma_wait3A_60 : memref<32xi32, #tpu.memory_space<hbm>>) dst(%arg6 : memref<32xi32, #tpu.memory_space<vmem>>)
      tpu.yield
    }) : () -> ()
    "tpu.region"() ({
      %run_scoped3A = tpu.sem_alloc : memref<!tpu.dma_semaphore, #tpu.memory_space<semaphore_mem>>
      %dma_start3A_57 = tpu.memref_slice %arg4[%add3A_24] : memref<4096xi32, #tpu.memory_space<hbm>> -> memref<32xi32, #tpu.memory_space<hbm>>
      %dma_start3A_58 = tpu.memref_slice %arg4[%add3A_24] : memref<4096xi32, #tpu.memory_space<hbm>> -> memref<32xi32, #tpu.memory_space<hbm>>
      tpu.enqueue_dma source(%dma_start3A_58 : memref<32xi32, #tpu.memory_space<hbm>>) target(%arg8 : memref<32xi32, #tpu.memory_space<vmem>>) target_semaphore(%run_scoped3A : memref<!tpu.dma_semaphore, #tpu.memory_space<semaphore_mem>>)
      %dma_wait3A_59 = tpu.memref_slice %arg4[%add3A_24] : memref<4096xi32, #tpu.memory_space<hbm>> -> memref<32xi32, #tpu.memory_space<hbm>>
      %dma_wait3A_60 = tpu.memref_slice %arg4[%add3A_24] : memref<4096xi32, #tpu.memory_space<hbm>> -> memref<32xi32, #tpu.memory_space<hbm>>
      tpu.wait_dma2 semaphore(%run_scoped3A : memref<!tpu.dma_semaphore, #tpu.memory_space<semaphore_mem>>) src(%dma_wait3A_60 : memref<32xi32, #tpu.memory_space<hbm>>) dst(%arg8 : memref<32xi32, #tpu.memory_space<vmem>>)
      tpu.yield
    }) : () -> ()
    %dma_start3A_25 = arith.constant 0 : i32
    %dma_start3A_26 = arith.constant 0 : i32
    %dma_start3A_27 = tpu.memref_slice %arg5[%dma_start3A_25, %dma_start3A_26] : memref<10240x1024xf32, #tpu.memory_space<hbm>> -> memref<10240x1024xf32, #tpu.memory_space<hbm>>
    tpu.enqueue_indirect_dma source(%arg10 : memref<32x1024xf32, #tpu.memory_space<vmem>>) target(%dma_start3A_27 : memref<10240x1024xf32, #tpu.memory_space<hbm>>) offsets(%arg6 : memref<32xi32, #tpu.memory_space<vmem>>) semaphore(%arg12 : memref<!tpu.dma_semaphore, #tpu.memory_space<semaphore_mem>>)
    %dma_start3A_28 = arith.constant 0 : i32
    %dma_start3A_29 = arith.constant 0 : i32
    %dma_start3A_30 = tpu.memref_slice %arg5[%dma_start3A_28, %dma_start3A_29] : memref<10240x1024xf32, #tpu.memory_space<hbm>> -> memref<10240x1024xf32, #tpu.memory_space<hbm>>
    tpu.enqueue_indirect_dma source(%arg10 : memref<32x1024xf32, #tpu.memory_space<vmem>>) target(%dma_start3A_30 : memref<10240x1024xf32, #tpu.memory_space<hbm>>) offsets(%arg8 : memref<32xi32, #tpu.memory_space<vmem>>) semaphore(%arg14 : memref<!tpu.dma_semaphore, #tpu.memory_space<semaphore_mem>>)
    %dma_wait3A_31 = arith.constant 0 : i32
    %dma_wait3A_32 = arith.constant 0 : i32
    %dma_wait3A_33 = tpu.memref_slice %arg5[%dma_wait3A_31, %dma_wait3A_32] : memref<10240x1024xf32, #tpu.memory_space<hbm>> -> memref<10240x1024xf32, #tpu.memory_space<hbm>>
    tpu.wait_indirect_dma semaphore(%arg13 : memref<!tpu.dma_semaphore, #tpu.memory_space<semaphore_mem>>) src(%arg11 : memref<32x1024xf32, #tpu.memory_space<vmem>>) dst(%dma_wait3A_33 : memref<10240x1024xf32, #tpu.memory_space<hbm>>)
    %dma_wait3A_34 = arith.constant 0 : i32
    %dma_wait3A_35 = arith.constant 0 : i32
    %dma_wait3A_36 = tpu.memref_slice %arg5[%dma_wait3A_34, %dma_wait3A_35] : memref<10240x1024xf32, #tpu.memory_space<hbm>> -> memref<10240x1024xf32, #tpu.memory_space<hbm>>
    tpu.wait_indirect_dma semaphore(%arg15 : memref<!tpu.dma_semaphore, #tpu.memory_space<semaphore_mem>>) src(%arg11 : memref<32x1024xf32, #tpu.memory_space<vmem>>) dst(%dma_wait3A_36 : memref<10240x1024xf32, #tpu.memory_space<hbm>>)
    %add3A_37 = arith.constant 96 : i32
    %add3A_38 = arith.addi %mul3A_2, %add3A_37 : i32
    "tpu.region"() ({
      %run_scoped3A = tpu.sem_alloc : memref<!tpu.dma_semaphore, #tpu.memory_space<semaphore_mem>>
      %dma_start3A_57 = arith.constant 0 : i32
      %dma_start3A_58 = tpu.memref_slice %arg2[%add3A_38, %dma_start3A_57] : memref<4096x1024xf32, #tpu.memory_space<hbm>> -> memref<32x1024xf32, #tpu.memory_space<hbm>>
      %dma_start3A_59 = arith.constant 0 : i32
      %dma_start3A_60 = tpu.memref_slice %arg2[%add3A_38, %dma_start3A_59] : memref<4096x1024xf32, #tpu.memory_space<hbm>> -> memref<32x1024xf32, #tpu.memory_space<hbm>>
      tpu.enqueue_dma source(%dma_start3A_60 : memref<32x1024xf32, #tpu.memory_space<hbm>>) target(%arg11 : memref<32x1024xf32, #tpu.memory_space<vmem>>) target_semaphore(%run_scoped3A : memref<!tpu.dma_semaphore, #tpu.memory_space<semaphore_mem>>)
      %dma_wait3A_61 = arith.constant 0 : i32
      %dma_wait3A_62 = tpu.memref_slice %arg2[%add3A_38, %dma_wait3A_61] : memref<4096x1024xf32, #tpu.memory_space<hbm>> -> memref<32x1024xf32, #tpu.memory_space<hbm>>
      %dma_wait3A_63 = arith.constant 0 : i32
      %dma_wait3A_64 = tpu.memref_slice %arg2[%add3A_38, %dma_wait3A_63] : memref<4096x1024xf32, #tpu.memory_space<hbm>> -> memref<32x1024xf32, #tpu.memory_space<hbm>>
      tpu.wait_dma2 semaphore(%run_scoped3A : memref<!tpu.dma_semaphore, #tpu.memory_space<semaphore_mem>>) src(%dma_wait3A_64 : memref<32x1024xf32, #tpu.memory_space<hbm>>) dst(%arg11 : memref<32x1024xf32, #tpu.memory_space<vmem>>)
      tpu.yield
    }) : () -> ()
    "tpu.region"() ({
      %run_scoped3A = tpu.sem_alloc : memref<!tpu.dma_semaphore, #tpu.memory_space<semaphore_mem>>
      %dma_start3A_57 = tpu.memref_slice %arg3[%add3A_38] : memref<4096xi32, #tpu.memory_space<hbm>> -> memref<32xi32, #tpu.memory_space<hbm>>
      %dma_start3A_58 = tpu.memref_slice %arg3[%add3A_38] : memref<4096xi32, #tpu.memory_space<hbm>> -> memref<32xi32, #tpu.memory_space<hbm>>
      tpu.enqueue_dma source(%dma_start3A_58 : memref<32xi32, #tpu.memory_space<hbm>>) target(%arg7 : memref<32xi32, #tpu.memory_space<vmem>>) target_semaphore(%run_scoped3A : memref<!tpu.dma_semaphore, #tpu.memory_space<semaphore_mem>>)
      %dma_wait3A_59 = tpu.memref_slice %arg3[%add3A_38] : memref<4096xi32, #tpu.memory_space<hbm>> -> memref<32xi32, #tpu.memory_space<hbm>>
      %dma_wait3A_60 = tpu.memref_slice %arg3[%add3A_38] : memref<4096xi32, #tpu.memory_space<hbm>> -> memref<32xi32, #tpu.memory_space<hbm>>
      tpu.wait_dma2 semaphore(%run_scoped3A : memref<!tpu.dma_semaphore, #tpu.memory_space<semaphore_mem>>) src(%dma_wait3A_60 : memref<32xi32, #tpu.memory_space<hbm>>) dst(%arg7 : memref<32xi32, #tpu.memory_space<vmem>>)
      tpu.yield
    }) : () -> ()
    "tpu.region"() ({
      %run_scoped3A = tpu.sem_alloc : memref<!tpu.dma_semaphore, #tpu.memory_space<semaphore_mem>>
      %dma_start3A_57 = tpu.memref_slice %arg4[%add3A_38] : memref<4096xi32, #tpu.memory_space<hbm>> -> memref<32xi32, #tpu.memory_space<hbm>>
      %dma_start3A_58 = tpu.memref_slice %arg4[%add3A_38] : memref<4096xi32, #tpu.memory_space<hbm>> -> memref<32xi32, #tpu.memory_space<hbm>>
      tpu.enqueue_dma source(%dma_start3A_58 : memref<32xi32, #tpu.memory_space<hbm>>) target(%arg9 : memref<32xi32, #tpu.memory_space<vmem>>) target_semaphore(%run_scoped3A : memref<!tpu.dma_semaphore, #tpu.memory_space<semaphore_mem>>)
      %dma_wait3A_59 = tpu.memref_slice %arg4[%add3A_38] : memref<4096xi32, #tpu.memory_space<hbm>> -> memref<32xi32, #tpu.memory_space<hbm>>
      %dma_wait3A_60 = tpu.memref_slice %arg4[%add3A_38] : memref<4096xi32, #tpu.memory_space<hbm>> -> memref<32xi32, #tpu.memory_space<hbm>>
      tpu.wait_dma2 semaphore(%run_scoped3A : memref<!tpu.dma_semaphore, #tpu.memory_space<semaphore_mem>>) src(%dma_wait3A_60 : memref<32xi32, #tpu.memory_space<hbm>>) dst(%arg9 : memref<32xi32, #tpu.memory_space<vmem>>)
      tpu.yield
    }) : () -> ()
    %dma_start3A_39 = arith.constant 0 : i32
    %dma_start3A_40 = arith.constant 0 : i32
    %dma_start3A_41 = tpu.memref_slice %arg5[%dma_start3A_39, %dma_start3A_40] : memref<10240x1024xf32, #tpu.memory_space<hbm>> -> memref<10240x1024xf32, #tpu.memory_space<hbm>>
    tpu.enqueue_indirect_dma source(%arg11 : memref<32x1024xf32, #tpu.memory_space<vmem>>) target(%dma_start3A_41 : memref<10240x1024xf32, #tpu.memory_space<hbm>>) offsets(%arg7 : memref<32xi32, #tpu.memory_space<vmem>>) semaphore(%arg13 : memref<!tpu.dma_semaphore, #tpu.memory_space<semaphore_mem>>)
    %dma_start3A_42 = arith.constant 0 : i32
    %dma_start3A_43 = arith.constant 0 : i32
    %dma_start3A_44 = tpu.memref_slice %arg5[%dma_start3A_42, %dma_start3A_43] : memref<10240x1024xf32, #tpu.memory_space<hbm>> -> memref<10240x1024xf32, #tpu.memory_space<hbm>>
    tpu.enqueue_indirect_dma source(%arg11 : memref<32x1024xf32, #tpu.memory_space<vmem>>) target(%dma_start3A_44 : memref<10240x1024xf32, #tpu.memory_space<hbm>>) offsets(%arg9 : memref<32xi32, #tpu.memory_space<vmem>>) semaphore(%arg15 : memref<!tpu.dma_semaphore, #tpu.memory_space<semaphore_mem>>)
    %dma_wait3A_45 = arith.constant 0 : i32
    %dma_wait3A_46 = arith.constant 0 : i32
    %dma_wait3A_47 = tpu.memref_slice %arg5[%dma_wait3A_45, %dma_wait3A_46] : memref<10240x1024xf32, #tpu.memory_space<hbm>> -> memref<10240x1024xf32, #tpu.memory_space<hbm>>
    tpu.wait_indirect_dma semaphore(%arg12 : memref<!tpu.dma_semaphore, #tpu.memory_space<semaphore_mem>>) src(%arg10 : memref<32x1024xf32, #tpu.memory_space<vmem>>) dst(%dma_wait3A_47 : memref<10240x1024xf32, #tpu.memory_space<hbm>>)
    %dma_wait3A_48 = arith.constant 0 : i32
    %dma_wait3A_49 = arith.constant 0 : i32
    %dma_wait3A_50 = tpu.memref_slice %arg5[%dma_wait3A_48, %dma_wait3A_49] : memref<10240x1024xf32, #tpu.memory_space<hbm>> -> memref<10240x1024xf32, #tpu.memory_space<hbm>>
    tpu.wait_indirect_dma semaphore(%arg14 : memref<!tpu.dma_semaphore, #tpu.memory_space<semaphore_mem>>) src(%arg10 : memref<32x1024xf32, #tpu.memory_space<vmem>>) dst(%dma_wait3A_50 : memref<10240x1024xf32, #tpu.memory_space<hbm>>)
    %dma_wait3A_51 = arith.constant 0 : i32
    %dma_wait3A_52 = arith.constant 0 : i32
    %dma_wait3A_53 = tpu.memref_slice %arg5[%dma_wait3A_51, %dma_wait3A_52] : memref<10240x1024xf32, #tpu.memory_space<hbm>> -> memref<10240x1024xf32, #tpu.memory_space<hbm>>
    tpu.wait_indirect_dma semaphore(%arg13 : memref<!tpu.dma_semaphore, #tpu.memory_space<semaphore_mem>>) src(%arg11 : memref<32x1024xf32, #tpu.memory_space<vmem>>) dst(%dma_wait3A_53 : memref<10240x1024xf32, #tpu.memory_space<hbm>>)
    %dma_wait3A_54 = arith.constant 0 : i32
    %dma_wait3A_55 = arith.constant 0 : i32
    %dma_wait3A_56 = tpu.memref_slice %arg5[%dma_wait3A_54, %dma_wait3A_55] : memref<10240x1024xf32, #tpu.memory_space<hbm>> -> memref<10240x1024xf32, #tpu.memory_space<hbm>>
    tpu.wait_indirect_dma semaphore(%arg15 : memref<!tpu.dma_semaphore, #tpu.memory_space<semaphore_mem>>) src(%arg11 : memref<32x1024xf32, #tpu.memory_space<vmem>>) dst(%dma_wait3A_56 : memref<10240x1024xf32, #tpu.memory_space<hbm>>)
    return
  }
}

#map = affine_map<(d0, d1) -> (0, 0)>
#map1 = affine_map<(d0, d1) -> (0)>
module attributes {stable_mosaic.version = 14 : i64} {
  func.func @scatter_k(%arg0: i32, %arg1: i32, %arg2: memref<10240x1024xf32, #tpu.memory_space<hbm>>, %arg3: memref<10240xi32, #tpu.memory_space<hbm>>, %arg4: memref<8704x1024xf32, #tpu.memory_space<hbm>>, %arg5: memref<40xi32, #tpu.memory_space<vmem>>, %arg6: memref<40xi32, #tpu.memory_space<vmem>>, %arg7: memref<40x1024xf32, #tpu.memory_space<vmem>>, %arg8: memref<40x1024xf32, #tpu.memory_space<vmem>>, %arg9: memref<!tpu.dma_semaphore, #tpu.memory_space<semaphore_mem>>, %arg10: memref<!tpu.dma_semaphore, #tpu.memory_space<semaphore_mem>>) attributes {dimension_semantics = [#tpu.dimension_semantics<core_parallel>, #tpu.dimension_semantics<subcore_parallel>], iteration_bounds = array<i64: 2, 16>, scalar_prefetch = 0 : i64, scratch_operands = 6 : i64, tpu.core_type = #tpu.core_type<sc_vector_subcore>, window_params = [{transform_indices = #map}, {transform_indices = #map1}, {transform_indices = #map}]} {
    %mul3A = arith.constant 2 : i32
    %mul3A_0 = arith.muli %arg1, %mul3A : i32
    %add3A = arith.addi %mul3A_0, %arg0 : i32
    %mul3A_1 = arith.constant 320 : i32
    %mul3A_2 = arith.muli %add3A, %mul3A_1 : i32
    %add3A_3 = arith.constant 0 : i32
    %add3A_4 = arith.addi %mul3A_2, %add3A_3 : i32
    "tpu.region"() ({
      %run_scoped3A = tpu.sem_alloc : memref<!tpu.dma_semaphore, #tpu.memory_space<semaphore_mem>>
      %dma_start3A_81 = arith.constant 0 : i32
      %dma_start3A_82 = tpu.memref_slice %arg2[%add3A_4, %dma_start3A_81] : memref<10240x1024xf32, #tpu.memory_space<hbm>> -> memref<40x1024xf32, #tpu.memory_space<hbm>>
      %dma_start3A_83 = arith.constant 0 : i32
      %dma_start3A_84 = tpu.memref_slice %arg2[%add3A_4, %dma_start3A_83] : memref<10240x1024xf32, #tpu.memory_space<hbm>> -> memref<40x1024xf32, #tpu.memory_space<hbm>>
      tpu.enqueue_dma source(%dma_start3A_84 : memref<40x1024xf32, #tpu.memory_space<hbm>>) target(%arg7 : memref<40x1024xf32, #tpu.memory_space<vmem>>) target_semaphore(%run_scoped3A : memref<!tpu.dma_semaphore, #tpu.memory_space<semaphore_mem>>)
      %dma_wait3A_85 = arith.constant 0 : i32
      %dma_wait3A_86 = tpu.memref_slice %arg2[%add3A_4, %dma_wait3A_85] : memref<10240x1024xf32, #tpu.memory_space<hbm>> -> memref<40x1024xf32, #tpu.memory_space<hbm>>
      %dma_wait3A_87 = arith.constant 0 : i32
      %dma_wait3A_88 = tpu.memref_slice %arg2[%add3A_4, %dma_wait3A_87] : memref<10240x1024xf32, #tpu.memory_space<hbm>> -> memref<40x1024xf32, #tpu.memory_space<hbm>>
      tpu.wait_dma2 semaphore(%run_scoped3A : memref<!tpu.dma_semaphore, #tpu.memory_space<semaphore_mem>>) src(%dma_wait3A_88 : memref<40x1024xf32, #tpu.memory_space<hbm>>) dst(%arg7 : memref<40x1024xf32, #tpu.memory_space<vmem>>)
      tpu.yield
    }) : () -> ()
    %add3A_5 = arith.constant 0 : i32
    %add3A_6 = arith.addi %mul3A_2, %add3A_5 : i32
    "tpu.region"() ({
      %run_scoped3A = tpu.sem_alloc : memref<!tpu.dma_semaphore, #tpu.memory_space<semaphore_mem>>
      %dma_start3A_81 = tpu.memref_slice %arg3[%add3A_6] : memref<10240xi32, #tpu.memory_space<hbm>> -> memref<40xi32, #tpu.memory_space<hbm>>
      %dma_start3A_82 = tpu.memref_slice %arg3[%add3A_6] : memref<10240xi32, #tpu.memory_space<hbm>> -> memref<40xi32, #tpu.memory_space<hbm>>
      tpu.enqueue_dma source(%dma_start3A_82 : memref<40xi32, #tpu.memory_space<hbm>>) target(%arg5 : memref<40xi32, #tpu.memory_space<vmem>>) target_semaphore(%run_scoped3A : memref<!tpu.dma_semaphore, #tpu.memory_space<semaphore_mem>>)
      %dma_wait3A_83 = tpu.memref_slice %arg3[%add3A_6] : memref<10240xi32, #tpu.memory_space<hbm>> -> memref<40xi32, #tpu.memory_space<hbm>>
      %dma_wait3A_84 = tpu.memref_slice %arg3[%add3A_6] : memref<10240xi32, #tpu.memory_space<hbm>> -> memref<40xi32, #tpu.memory_space<hbm>>
      tpu.wait_dma2 semaphore(%run_scoped3A : memref<!tpu.dma_semaphore, #tpu.memory_space<semaphore_mem>>) src(%dma_wait3A_84 : memref<40xi32, #tpu.memory_space<hbm>>) dst(%arg5 : memref<40xi32, #tpu.memory_space<vmem>>)
      tpu.yield
    }) : () -> ()
    %dma_start3A = arith.constant 0 : i32
    %dma_start3A_7 = arith.constant 0 : i32
    %dma_start3A_8 = tpu.memref_slice %arg4[%dma_start3A, %dma_start3A_7] : memref<8704x1024xf32, #tpu.memory_space<hbm>> -> memref<8704x1024xf32, #tpu.memory_space<hbm>>
    tpu.enqueue_indirect_dma source(%arg7 : memref<40x1024xf32, #tpu.memory_space<vmem>>) target(%dma_start3A_8 : memref<8704x1024xf32, #tpu.memory_space<hbm>>) offsets(%arg5 : memref<40xi32, #tpu.memory_space<vmem>>) semaphore(%arg9 : memref<!tpu.dma_semaphore, #tpu.memory_space<semaphore_mem>>)
    %add3A_9 = arith.constant 40 : i32
    %add3A_10 = arith.addi %mul3A_2, %add3A_9 : i32
    "tpu.region"() ({
      %run_scoped3A = tpu.sem_alloc : memref<!tpu.dma_semaphore, #tpu.memory_space<semaphore_mem>>
      %dma_start3A_81 = arith.constant 0 : i32
      %dma_start3A_82 = tpu.memref_slice %arg2[%add3A_10, %dma_start3A_81] : memref<10240x1024xf32, #tpu.memory_space<hbm>> -> memref<40x1024xf32, #tpu.memory_space<hbm>>
      %dma_start3A_83 = arith.constant 0 : i32
      %dma_start3A_84 = tpu.memref_slice %arg2[%add3A_10, %dma_start3A_83] : memref<10240x1024xf32, #tpu.memory_space<hbm>> -> memref<40x1024xf32, #tpu.memory_space<hbm>>
      tpu.enqueue_dma source(%dma_start3A_84 : memref<40x1024xf32, #tpu.memory_space<hbm>>) target(%arg8 : memref<40x1024xf32, #tpu.memory_space<vmem>>) target_semaphore(%run_scoped3A : memref<!tpu.dma_semaphore, #tpu.memory_space<semaphore_mem>>)
      %dma_wait3A_85 = arith.constant 0 : i32
      %dma_wait3A_86 = tpu.memref_slice %arg2[%add3A_10, %dma_wait3A_85] : memref<10240x1024xf32, #tpu.memory_space<hbm>> -> memref<40x1024xf32, #tpu.memory_space<hbm>>
      %dma_wait3A_87 = arith.constant 0 : i32
      %dma_wait3A_88 = tpu.memref_slice %arg2[%add3A_10, %dma_wait3A_87] : memref<10240x1024xf32, #tpu.memory_space<hbm>> -> memref<40x1024xf32, #tpu.memory_space<hbm>>
      tpu.wait_dma2 semaphore(%run_scoped3A : memref<!tpu.dma_semaphore, #tpu.memory_space<semaphore_mem>>) src(%dma_wait3A_88 : memref<40x1024xf32, #tpu.memory_space<hbm>>) dst(%arg8 : memref<40x1024xf32, #tpu.memory_space<vmem>>)
      tpu.yield
    }) : () -> ()
    %add3A_11 = arith.constant 40 : i32
    %add3A_12 = arith.addi %mul3A_2, %add3A_11 : i32
    "tpu.region"() ({
      %run_scoped3A = tpu.sem_alloc : memref<!tpu.dma_semaphore, #tpu.memory_space<semaphore_mem>>
      %dma_start3A_81 = tpu.memref_slice %arg3[%add3A_12] : memref<10240xi32, #tpu.memory_space<hbm>> -> memref<40xi32, #tpu.memory_space<hbm>>
      %dma_start3A_82 = tpu.memref_slice %arg3[%add3A_12] : memref<10240xi32, #tpu.memory_space<hbm>> -> memref<40xi32, #tpu.memory_space<hbm>>
      tpu.enqueue_dma source(%dma_start3A_82 : memref<40xi32, #tpu.memory_space<hbm>>) target(%arg6 : memref<40xi32, #tpu.memory_space<vmem>>) target_semaphore(%run_scoped3A : memref<!tpu.dma_semaphore, #tpu.memory_space<semaphore_mem>>)
      %dma_wait3A_83 = tpu.memref_slice %arg3[%add3A_12] : memref<10240xi32, #tpu.memory_space<hbm>> -> memref<40xi32, #tpu.memory_space<hbm>>
      %dma_wait3A_84 = tpu.memref_slice %arg3[%add3A_12] : memref<10240xi32, #tpu.memory_space<hbm>> -> memref<40xi32, #tpu.memory_space<hbm>>
      tpu.wait_dma2 semaphore(%run_scoped3A : memref<!tpu.dma_semaphore, #tpu.memory_space<semaphore_mem>>) src(%dma_wait3A_84 : memref<40xi32, #tpu.memory_space<hbm>>) dst(%arg6 : memref<40xi32, #tpu.memory_space<vmem>>)
      tpu.yield
    }) : () -> ()
    %dma_start3A_13 = arith.constant 0 : i32
    %dma_start3A_14 = arith.constant 0 : i32
    %dma_start3A_15 = tpu.memref_slice %arg4[%dma_start3A_13, %dma_start3A_14] : memref<8704x1024xf32, #tpu.memory_space<hbm>> -> memref<8704x1024xf32, #tpu.memory_space<hbm>>
    tpu.enqueue_indirect_dma source(%arg8 : memref<40x1024xf32, #tpu.memory_space<vmem>>) target(%dma_start3A_15 : memref<8704x1024xf32, #tpu.memory_space<hbm>>) offsets(%arg6 : memref<40xi32, #tpu.memory_space<vmem>>) semaphore(%arg10 : memref<!tpu.dma_semaphore, #tpu.memory_space<semaphore_mem>>)
    %dma_wait3A = arith.constant 0 : i32
    %dma_wait3A_16 = arith.constant 0 : i32
    %dma_wait3A_17 = tpu.memref_slice %arg4[%dma_wait3A, %dma_wait3A_16] : memref<8704x1024xf32, #tpu.memory_space<hbm>> -> memref<8704x1024xf32, #tpu.memory_space<hbm>>
    tpu.wait_indirect_dma semaphore(%arg9 : memref<!tpu.dma_semaphore, #tpu.memory_space<semaphore_mem>>) src(%arg7 : memref<40x1024xf32, #tpu.memory_space<vmem>>) dst(%dma_wait3A_17 : memref<8704x1024xf32, #tpu.memory_space<hbm>>)
    %add3A_18 = arith.constant 80 : i32
    %add3A_19 = arith.addi %mul3A_2, %add3A_18 : i32
    "tpu.region"() ({
      %run_scoped3A = tpu.sem_alloc : memref<!tpu.dma_semaphore, #tpu.memory_space<semaphore_mem>>
      %dma_start3A_81 = arith.constant 0 : i32
      %dma_start3A_82 = tpu.memref_slice %arg2[%add3A_19, %dma_start3A_81] : memref<10240x1024xf32, #tpu.memory_space<hbm>> -> memref<40x1024xf32, #tpu.memory_space<hbm>>
      %dma_start3A_83 = arith.constant 0 : i32
      %dma_start3A_84 = tpu.memref_slice %arg2[%add3A_19, %dma_start3A_83] : memref<10240x1024xf32, #tpu.memory_space<hbm>> -> memref<40x1024xf32, #tpu.memory_space<hbm>>
      tpu.enqueue_dma source(%dma_start3A_84 : memref<40x1024xf32, #tpu.memory_space<hbm>>) target(%arg7 : memref<40x1024xf32, #tpu.memory_space<vmem>>) target_semaphore(%run_scoped3A : memref<!tpu.dma_semaphore, #tpu.memory_space<semaphore_mem>>)
      %dma_wait3A_85 = arith.constant 0 : i32
      %dma_wait3A_86 = tpu.memref_slice %arg2[%add3A_19, %dma_wait3A_85] : memref<10240x1024xf32, #tpu.memory_space<hbm>> -> memref<40x1024xf32, #tpu.memory_space<hbm>>
      %dma_wait3A_87 = arith.constant 0 : i32
      %dma_wait3A_88 = tpu.memref_slice %arg2[%add3A_19, %dma_wait3A_87] : memref<10240x1024xf32, #tpu.memory_space<hbm>> -> memref<40x1024xf32, #tpu.memory_space<hbm>>
      tpu.wait_dma2 semaphore(%run_scoped3A : memref<!tpu.dma_semaphore, #tpu.memory_space<semaphore_mem>>) src(%dma_wait3A_88 : memref<40x1024xf32, #tpu.memory_space<hbm>>) dst(%arg7 : memref<40x1024xf32, #tpu.memory_space<vmem>>)
      tpu.yield
    }) : () -> ()
    %add3A_20 = arith.constant 80 : i32
    %add3A_21 = arith.addi %mul3A_2, %add3A_20 : i32
    "tpu.region"() ({
      %run_scoped3A = tpu.sem_alloc : memref<!tpu.dma_semaphore, #tpu.memory_space<semaphore_mem>>
      %dma_start3A_81 = tpu.memref_slice %arg3[%add3A_21] : memref<10240xi32, #tpu.memory_space<hbm>> -> memref<40xi32, #tpu.memory_space<hbm>>
      %dma_start3A_82 = tpu.memref_slice %arg3[%add3A_21] : memref<10240xi32, #tpu.memory_space<hbm>> -> memref<40xi32, #tpu.memory_space<hbm>>
      tpu.enqueue_dma source(%dma_start3A_82 : memref<40xi32, #tpu.memory_space<hbm>>) target(%arg5 : memref<40xi32, #tpu.memory_space<vmem>>) target_semaphore(%run_scoped3A : memref<!tpu.dma_semaphore, #tpu.memory_space<semaphore_mem>>)
      %dma_wait3A_83 = tpu.memref_slice %arg3[%add3A_21] : memref<10240xi32, #tpu.memory_space<hbm>> -> memref<40xi32, #tpu.memory_space<hbm>>
      %dma_wait3A_84 = tpu.memref_slice %arg3[%add3A_21] : memref<10240xi32, #tpu.memory_space<hbm>> -> memref<40xi32, #tpu.memory_space<hbm>>
      tpu.wait_dma2 semaphore(%run_scoped3A : memref<!tpu.dma_semaphore, #tpu.memory_space<semaphore_mem>>) src(%dma_wait3A_84 : memref<40xi32, #tpu.memory_space<hbm>>) dst(%arg5 : memref<40xi32, #tpu.memory_space<vmem>>)
      tpu.yield
    }) : () -> ()
    %dma_start3A_22 = arith.constant 0 : i32
    %dma_start3A_23 = arith.constant 0 : i32
    %dma_start3A_24 = tpu.memref_slice %arg4[%dma_start3A_22, %dma_start3A_23] : memref<8704x1024xf32, #tpu.memory_space<hbm>> -> memref<8704x1024xf32, #tpu.memory_space<hbm>>
    tpu.enqueue_indirect_dma source(%arg7 : memref<40x1024xf32, #tpu.memory_space<vmem>>) target(%dma_start3A_24 : memref<8704x1024xf32, #tpu.memory_space<hbm>>) offsets(%arg5 : memref<40xi32, #tpu.memory_space<vmem>>) semaphore(%arg9 : memref<!tpu.dma_semaphore, #tpu.memory_space<semaphore_mem>>)
    %dma_wait3A_25 = arith.constant 0 : i32
    %dma_wait3A_26 = arith.constant 0 : i32
    %dma_wait3A_27 = tpu.memref_slice %arg4[%dma_wait3A_25, %dma_wait3A_26] : memref<8704x1024xf32, #tpu.memory_space<hbm>> -> memref<8704x1024xf32, #tpu.memory_space<hbm>>
    tpu.wait_indirect_dma semaphore(%arg10 : memref<!tpu.dma_semaphore, #tpu.memory_space<semaphore_mem>>) src(%arg8 : memref<40x1024xf32, #tpu.memory_space<vmem>>) dst(%dma_wait3A_27 : memref<8704x1024xf32, #tpu.memory_space<hbm>>)
    %add3A_28 = arith.constant 120 : i32
    %add3A_29 = arith.addi %mul3A_2, %add3A_28 : i32
    "tpu.region"() ({
      %run_scoped3A = tpu.sem_alloc : memref<!tpu.dma_semaphore, #tpu.memory_space<semaphore_mem>>
      %dma_start3A_81 = arith.constant 0 : i32
      %dma_start3A_82 = tpu.memref_slice %arg2[%add3A_29, %dma_start3A_81] : memref<10240x1024xf32, #tpu.memory_space<hbm>> -> memref<40x1024xf32, #tpu.memory_space<hbm>>
      %dma_start3A_83 = arith.constant 0 : i32
      %dma_start3A_84 = tpu.memref_slice %arg2[%add3A_29, %dma_start3A_83] : memref<10240x1024xf32, #tpu.memory_space<hbm>> -> memref<40x1024xf32, #tpu.memory_space<hbm>>
      tpu.enqueue_dma source(%dma_start3A_84 : memref<40x1024xf32, #tpu.memory_space<hbm>>) target(%arg8 : memref<40x1024xf32, #tpu.memory_space<vmem>>) target_semaphore(%run_scoped3A : memref<!tpu.dma_semaphore, #tpu.memory_space<semaphore_mem>>)
      %dma_wait3A_85 = arith.constant 0 : i32
      %dma_wait3A_86 = tpu.memref_slice %arg2[%add3A_29, %dma_wait3A_85] : memref<10240x1024xf32, #tpu.memory_space<hbm>> -> memref<40x1024xf32, #tpu.memory_space<hbm>>
      %dma_wait3A_87 = arith.constant 0 : i32
      %dma_wait3A_88 = tpu.memref_slice %arg2[%add3A_29, %dma_wait3A_87] : memref<10240x1024xf32, #tpu.memory_space<hbm>> -> memref<40x1024xf32, #tpu.memory_space<hbm>>
      tpu.wait_dma2 semaphore(%run_scoped3A : memref<!tpu.dma_semaphore, #tpu.memory_space<semaphore_mem>>) src(%dma_wait3A_88 : memref<40x1024xf32, #tpu.memory_space<hbm>>) dst(%arg8 : memref<40x1024xf32, #tpu.memory_space<vmem>>)
      tpu.yield
    }) : () -> ()
    %add3A_30 = arith.constant 120 : i32
    %add3A_31 = arith.addi %mul3A_2, %add3A_30 : i32
    "tpu.region"() ({
      %run_scoped3A = tpu.sem_alloc : memref<!tpu.dma_semaphore, #tpu.memory_space<semaphore_mem>>
      %dma_start3A_81 = tpu.memref_slice %arg3[%add3A_31] : memref<10240xi32, #tpu.memory_space<hbm>> -> memref<40xi32, #tpu.memory_space<hbm>>
      %dma_start3A_82 = tpu.memref_slice %arg3[%add3A_31] : memref<10240xi32, #tpu.memory_space<hbm>> -> memref<40xi32, #tpu.memory_space<hbm>>
      tpu.enqueue_dma source(%dma_start3A_82 : memref<40xi32, #tpu.memory_space<hbm>>) target(%arg6 : memref<40xi32, #tpu.memory_space<vmem>>) target_semaphore(%run_scoped3A : memref<!tpu.dma_semaphore, #tpu.memory_space<semaphore_mem>>)
      %dma_wait3A_83 = tpu.memref_slice %arg3[%add3A_31] : memref<10240xi32, #tpu.memory_space<hbm>> -> memref<40xi32, #tpu.memory_space<hbm>>
      %dma_wait3A_84 = tpu.memref_slice %arg3[%add3A_31] : memref<10240xi32, #tpu.memory_space<hbm>> -> memref<40xi32, #tpu.memory_space<hbm>>
      tpu.wait_dma2 semaphore(%run_scoped3A : memref<!tpu.dma_semaphore, #tpu.memory_space<semaphore_mem>>) src(%dma_wait3A_84 : memref<40xi32, #tpu.memory_space<hbm>>) dst(%arg6 : memref<40xi32, #tpu.memory_space<vmem>>)
      tpu.yield
    }) : () -> ()
    %dma_start3A_32 = arith.constant 0 : i32
    %dma_start3A_33 = arith.constant 0 : i32
    %dma_start3A_34 = tpu.memref_slice %arg4[%dma_start3A_32, %dma_start3A_33] : memref<8704x1024xf32, #tpu.memory_space<hbm>> -> memref<8704x1024xf32, #tpu.memory_space<hbm>>
    tpu.enqueue_indirect_dma source(%arg8 : memref<40x1024xf32, #tpu.memory_space<vmem>>) target(%dma_start3A_34 : memref<8704x1024xf32, #tpu.memory_space<hbm>>) offsets(%arg6 : memref<40xi32, #tpu.memory_space<vmem>>) semaphore(%arg10 : memref<!tpu.dma_semaphore, #tpu.memory_space<semaphore_mem>>)
    %dma_wait3A_35 = arith.constant 0 : i32
    %dma_wait3A_36 = arith.constant 0 : i32
    %dma_wait3A_37 = tpu.memref_slice %arg4[%dma_wait3A_35, %dma_wait3A_36] : memref<8704x1024xf32, #tpu.memory_space<hbm>> -> memref<8704x1024xf32, #tpu.memory_space<hbm>>
    tpu.wait_indirect_dma semaphore(%arg9 : memref<!tpu.dma_semaphore, #tpu.memory_space<semaphore_mem>>) src(%arg7 : memref<40x1024xf32, #tpu.memory_space<vmem>>) dst(%dma_wait3A_37 : memref<8704x1024xf32, #tpu.memory_space<hbm>>)
    %add3A_38 = arith.constant 160 : i32
    %add3A_39 = arith.addi %mul3A_2, %add3A_38 : i32
    "tpu.region"() ({
      %run_scoped3A = tpu.sem_alloc : memref<!tpu.dma_semaphore, #tpu.memory_space<semaphore_mem>>
      %dma_start3A_81 = arith.constant 0 : i32
      %dma_start3A_82 = tpu.memref_slice %arg2[%add3A_39, %dma_start3A_81] : memref<10240x1024xf32, #tpu.memory_space<hbm>> -> memref<40x1024xf32, #tpu.memory_space<hbm>>
      %dma_start3A_83 = arith.constant 0 : i32
      %dma_start3A_84 = tpu.memref_slice %arg2[%add3A_39, %dma_start3A_83] : memref<10240x1024xf32, #tpu.memory_space<hbm>> -> memref<40x1024xf32, #tpu.memory_space<hbm>>
      tpu.enqueue_dma source(%dma_start3A_84 : memref<40x1024xf32, #tpu.memory_space<hbm>>) target(%arg7 : memref<40x1024xf32, #tpu.memory_space<vmem>>) target_semaphore(%run_scoped3A : memref<!tpu.dma_semaphore, #tpu.memory_space<semaphore_mem>>)
      %dma_wait3A_85 = arith.constant 0 : i32
      %dma_wait3A_86 = tpu.memref_slice %arg2[%add3A_39, %dma_wait3A_85] : memref<10240x1024xf32, #tpu.memory_space<hbm>> -> memref<40x1024xf32, #tpu.memory_space<hbm>>
      %dma_wait3A_87 = arith.constant 0 : i32
      %dma_wait3A_88 = tpu.memref_slice %arg2[%add3A_39, %dma_wait3A_87] : memref<10240x1024xf32, #tpu.memory_space<hbm>> -> memref<40x1024xf32, #tpu.memory_space<hbm>>
      tpu.wait_dma2 semaphore(%run_scoped3A : memref<!tpu.dma_semaphore, #tpu.memory_space<semaphore_mem>>) src(%dma_wait3A_88 : memref<40x1024xf32, #tpu.memory_space<hbm>>) dst(%arg7 : memref<40x1024xf32, #tpu.memory_space<vmem>>)
      tpu.yield
    }) : () -> ()
    %add3A_40 = arith.constant 160 : i32
    %add3A_41 = arith.addi %mul3A_2, %add3A_40 : i32
    "tpu.region"() ({
      %run_scoped3A = tpu.sem_alloc : memref<!tpu.dma_semaphore, #tpu.memory_space<semaphore_mem>>
      %dma_start3A_81 = tpu.memref_slice %arg3[%add3A_41] : memref<10240xi32, #tpu.memory_space<hbm>> -> memref<40xi32, #tpu.memory_space<hbm>>
      %dma_start3A_82 = tpu.memref_slice %arg3[%add3A_41] : memref<10240xi32, #tpu.memory_space<hbm>> -> memref<40xi32, #tpu.memory_space<hbm>>
      tpu.enqueue_dma source(%dma_start3A_82 : memref<40xi32, #tpu.memory_space<hbm>>) target(%arg5 : memref<40xi32, #tpu.memory_space<vmem>>) target_semaphore(%run_scoped3A : memref<!tpu.dma_semaphore, #tpu.memory_space<semaphore_mem>>)
      %dma_wait3A_83 = tpu.memref_slice %arg3[%add3A_41] : memref<10240xi32, #tpu.memory_space<hbm>> -> memref<40xi32, #tpu.memory_space<hbm>>
      %dma_wait3A_84 = tpu.memref_slice %arg3[%add3A_41] : memref<10240xi32, #tpu.memory_space<hbm>> -> memref<40xi32, #tpu.memory_space<hbm>>
      tpu.wait_dma2 semaphore(%run_scoped3A : memref<!tpu.dma_semaphore, #tpu.memory_space<semaphore_mem>>) src(%dma_wait3A_84 : memref<40xi32, #tpu.memory_space<hbm>>) dst(%arg5 : memref<40xi32, #tpu.memory_space<vmem>>)
      tpu.yield
    }) : () -> ()
    %dma_start3A_42 = arith.constant 0 : i32
    %dma_start3A_43 = arith.constant 0 : i32
    %dma_start3A_44 = tpu.memref_slice %arg4[%dma_start3A_42, %dma_start3A_43] : memref<8704x1024xf32, #tpu.memory_space<hbm>> -> memref<8704x1024xf32, #tpu.memory_space<hbm>>
    tpu.enqueue_indirect_dma source(%arg7 : memref<40x1024xf32, #tpu.memory_space<vmem>>) target(%dma_start3A_44 : memref<8704x1024xf32, #tpu.memory_space<hbm>>) offsets(%arg5 : memref<40xi32, #tpu.memory_space<vmem>>) semaphore(%arg9 : memref<!tpu.dma_semaphore, #tpu.memory_space<semaphore_mem>>)
    %dma_wait3A_45 = arith.constant 0 : i32
    %dma_wait3A_46 = arith.constant 0 : i32
    %dma_wait3A_47 = tpu.memref_slice %arg4[%dma_wait3A_45, %dma_wait3A_46] : memref<8704x1024xf32, #tpu.memory_space<hbm>> -> memref<8704x1024xf32, #tpu.memory_space<hbm>>
    tpu.wait_indirect_dma semaphore(%arg10 : memref<!tpu.dma_semaphore, #tpu.memory_space<semaphore_mem>>) src(%arg8 : memref<40x1024xf32, #tpu.memory_space<vmem>>) dst(%dma_wait3A_47 : memref<8704x1024xf32, #tpu.memory_space<hbm>>)
    %add3A_48 = arith.constant 200 : i32
    %add3A_49 = arith.addi %mul3A_2, %add3A_48 : i32
    "tpu.region"() ({
      %run_scoped3A = tpu.sem_alloc : memref<!tpu.dma_semaphore, #tpu.memory_space<semaphore_mem>>
      %dma_start3A_81 = arith.constant 0 : i32
      %dma_start3A_82 = tpu.memref_slice %arg2[%add3A_49, %dma_start3A_81] : memref<10240x1024xf32, #tpu.memory_space<hbm>> -> memref<40x1024xf32, #tpu.memory_space<hbm>>
      %dma_start3A_83 = arith.constant 0 : i32
      %dma_start3A_84 = tpu.memref_slice %arg2[%add3A_49, %dma_start3A_83] : memref<10240x1024xf32, #tpu.memory_space<hbm>> -> memref<40x1024xf32, #tpu.memory_space<hbm>>
      tpu.enqueue_dma source(%dma_start3A_84 : memref<40x1024xf32, #tpu.memory_space<hbm>>) target(%arg8 : memref<40x1024xf32, #tpu.memory_space<vmem>>) target_semaphore(%run_scoped3A : memref<!tpu.dma_semaphore, #tpu.memory_space<semaphore_mem>>)
      %dma_wait3A_85 = arith.constant 0 : i32
      %dma_wait3A_86 = tpu.memref_slice %arg2[%add3A_49, %dma_wait3A_85] : memref<10240x1024xf32, #tpu.memory_space<hbm>> -> memref<40x1024xf32, #tpu.memory_space<hbm>>
      %dma_wait3A_87 = arith.constant 0 : i32
      %dma_wait3A_88 = tpu.memref_slice %arg2[%add3A_49, %dma_wait3A_87] : memref<10240x1024xf32, #tpu.memory_space<hbm>> -> memref<40x1024xf32, #tpu.memory_space<hbm>>
      tpu.wait_dma2 semaphore(%run_scoped3A : memref<!tpu.dma_semaphore, #tpu.memory_space<semaphore_mem>>) src(%dma_wait3A_88 : memref<40x1024xf32, #tpu.memory_space<hbm>>) dst(%arg8 : memref<40x1024xf32, #tpu.memory_space<vmem>>)
      tpu.yield
    }) : () -> ()
    %add3A_50 = arith.constant 200 : i32
    %add3A_51 = arith.addi %mul3A_2, %add3A_50 : i32
    "tpu.region"() ({
      %run_scoped3A = tpu.sem_alloc : memref<!tpu.dma_semaphore, #tpu.memory_space<semaphore_mem>>
      %dma_start3A_81 = tpu.memref_slice %arg3[%add3A_51] : memref<10240xi32, #tpu.memory_space<hbm>> -> memref<40xi32, #tpu.memory_space<hbm>>
      %dma_start3A_82 = tpu.memref_slice %arg3[%add3A_51] : memref<10240xi32, #tpu.memory_space<hbm>> -> memref<40xi32, #tpu.memory_space<hbm>>
      tpu.enqueue_dma source(%dma_start3A_82 : memref<40xi32, #tpu.memory_space<hbm>>) target(%arg6 : memref<40xi32, #tpu.memory_space<vmem>>) target_semaphore(%run_scoped3A : memref<!tpu.dma_semaphore, #tpu.memory_space<semaphore_mem>>)
      %dma_wait3A_83 = tpu.memref_slice %arg3[%add3A_51] : memref<10240xi32, #tpu.memory_space<hbm>> -> memref<40xi32, #tpu.memory_space<hbm>>
      %dma_wait3A_84 = tpu.memref_slice %arg3[%add3A_51] : memref<10240xi32, #tpu.memory_space<hbm>> -> memref<40xi32, #tpu.memory_space<hbm>>
      tpu.wait_dma2 semaphore(%run_scoped3A : memref<!tpu.dma_semaphore, #tpu.memory_space<semaphore_mem>>) src(%dma_wait3A_84 : memref<40xi32, #tpu.memory_space<hbm>>) dst(%arg6 : memref<40xi32, #tpu.memory_space<vmem>>)
      tpu.yield
    }) : () -> ()
    %dma_start3A_52 = arith.constant 0 : i32
    %dma_start3A_53 = arith.constant 0 : i32
    %dma_start3A_54 = tpu.memref_slice %arg4[%dma_start3A_52, %dma_start3A_53] : memref<8704x1024xf32, #tpu.memory_space<hbm>> -> memref<8704x1024xf32, #tpu.memory_space<hbm>>
    tpu.enqueue_indirect_dma source(%arg8 : memref<40x1024xf32, #tpu.memory_space<vmem>>) target(%dma_start3A_54 : memref<8704x1024xf32, #tpu.memory_space<hbm>>) offsets(%arg6 : memref<40xi32, #tpu.memory_space<vmem>>) semaphore(%arg10 : memref<!tpu.dma_semaphore, #tpu.memory_space<semaphore_mem>>)
    %dma_wait3A_55 = arith.constant 0 : i32
    %dma_wait3A_56 = arith.constant 0 : i32
    %dma_wait3A_57 = tpu.memref_slice %arg4[%dma_wait3A_55, %dma_wait3A_56] : memref<8704x1024xf32, #tpu.memory_space<hbm>> -> memref<8704x1024xf32, #tpu.memory_space<hbm>>
    tpu.wait_indirect_dma semaphore(%arg9 : memref<!tpu.dma_semaphore, #tpu.memory_space<semaphore_mem>>) src(%arg7 : memref<40x1024xf32, #tpu.memory_space<vmem>>) dst(%dma_wait3A_57 : memref<8704x1024xf32, #tpu.memory_space<hbm>>)
    %add3A_58 = arith.constant 240 : i32
    %add3A_59 = arith.addi %mul3A_2, %add3A_58 : i32
    "tpu.region"() ({
      %run_scoped3A = tpu.sem_alloc : memref<!tpu.dma_semaphore, #tpu.memory_space<semaphore_mem>>
      %dma_start3A_81 = arith.constant 0 : i32
      %dma_start3A_82 = tpu.memref_slice %arg2[%add3A_59, %dma_start3A_81] : memref<10240x1024xf32, #tpu.memory_space<hbm>> -> memref<40x1024xf32, #tpu.memory_space<hbm>>
      %dma_start3A_83 = arith.constant 0 : i32
      %dma_start3A_84 = tpu.memref_slice %arg2[%add3A_59, %dma_start3A_83] : memref<10240x1024xf32, #tpu.memory_space<hbm>> -> memref<40x1024xf32, #tpu.memory_space<hbm>>
      tpu.enqueue_dma source(%dma_start3A_84 : memref<40x1024xf32, #tpu.memory_space<hbm>>) target(%arg7 : memref<40x1024xf32, #tpu.memory_space<vmem>>) target_semaphore(%run_scoped3A : memref<!tpu.dma_semaphore, #tpu.memory_space<semaphore_mem>>)
      %dma_wait3A_85 = arith.constant 0 : i32
      %dma_wait3A_86 = tpu.memref_slice %arg2[%add3A_59, %dma_wait3A_85] : memref<10240x1024xf32, #tpu.memory_space<hbm>> -> memref<40x1024xf32, #tpu.memory_space<hbm>>
      %dma_wait3A_87 = arith.constant 0 : i32
      %dma_wait3A_88 = tpu.memref_slice %arg2[%add3A_59, %dma_wait3A_87] : memref<10240x1024xf32, #tpu.memory_space<hbm>> -> memref<40x1024xf32, #tpu.memory_space<hbm>>
      tpu.wait_dma2 semaphore(%run_scoped3A : memref<!tpu.dma_semaphore, #tpu.memory_space<semaphore_mem>>) src(%dma_wait3A_88 : memref<40x1024xf32, #tpu.memory_space<hbm>>) dst(%arg7 : memref<40x1024xf32, #tpu.memory_space<vmem>>)
      tpu.yield
    }) : () -> ()
    %add3A_60 = arith.constant 240 : i32
    %add3A_61 = arith.addi %mul3A_2, %add3A_60 : i32
    "tpu.region"() ({
      %run_scoped3A = tpu.sem_alloc : memref<!tpu.dma_semaphore, #tpu.memory_space<semaphore_mem>>
      %dma_start3A_81 = tpu.memref_slice %arg3[%add3A_61] : memref<10240xi32, #tpu.memory_space<hbm>> -> memref<40xi32, #tpu.memory_space<hbm>>
      %dma_start3A_82 = tpu.memref_slice %arg3[%add3A_61] : memref<10240xi32, #tpu.memory_space<hbm>> -> memref<40xi32, #tpu.memory_space<hbm>>
      tpu.enqueue_dma source(%dma_start3A_82 : memref<40xi32, #tpu.memory_space<hbm>>) target(%arg5 : memref<40xi32, #tpu.memory_space<vmem>>) target_semaphore(%run_scoped3A : memref<!tpu.dma_semaphore, #tpu.memory_space<semaphore_mem>>)
      %dma_wait3A_83 = tpu.memref_slice %arg3[%add3A_61] : memref<10240xi32, #tpu.memory_space<hbm>> -> memref<40xi32, #tpu.memory_space<hbm>>
      %dma_wait3A_84 = tpu.memref_slice %arg3[%add3A_61] : memref<10240xi32, #tpu.memory_space<hbm>> -> memref<40xi32, #tpu.memory_space<hbm>>
      tpu.wait_dma2 semaphore(%run_scoped3A : memref<!tpu.dma_semaphore, #tpu.memory_space<semaphore_mem>>) src(%dma_wait3A_84 : memref<40xi32, #tpu.memory_space<hbm>>) dst(%arg5 : memref<40xi32, #tpu.memory_space<vmem>>)
      tpu.yield
    }) : () -> ()
    %dma_start3A_62 = arith.constant 0 : i32
    %dma_start3A_63 = arith.constant 0 : i32
    %dma_start3A_64 = tpu.memref_slice %arg4[%dma_start3A_62, %dma_start3A_63] : memref<8704x1024xf32, #tpu.memory_space<hbm>> -> memref<8704x1024xf32, #tpu.memory_space<hbm>>
    tpu.enqueue_indirect_dma source(%arg7 : memref<40x1024xf32, #tpu.memory_space<vmem>>) target(%dma_start3A_64 : memref<8704x1024xf32, #tpu.memory_space<hbm>>) offsets(%arg5 : memref<40xi32, #tpu.memory_space<vmem>>) semaphore(%arg9 : memref<!tpu.dma_semaphore, #tpu.memory_space<semaphore_mem>>)
    %dma_wait3A_65 = arith.constant 0 : i32
    %dma_wait3A_66 = arith.constant 0 : i32
    %dma_wait3A_67 = tpu.memref_slice %arg4[%dma_wait3A_65, %dma_wait3A_66] : memref<8704x1024xf32, #tpu.memory_space<hbm>> -> memref<8704x1024xf32, #tpu.memory_space<hbm>>
    tpu.wait_indirect_dma semaphore(%arg10 : memref<!tpu.dma_semaphore, #tpu.memory_space<semaphore_mem>>) src(%arg8 : memref<40x1024xf32, #tpu.memory_space<vmem>>) dst(%dma_wait3A_67 : memref<8704x1024xf32, #tpu.memory_space<hbm>>)
    %add3A_68 = arith.constant 280 : i32
    %add3A_69 = arith.addi %mul3A_2, %add3A_68 : i32
    "tpu.region"() ({
      %run_scoped3A = tpu.sem_alloc : memref<!tpu.dma_semaphore, #tpu.memory_space<semaphore_mem>>
      %dma_start3A_81 = arith.constant 0 : i32
      %dma_start3A_82 = tpu.memref_slice %arg2[%add3A_69, %dma_start3A_81] : memref<10240x1024xf32, #tpu.memory_space<hbm>> -> memref<40x1024xf32, #tpu.memory_space<hbm>>
      %dma_start3A_83 = arith.constant 0 : i32
      %dma_start3A_84 = tpu.memref_slice %arg2[%add3A_69, %dma_start3A_83] : memref<10240x1024xf32, #tpu.memory_space<hbm>> -> memref<40x1024xf32, #tpu.memory_space<hbm>>
      tpu.enqueue_dma source(%dma_start3A_84 : memref<40x1024xf32, #tpu.memory_space<hbm>>) target(%arg8 : memref<40x1024xf32, #tpu.memory_space<vmem>>) target_semaphore(%run_scoped3A : memref<!tpu.dma_semaphore, #tpu.memory_space<semaphore_mem>>)
      %dma_wait3A_85 = arith.constant 0 : i32
      %dma_wait3A_86 = tpu.memref_slice %arg2[%add3A_69, %dma_wait3A_85] : memref<10240x1024xf32, #tpu.memory_space<hbm>> -> memref<40x1024xf32, #tpu.memory_space<hbm>>
      %dma_wait3A_87 = arith.constant 0 : i32
      %dma_wait3A_88 = tpu.memref_slice %arg2[%add3A_69, %dma_wait3A_87] : memref<10240x1024xf32, #tpu.memory_space<hbm>> -> memref<40x1024xf32, #tpu.memory_space<hbm>>
      tpu.wait_dma2 semaphore(%run_scoped3A : memref<!tpu.dma_semaphore, #tpu.memory_space<semaphore_mem>>) src(%dma_wait3A_88 : memref<40x1024xf32, #tpu.memory_space<hbm>>) dst(%arg8 : memref<40x1024xf32, #tpu.memory_space<vmem>>)
      tpu.yield
    }) : () -> ()
    %add3A_70 = arith.constant 280 : i32
    %add3A_71 = arith.addi %mul3A_2, %add3A_70 : i32
    "tpu.region"() ({
      %run_scoped3A = tpu.sem_alloc : memref<!tpu.dma_semaphore, #tpu.memory_space<semaphore_mem>>
      %dma_start3A_81 = tpu.memref_slice %arg3[%add3A_71] : memref<10240xi32, #tpu.memory_space<hbm>> -> memref<40xi32, #tpu.memory_space<hbm>>
      %dma_start3A_82 = tpu.memref_slice %arg3[%add3A_71] : memref<10240xi32, #tpu.memory_space<hbm>> -> memref<40xi32, #tpu.memory_space<hbm>>
      tpu.enqueue_dma source(%dma_start3A_82 : memref<40xi32, #tpu.memory_space<hbm>>) target(%arg6 : memref<40xi32, #tpu.memory_space<vmem>>) target_semaphore(%run_scoped3A : memref<!tpu.dma_semaphore, #tpu.memory_space<semaphore_mem>>)
      %dma_wait3A_83 = tpu.memref_slice %arg3[%add3A_71] : memref<10240xi32, #tpu.memory_space<hbm>> -> memref<40xi32, #tpu.memory_space<hbm>>
      %dma_wait3A_84 = tpu.memref_slice %arg3[%add3A_71] : memref<10240xi32, #tpu.memory_space<hbm>> -> memref<40xi32, #tpu.memory_space<hbm>>
      tpu.wait_dma2 semaphore(%run_scoped3A : memref<!tpu.dma_semaphore, #tpu.memory_space<semaphore_mem>>) src(%dma_wait3A_84 : memref<40xi32, #tpu.memory_space<hbm>>) dst(%arg6 : memref<40xi32, #tpu.memory_space<vmem>>)
      tpu.yield
    }) : () -> ()
    %dma_start3A_72 = arith.constant 0 : i32
    %dma_start3A_73 = arith.constant 0 : i32
    %dma_start3A_74 = tpu.memref_slice %arg4[%dma_start3A_72, %dma_start3A_73] : memref<8704x1024xf32, #tpu.memory_space<hbm>> -> memref<8704x1024xf32, #tpu.memory_space<hbm>>
    tpu.enqueue_indirect_dma source(%arg8 : memref<40x1024xf32, #tpu.memory_space<vmem>>) target(%dma_start3A_74 : memref<8704x1024xf32, #tpu.memory_space<hbm>>) offsets(%arg6 : memref<40xi32, #tpu.memory_space<vmem>>) semaphore(%arg10 : memref<!tpu.dma_semaphore, #tpu.memory_space<semaphore_mem>>)
    %dma_wait3A_75 = arith.constant 0 : i32
    %dma_wait3A_76 = arith.constant 0 : i32
    %dma_wait3A_77 = tpu.memref_slice %arg4[%dma_wait3A_75, %dma_wait3A_76] : memref<8704x1024xf32, #tpu.memory_space<hbm>> -> memref<8704x1024xf32, #tpu.memory_space<hbm>>
    tpu.wait_indirect_dma semaphore(%arg9 : memref<!tpu.dma_semaphore, #tpu.memory_space<semaphore_mem>>) src(%arg7 : memref<40x1024xf32, #tpu.memory_space<vmem>>) dst(%dma_wait3A_77 : memref<8704x1024xf32, #tpu.memory_space<hbm>>)
    %dma_wait3A_78 = arith.constant 0 : i32
    %dma_wait3A_79 = arith.constant 0 : i32
    %dma_wait3A_80 = tpu.memref_slice %arg4[%dma_wait3A_78, %dma_wait3A_79] : memref<8704x1024xf32, #tpu.memory_space<hbm>> -> memref<8704x1024xf32, #tpu.memory_space<hbm>>
    tpu.wait_indirect_dma semaphore(%arg10 : memref<!tpu.dma_semaphore, #tpu.memory_space<semaphore_mem>>) src(%arg8 : memref<40x1024xf32, #tpu.memory_space<vmem>>) dst(%dma_wait3A_80 : memref<8704x1024xf32, #tpu.memory_space<hbm>>)
    return
  }
}

module attributes {stable_mosaic.version = 14 : i64} {
  func.func @_gate_body(%arg0: i32, %arg1: memref<512x1024xf32, #tpu.memory_space<vmem>>, %arg2: memref<1024x128xf32, #tpu.memory_space<vmem>>, %arg3: memref<1x128xf32, #tpu.memory_space<vmem>>, %arg4: memref<512x128xi32, #tpu.memory_space<vmem>>, %arg5: memref<512x128xi32, #tpu.memory_space<vmem>>, %arg6: memref<512x128xf32, #tpu.memory_space<vmem>>, %arg7: memref<512x128xf32, #tpu.memory_space<vmem>>, %arg8: memref<1x1x128xi32, #tpu.memory_space<vmem>>, %arg9: memref<1x1x128xi32, #tpu.memory_space<vmem>>) attributes {dimension_semantics = [#tpu.dimension_semantics<arbitrary>], iteration_bounds = array<i64: 8>, scalar_prefetch = 0 : i64, scratch_operands = 0 : i64, tpu.core_type = #tpu.core_type<tc>, window_params = [{transform_indices = @transform_0, window_bounds = array<i64: 512, 1024>}, {pipeline_mode = #tpu.pipeline_mode<synchronous>, transform_indices = @transform_1, window_bounds = array<i64: 1024, 128>}, {pipeline_mode = #tpu.pipeline_mode<synchronous>, transform_indices = @transform_2, window_bounds = array<i64: 1, 128>}, {transform_indices = @transform_3, window_bounds = array<i64: 512, 128>}, {transform_indices = @transform_4, window_bounds = array<i64: 512, 128>}, {transform_indices = @transform_5, window_bounds = array<i64: 512, 128>}, {transform_indices = @transform_6, window_bounds = array<i64: 512, 128>}, {transform_indices = @transform_7, window_bounds = array<i64: 1, 1, 128>}, {transform_indices = @transform_8, window_bounds = array<i64: 1, 1, 128>}]} {
    %get3A = arith.constant 0 : index
    %get3A_0 = arith.constant 0 : index
    %get3A_1 = vector.load %arg1[%get3A, %get3A_0] : memref<512x1024xf32, #tpu.memory_space<vmem>>, vector<512x1024xf32>
    %get3A_2 = arith.constant 0 : index
    %get3A_3 = arith.constant 0 : index
    %get3A_4 = vector.load %arg2[%get3A_2, %get3A_3] : memref<1024x128xf32, #tpu.memory_space<vmem>>, vector<1024x128xf32>
    %dot_general3A = arith.constant dense<0.000000e+00> : vector<512x128xf32>
    %dot_general3A_5 = tpu.matmul %get3A_1, %get3A_4, %dot_general3A {dimension_numbers = #tpu.dot_dimension_numbers<[1], [0], [0], [1], [0, 0, 1, 1], [], []>, transpose_lhs_hint = false} : vector<512x1024xf32>, vector<1024x128xf32>, vector<512x128xf32> -> vector<512x128xf32>
    %get3A_6 = arith.constant 0 : index
    %get3A_7 = arith.constant 0 : index
    %get3A_8 = vector.load %arg3[%get3A_6, %get3A_7] : memref<1x128xf32, #tpu.memory_space<vmem>>, vector<1x128xf32>
    %add3A = vector.broadcast %get3A_8 : vector<1x128xf32> to vector<512x128xf32>
    %add3A_9 = arith.addf %dot_general3A_5, %add3A : vector<512x128xf32>
    %reduce_max3A = arith.constant dense<0xFF800000> : vector<512xf32>
    %reduce_max3A_10 = vector.multi_reduction <maximumf>, %add3A_9, %reduce_max3A [1] : vector<512x128xf32> to vector<512xf32>
    %broadcast_in_dim3A = vector.shape_cast %reduce_max3A_10 : vector<512xf32> to vector<512x1xf32>
    %sub3A = vector.broadcast %broadcast_in_dim3A : vector<512x1xf32> to vector<512x128xf32>
    %sub3A_11 = arith.subf %add3A_9, %sub3A : vector<512x128xf32>
    %exp3A = math.exp %sub3A_11 : vector<512x128xf32>
    %reduce_sum3A = arith.constant dense<0.000000e+00> : vector<512xf32>
    %reduce_sum3A_12 = vector.multi_reduction <add>, %exp3A, %reduce_sum3A [1] : vector<512x128xf32> to vector<512xf32>
    %broadcast_in_dim3A_13 = vector.shape_cast %reduce_sum3A_12 : vector<512xf32> to vector<512x1xf32>
    %div3A = vector.broadcast %broadcast_in_dim3A_13 : vector<512x1xf32> to vector<512x128xf32>
    %div3A_14 = arith.divf %exp3A, %div3A : vector<512x128xf32>
    %iota3A = tpu.iota {dimensions = array<i32: 1>} : vector<512x128xi32>
    %reduce_max3A_15 = arith.constant dense<0xFF800000> : vector<512xf32>
    %reduce_max3A_16 = vector.multi_reduction <maximumf>, %div3A_14, %reduce_max3A_15 [1] : vector<512x128xf32> to vector<512xf32>
    %broadcast_in_dim3A_17 = vector.shape_cast %reduce_max3A_16 : vector<512xf32> to vector<512x1xf32>
    %eq3A = vector.broadcast %broadcast_in_dim3A_17 : vector<512x1xf32> to vector<512x128xf32>
    %eq3A_18 = arith.cmpf oeq, %div3A_14, %eq3A : vector<512x128xf32>
    %jit3A = arith.constant 1073741824 : i32
    %broadcast_in_dim3A_19 = vector.broadcast %jit3A : i32 to vector<512x128xi32>
    %select_n3A = arith.select %eq3A_18, %iota3A, %broadcast_in_dim3A_19 : vector<512x128xi1>, vector<512x128xi32>
    %reduce_min3A = arith.constant dense<2147483647> : vector<512xi32>
    %reduce_min3A_20 = vector.multi_reduction <minsi>, %select_n3A, %reduce_min3A [1] : vector<512x128xi32> to vector<512xi32>
    %broadcast_in_dim3A_21 = vector.shape_cast %reduce_min3A_20 : vector<512xi32> to vector<512x1xi32>
    %eq3A_22 = vector.broadcast %broadcast_in_dim3A_21 : vector<512x1xi32> to vector<512x128xi32>
    %eq3A_23 = arith.cmpi eq, %iota3A, %eq3A_22 : vector<512x128xi32>
    %jit3A_24 = arith.constant -1.000000e+00 : f32
    %broadcast_in_dim3A_25 = vector.broadcast %jit3A_24 : f32 to vector<512x128xf32>
    %select_n3A_26 = arith.select %eq3A_23, %broadcast_in_dim3A_25, %div3A_14 : vector<512x128xi1>, vector<512x128xf32>
    %reduce_max3A_27 = arith.constant dense<0xFF800000> : vector<512xf32>
    %reduce_max3A_28 = vector.multi_reduction <maximumf>, %select_n3A_26, %reduce_max3A_27 [1] : vector<512x128xf32> to vector<512xf32>
    %broadcast_in_dim3A_29 = vector.shape_cast %reduce_max3A_28 : vector<512xf32> to vector<512x1xf32>
    %eq3A_30 = vector.broadcast %broadcast_in_dim3A_29 : vector<512x1xf32> to vector<512x128xf32>
    %eq3A_31 = arith.cmpf oeq, %select_n3A_26, %eq3A_30 : vector<512x128xf32>
    %jit3A_32 = arith.constant 1073741824 : i32
    %broadcast_in_dim3A_33 = vector.broadcast %jit3A_32 : i32 to vector<512x128xi32>
    %select_n3A_34 = arith.select %eq3A_31, %iota3A, %broadcast_in_dim3A_33 : vector<512x128xi1>, vector<512x128xi32>
    %reduce_min3A_35 = arith.constant dense<2147483647> : vector<512xi32>
    %reduce_min3A_36 = vector.multi_reduction <minsi>, %select_n3A_34, %reduce_min3A_35 [1] : vector<512x128xi32> to vector<512xi32>
    %broadcast_in_dim3A_37 = vector.shape_cast %reduce_min3A_36 : vector<512xi32> to vector<512x1xi32>
    %broadcast_in_dim3A_38 = arith.constant 0 : i32
    %broadcast_in_dim3A_39 = vector.broadcast %broadcast_in_dim3A_38 : i32 to vector<512x128xi32>
    %add3A_40 = vector.broadcast %broadcast_in_dim3A_21 : vector<512x1xi32> to vector<512x128xi32>
    %add3A_41 = arith.addi %add3A_40, %broadcast_in_dim3A_39 : vector<512x128xi32>
    %swap3A = arith.constant 0 : index
    %swap3A_42 = arith.constant 0 : index
    %swap3A_43 = vector.load %arg4[%swap3A, %swap3A_42] : memref<512x128xi32, #tpu.memory_space<vmem>>, vector<512x128xi32>
    tpu.vector_store %arg4[%swap3A, %swap3A_42], %add3A_41 {strides = array<i32>} : memref<512x128xi32, #tpu.memory_space<vmem>>, vector<512x128xi32>,
    %add3A_44 = vector.broadcast %broadcast_in_dim3A_37 : vector<512x1xi32> to vector<512x128xi32>
    %add3A_45 = arith.addi %add3A_44, %broadcast_in_dim3A_39 : vector<512x128xi32>
    %swap3A_46 = arith.constant 0 : index
    %swap3A_47 = arith.constant 0 : index
    %swap3A_48 = vector.load %arg5[%swap3A_46, %swap3A_47] : memref<512x128xi32, #tpu.memory_space<vmem>>, vector<512x128xi32>
    tpu.vector_store %arg5[%swap3A_46, %swap3A_47], %add3A_45 {strides = array<i32>} : memref<512x128xi32, #tpu.memory_space<vmem>>, vector<512x128xi32>,
    %broadcast_in_dim3A_49 = arith.constant 0.000000e+00 : f32
    %broadcast_in_dim3A_50 = vector.broadcast %broadcast_in_dim3A_49 : f32 to vector<512x128xf32>
    %add3A_51 = vector.broadcast %broadcast_in_dim3A_17 : vector<512x1xf32> to vector<512x128xf32>
    %add3A_52 = arith.addf %add3A_51, %broadcast_in_dim3A_50 : vector<512x128xf32>
    %swap3A_53 = arith.constant 0 : index
    %swap3A_54 = arith.constant 0 : index
    %swap3A_55 = vector.load %arg6[%swap3A_53, %swap3A_54] : memref<512x128xf32, #tpu.memory_space<vmem>>, vector<512x128xf32>
    tpu.vector_store %arg6[%swap3A_53, %swap3A_54], %add3A_52 {strides = array<i32>} : memref<512x128xf32, #tpu.memory_space<vmem>>, vector<512x128xf32>,
    %add3A_56 = vector.broadcast %broadcast_in_dim3A_29 : vector<512x1xf32> to vector<512x128xf32>
    %add3A_57 = arith.addf %add3A_56, %broadcast_in_dim3A_50 : vector<512x128xf32>
    %swap3A_58 = arith.constant 0 : index
    %swap3A_59 = arith.constant 0 : index
    %swap3A_60 = vector.load %arg7[%swap3A_58, %swap3A_59] : memref<512x128xf32, #tpu.memory_space<vmem>>, vector<512x128xf32>
    tpu.vector_store %arg7[%swap3A_58, %swap3A_59], %add3A_57 {strides = array<i32>} : memref<512x128xf32, #tpu.memory_space<vmem>>, vector<512x128xf32>,
    %eq3A_61 = vector.broadcast %broadcast_in_dim3A_21 : vector<512x1xi32> to vector<512x128xi32>
    %eq3A_62 = arith.cmpi eq, %iota3A, %eq3A_61 : vector<512x128xi32>
    %convert_element_type3A = arith.extui %eq3A_62 : vector<512x128xi1> to vector<512x128xi32>
    %eq3A_63 = vector.broadcast %broadcast_in_dim3A_37 : vector<512x1xi32> to vector<512x128xi32>
    %eq3A_64 = arith.cmpi eq, %iota3A, %eq3A_63 : vector<512x128xi32>
    %convert_element_type3A_65 = arith.extui %eq3A_64 : vector<512x128xi1> to vector<512x128xi32>
    %reduce_sum3A_66 = arith.constant dense<0> : vector<128xi32>
    %reduce_sum3A_67 = vector.multi_reduction <add>, %convert_element_type3A, %reduce_sum3A_66 [0] : vector<512x128xi32> to vector<128xi32>
    %broadcast_in_dim3A_68 = vector.shape_cast %reduce_sum3A_67 : vector<128xi32> to vector<1x128xi32>
    %reshape3A = vector.shape_cast %broadcast_in_dim3A_68 : vector<1x128xi32> to vector<1x1x128xi32>
    %swap3A_69 = arith.constant 0 : index
    %swap3A_70 = arith.constant 0 : index
    %swap3A_71 = arith.constant 0 : index
    %swap3A_72 = vector.load %arg8[%swap3A_69, %swap3A_70, %swap3A_71] : memref<1x1x128xi32, #tpu.memory_space<vmem>>, vector<1x1x128xi32>
    tpu.vector_store %arg8[%swap3A_69, %swap3A_70, %swap3A_71], %reshape3A {strides = array<i32>} : memref<1x1x128xi32, #tpu.memory_space<vmem>>, vector<1x1x128xi32>,
    %reduce_sum3A_73 = arith.constant dense<0> : vector<128xi32>
    %reduce_sum3A_74 = vector.multi_reduction <add>, %convert_element_type3A_65, %reduce_sum3A_73 [0] : vector<512x128xi32> to vector<128xi32>
    %broadcast_in_dim3A_75 = vector.shape_cast %reduce_sum3A_74 : vector<128xi32> to vector<1x128xi32>
    %reshape3A_76 = vector.shape_cast %broadcast_in_dim3A_75 : vector<1x128xi32> to vector<1x1x128xi32>
    %swap3A_77 = arith.constant 0 : index
    %swap3A_78 = arith.constant 0 : index
    %swap3A_79 = arith.constant 0 : index
    %swap3A_80 = vector.load %arg9[%swap3A_77, %swap3A_78, %swap3A_79] : memref<1x1x128xi32, #tpu.memory_space<vmem>>, vector<1x1x128xi32>
    tpu.vector_store %arg9[%swap3A_77, %swap3A_78, %swap3A_79], %reshape3A_76 {strides = array<i32>} : memref<1x1x128xi32, #tpu.memory_space<vmem>>, vector<1x1x128xi32>,
    return
  }
  func.func @transform_0(%arg0: i32) -> (i32, i32) {
    %c0_i32 = arith.constant 0 : i32
    %c0_i32_0 = arith.constant 0 : i32
    return %arg0, %c0_i32 : i32, i32
  }
  func.func @transform_1(%arg0: i32) -> (i32, i32) {
    %c0_i32 = arith.constant 0 : i32
    %c0_i32_0 = arith.constant 0 : i32
    %c0_i32_1 = arith.constant 0 : i32
    return %c0_i32, %c0_i32_0 : i32, i32
  }
  func.func @transform_2(%arg0: i32) -> (i32, i32) {
    %c0_i32 = arith.constant 0 : i32
    %c0_i32_0 = arith.constant 0 : i32
    %c0_i32_1 = arith.constant 0 : i32
    return %c0_i32, %c0_i32_0 : i32, i32
  }
  func.func @transform_3(%arg0: i32) -> (i32, i32) {
    %c0_i32 = arith.constant 0 : i32
    %c0_i32_0 = arith.constant 0 : i32
    return %arg0, %c0_i32 : i32, i32
  }
  func.func @transform_4(%arg0: i32) -> (i32, i32) {
    %c0_i32 = arith.constant 0 : i32
    %c0_i32_0 = arith.constant 0 : i32
    return %arg0, %c0_i32 : i32, i32
  }
  func.func @transform_5(%arg0: i32) -> (i32, i32) {
    %c0_i32 = arith.constant 0 : i32
    %c0_i32_0 = arith.constant 0 : i32
    return %arg0, %c0_i32 : i32, i32
  }
  func.func @transform_6(%arg0: i32) -> (i32, i32) {
    %c0_i32 = arith.constant 0 : i32
    %c0_i32_0 = arith.constant 0 : i32
    return %arg0, %c0_i32 : i32, i32
  }
  func.func @transform_7(%arg0: i32) -> (i32, i32, i32) {
    %c0_i32 = arith.constant 0 : i32
    %c0_i32_0 = arith.constant 0 : i32
    %c0_i32_1 = arith.constant 0 : i32
    return %arg0, %c0_i32, %c0_i32_0 : i32, i32, i32
  }
  func.func @transform_8(%arg0: i32) -> (i32, i32, i32) {
    %c0_i32 = arith.constant 0 : i32
    %c0_i32_0 = arith.constant 0 : i32
    %c0_i32_1 = arith.constant 0 : i32
    return %arg0, %c0_i32, %c0_i32_0 : i32, i32, i32
  }
}

module attributes {stable_mosaic.version = 14 : i64} {
  func.func @_router_body(%arg0: i32, %arg1: memref<512x128xi32, #tpu.memory_space<vmem>>, %arg2: memref<512x128xi32, #tpu.memory_space<vmem>>, %arg3: memref<8x1x128xi32, #tpu.memory_space<vmem>>, %arg4: memref<8x1x128xi32, #tpu.memory_space<vmem>>, %arg5: memref<512x128xi32, #tpu.memory_space<vmem>>, %arg6: memref<128x128xi32, #tpu.memory_space<vmem>>, %arg7: memref<8x128xf32, #tpu.memory_space<vmem>>) attributes {dimension_semantics = [#tpu.dimension_semantics<arbitrary>], iteration_bounds = array<i64: 16>, scalar_prefetch = 0 : i64, scratch_operands = 1 : i64, tpu.core_type = #tpu.core_type<tc>, window_params = [{transform_indices = @transform_0, window_bounds = array<i64: 512, 128>}, {transform_indices = @transform_1, window_bounds = array<i64: 512, 128>}, {pipeline_mode = #tpu.pipeline_mode<synchronous>, transform_indices = @transform_2, window_bounds = array<i64: 8, 1, 128>}, {pipeline_mode = #tpu.pipeline_mode<synchronous>, transform_indices = @transform_3, window_bounds = array<i64: 8, 1, 128>}, {transform_indices = @transform_4, window_bounds = array<i64: 512, 128>}, {pipeline_mode = #tpu.pipeline_mode<synchronous>, transform_indices = @transform_5, window_bounds = array<i64: 128, 128>}]} {
    %eq3A = arith.constant 0 : i32
    %eq3A_0 = arith.cmpi eq, %arg0, %eq3A : i32
    %convert_element_type3A = arith.extui %eq3A_0 : i1 to i32
    %cond3A = arith.constant 0 : i32
    %cond3A_1 = arith.cmpi ne, %convert_element_type3A, %cond3A : i32
    scf.if %cond3A_1 {
      %broadcast_in_dim3A_122 = arith.constant 0.000000e+00 : f32
      %broadcast_in_dim3A_123 = vector.broadcast %broadcast_in_dim3A_122 : f32 to vector<8x128xf32>
      %swap3A_124 = arith.constant 0 : index
      %swap3A_125 = arith.constant 0 : index
      %swap3A_126 = vector.load %arg7[%swap3A_124, %swap3A_125] : memref<8x128xf32, #tpu.memory_space<vmem>>, vector<8x128xf32>
      tpu.vector_store %arg7[%swap3A_124, %swap3A_125], %broadcast_in_dim3A_123 {strides = array<i32>} : memref<8x128xf32, #tpu.memory_space<vmem>>, vector<8x128xf32>,
    } else {
    }
    %lt3A = arith.constant 8 : i32
    %lt3A_2 = arith.cmpi slt, %arg0, %lt3A : i32
    %get3A = arith.constant 0 : index
    %get3A_3 = arith.constant 0 : index
    %get3A_4 = vector.load %arg1[%get3A, %get3A_3] : memref<512x128xi32, #tpu.memory_space<vmem>>, vector<512x1xi32>
    %get3A_5 = arith.constant 0 : index
    %get3A_6 = arith.constant 0 : index
    %get3A_7 = vector.load %arg2[%get3A_5, %get3A_6] : memref<512x128xi32, #tpu.memory_space<vmem>>, vector<512x1xi32>
    %select_n3A = arith.select %lt3A_2, %get3A_4, %get3A_7 : vector<512x1xi32>
    %iota3A = tpu.iota {dimensions = array<i32: 1>} : vector<512x128xi32>
    %eq3A_8 = vector.broadcast %select_n3A : vector<512x1xi32> to vector<512x128xi32>
    %eq3A_9 = arith.cmpi eq, %iota3A, %eq3A_8 : vector<512x128xi32>
    %convert_element_type3A_10 = arith.extui %eq3A_9 : vector<512x128xi1> to vector<512x128xi32>
    %convert_element_type3A_11 = arith.sitofp %convert_element_type3A_10 : vector<512x128xi32> to vector<512x128xf32>
    %get3A_12 = arith.constant 0 : index
    %get3A_13 = arith.constant 0 : index
    %get3A_14 = arith.constant 0 : index
    %get3A_15 = vector.load %arg3[%get3A_12, %get3A_13, %get3A_14] : memref<8x1x128xi32, #tpu.memory_space<vmem>>, vector<8x1x128xi32>
    %reduce_sum3A = arith.constant dense<0> : vector<1x128xi32>
    %reduce_sum3A_16 = vector.multi_reduction <add>, %get3A_15, %reduce_sum3A [0] : vector<8x1x128xi32> to vector<1x128xi32>
    %get3A_17 = arith.constant 0 : index
    %get3A_18 = arith.constant 0 : index
    %get3A_19 = arith.constant 0 : index
    %get3A_20 = vector.load %arg4[%get3A_17, %get3A_18, %get3A_19] : memref<8x1x128xi32, #tpu.memory_space<vmem>>, vector<8x1x128xi32>
    %reduce_sum3A_21 = arith.constant dense<0> : vector<1x128xi32>
    %reduce_sum3A_22 = vector.multi_reduction <add>, %get3A_20, %reduce_sum3A_21 [0] : vector<8x1x128xi32> to vector<1x128xi32>
    %add3A = arith.addi %reduce_sum3A_16, %reduce_sum3A_22 : vector<1x128xi32>
    %add3A_23 = arith.constant 255 : i32
    %add3A_24 = vector.broadcast %add3A_23 : i32 to vector<1x128xi32>
    %add3A_25 = arith.addi %add3A, %add3A_24 : vector<1x128xi32>
    %jit3A = arith.constant 256 : i32
    %div3A = vector.broadcast %jit3A : i32 to vector<1x128xi32>
    %div3A_26 = arith.divsi %add3A_25, %div3A : vector<1x128xi32>
    %sign3A = arith.constant 0 : i32
    %sign3A_27 = vector.broadcast %sign3A : i32 to vector<1x128xi32>
    %sign3A_28 = arith.cmpi sgt, %add3A_25, %sign3A_27 : vector<1x128xi32>
    %sign3A_29 = arith.extui %sign3A_28 : vector<1x128xi1> to vector<1x128xi32>
    %sign3A_30 = arith.constant 0 : i32
    %sign3A_31 = vector.broadcast %sign3A_30 : i32 to vector<1x128xi32>
    %sign3A_32 = arith.cmpi slt, %add3A_25, %sign3A_31 : vector<1x128xi32>
    %sign3A_33 = arith.extui %sign3A_32 : vector<1x128xi1> to vector<1x128xi32>
    %sign3A_34 = arith.subi %sign3A_29, %sign3A_33 : vector<1x128xi32>
    %sign3A_35 = arith.constant 0 : i32
    %sign3A_36 = arith.cmpi sgt, %jit3A, %sign3A_35 : i32
    %sign3A_37 = arith.extui %sign3A_36 : i1 to i32
    %sign3A_38 = arith.constant 0 : i32
    %sign3A_39 = arith.cmpi slt, %jit3A, %sign3A_38 : i32
    %sign3A_40 = arith.extui %sign3A_39 : i1 to i32
    %sign3A_41 = arith.subi %sign3A_37, %sign3A_40 : i32
    %ne3A = vector.broadcast %sign3A_41 : i32 to vector<1x128xi32>
    %ne3A_42 = arith.cmpi ne, %sign3A_34, %ne3A : vector<1x128xi32>
    %rem3A = vector.broadcast %jit3A : i32 to vector<1x128xi32>
    %rem3A_43 = arith.remsi %add3A_25, %rem3A : vector<1x128xi32>
    %ne3A_44 = arith.constant 0 : i32
    %ne3A_45 = vector.broadcast %ne3A_44 : i32 to vector<1x128xi32>
    %ne3A_46 = arith.cmpi ne, %rem3A_43, %ne3A_45 : vector<1x128xi32>
    %and3A = arith.andi %ne3A_42, %ne3A_46 : vector<1x128xi1>
    %sub3A = arith.constant 1 : i32
    %sub3A_47 = vector.broadcast %sub3A : i32 to vector<1x128xi32>
    %sub3A_48 = arith.subi %div3A_26, %sub3A_47 : vector<1x128xi32>
    %select_n3A_49 = arith.select %and3A, %sub3A_48, %div3A_26 : vector<1x128xi1>, vector<1x128xi32>
    %mul3A = arith.constant 256 : i32
    %mul3A_50 = vector.broadcast %mul3A : i32 to vector<1x128xi32>
    %mul3A_51 = arith.muli %select_n3A_49, %mul3A_50 : vector<1x128xi32>
    %convert_element_type3A_52 = arith.sitofp %mul3A_51 : vector<1x128xi32> to vector<1x128xf32>
    %iota3A_53 = tpu.iota {dimensions = array<i32: 0>} : vector<128x128xi32>
    %iota3A_54 = tpu.iota {dimensions = array<i32: 1>} : vector<128x128xi32>
    %lt3A_55 = arith.cmpi slt, %iota3A_53, %iota3A_54 : vector<128x128xi32>
    %convert_element_type3A_56 = arith.extui %lt3A_55 : vector<128x128xi1> to vector<128x128xi32>
    %convert_element_type3A_57 = arith.sitofp %convert_element_type3A_56 : vector<128x128xi32> to vector<128x128xf32>
    %dot_general3A = arith.constant dense<0.000000e+00> : vector<1x128xf32>
    %dot_general3A_58 = tpu.matmul %convert_element_type3A_52, %convert_element_type3A_57, %dot_general3A {dimension_numbers = #tpu.dot_dimension_numbers<[1], [0], [0], [1], [0, 0, 1, 1], [], []>, transpose_lhs_hint = false} : vector<1x128xf32>, vector<128x128xf32>, vector<1x128xf32> -> vector<1x128xf32>
    %iota3A_59 = tpu.iota {dimensions = array<i32: 0>} : vector<512x512xi32>
    %iota3A_60 = tpu.iota {dimensions = array<i32: 1>} : vector<512x512xi32>
    %le3A = arith.cmpi sle, %iota3A_60, %iota3A_59 : vector<512x512xi32>
    %convert_element_type3A_61 = arith.extui %le3A : vector<512x512xi1> to vector<512x512xi32>
    %convert_element_type3A_62 = arith.sitofp %convert_element_type3A_61 : vector<512x512xi32> to vector<512x512xf32>
    %dot_general3A_63 = arith.constant dense<0.000000e+00> : vector<512x128xf32>
    %dot_general3A_64 = tpu.matmul %convert_element_type3A_62, %convert_element_type3A_11, %dot_general3A_63 {dimension_numbers = #tpu.dot_dimension_numbers<[1], [0], [0], [1], [0, 0, 1, 1], [], []>, transpose_lhs_hint = false} : vector<512x512xf32>, vector<512x128xf32>, vector<512x128xf32> -> vector<512x128xf32>
    %get3A_65 = arith.constant 0 : index
    %get3A_66 = arith.constant 0 : index
    %get3A_67 = vector.load %arg7[%get3A_65, %get3A_66] : memref<8x128xf32, #tpu.memory_space<vmem>>, vector<1x128xf32>
    %add3A_68 = arith.addf %dot_general3A_58, %get3A_67 : vector<1x128xf32>
    %add3A_69 = vector.broadcast %add3A_68 : vector<1x128xf32> to vector<512x128xf32>
    %add3A_70 = arith.addf %add3A_69, %dot_general3A_64 : vector<512x128xf32>
    %sub3A_71 = arith.constant 1.000000e+00 : f32
    %sub3A_72 = vector.broadcast %sub3A_71 : f32 to vector<512x128xf32>
    %sub3A_73 = arith.subf %add3A_70, %sub3A_72 : vector<512x128xf32>
    %mul3A_74 = arith.mulf %convert_element_type3A_11, %sub3A_73 : vector<512x128xf32>
    %reduce_sum3A_75 = arith.constant dense<0.000000e+00> : vector<512xf32>
    %reduce_sum3A_76 = vector.multi_reduction <add>, %mul3A_74, %reduce_sum3A_75 [1] : vector<512x128xf32> to vector<512xf32>
    %broadcast_in_dim3A = vector.shape_cast %reduce_sum3A_76 : vector<512xf32> to vector<512x1xf32>
    %broadcast_in_dim3A_77 = arith.constant 0.000000e+00 : f32
    %broadcast_in_dim3A_78 = vector.broadcast %broadcast_in_dim3A_77 : f32 to vector<512x128xf32>
    %add3A_79 = vector.broadcast %broadcast_in_dim3A : vector<512x1xf32> to vector<512x128xf32>
    %add3A_80 = arith.addf %add3A_79, %broadcast_in_dim3A_78 : vector<512x128xf32>
    %convert_element_type3A_81 = arith.fptosi %add3A_80 : vector<512x128xf32> to vector<512x128xi32>
    %swap3A = arith.constant 0 : index
    %swap3A_82 = arith.constant 0 : index
    %swap3A_83 = vector.load %arg5[%swap3A, %swap3A_82] : memref<512x128xi32, #tpu.memory_space<vmem>>, vector<512x128xi32>
    tpu.vector_store %arg5[%swap3A, %swap3A_82], %convert_element_type3A_81 {strides = array<i32>} : memref<512x128xi32, #tpu.memory_space<vmem>>, vector<512x128xi32>,
    %reduce_sum3A_84 = arith.constant dense<0.000000e+00> : vector<128xf32>
    %reduce_sum3A_85 = vector.multi_reduction <add>, %convert_element_type3A_11, %reduce_sum3A_84 [0] : vector<512x128xf32> to vector<128xf32>
    %broadcast_in_dim3A_86 = vector.shape_cast %reduce_sum3A_85 : vector<128xf32> to vector<1x128xf32>
    %add3A_87 = arith.addf %get3A_67, %broadcast_in_dim3A_86 : vector<1x128xf32>
    %broadcast_in_dim3A_88 = vector.shape_cast %add3A_87 : vector<1x128xf32> to vector<1x128xf32>
    %broadcast_in_dim3A_89 = vector.broadcast %broadcast_in_dim3A_88 : vector<1x128xf32> to vector<8x128xf32>
    %swap3A_90 = arith.constant 0 : index
    %swap3A_91 = arith.constant 0 : index
    %swap3A_92 = vector.load %arg7[%swap3A_90, %swap3A_91] : memref<8x128xf32, #tpu.memory_space<vmem>>, vector<8x128xf32>
    tpu.vector_store %arg7[%swap3A_90, %swap3A_91], %broadcast_in_dim3A_89 {strides = array<i32>} : memref<8x128xf32, #tpu.memory_space<vmem>>, vector<8x128xf32>,
    %add3A_93 = arith.addf %dot_general3A_58, %convert_element_type3A_52 : vector<1x128xf32>
    %iota3A_94 = tpu.iota {dimensions = array<i32: 0>} : vector<128x128xi32>
    %iota3A_95 = tpu.iota {dimensions = array<i32: 1>} : vector<128x128xi32>
    %mul3A_96 = arith.constant 256 : i32
    %mul3A_97 = vector.broadcast %mul3A_96 : i32 to vector<128x128xi32>
    %mul3A_98 = arith.muli %iota3A_94, %mul3A_97 : vector<128x128xi32>
    %convert_element_type3A_99 = arith.sitofp %mul3A_98 : vector<128x128xi32> to vector<128x128xf32>
    %lt3A_100 = arith.constant 8 : i32
    %lt3A_101 = vector.broadcast %lt3A_100 : i32 to vector<128x128xi32>
    %lt3A_102 = arith.cmpi slt, %iota3A_95, %lt3A_101 : vector<128x128xi32>
    %ge3A = vector.broadcast %add3A_93 : vector<1x128xf32> to vector<128x128xf32>
    %ge3A_103 = arith.cmpf oge, %convert_element_type3A_99, %ge3A : vector<128x128xf32>
    %and3A_104 = arith.andi %lt3A_102, %ge3A_103 : vector<128x128xi1>
    %jit3A_105 = arith.constant 1 : i32
    %jit3A_106 = arith.constant 0 : i32
    %broadcast_in_dim3A_107 = vector.broadcast %jit3A_105 : i32 to vector<128x128xi32>
    %broadcast_in_dim3A_108 = vector.broadcast %jit3A_106 : i32 to vector<128x128xi32>
    %select_n3A_109 = arith.select %and3A_104, %broadcast_in_dim3A_107, %broadcast_in_dim3A_108 : vector<128x128xi1>, vector<128x128xi32>
    %reduce_sum3A_110 = arith.constant dense<0> : vector<128xi32>
    %reduce_sum3A_111 = vector.multi_reduction <add>, %select_n3A_109, %reduce_sum3A_110 [1] : vector<128x128xi32> to vector<128xi32>
    %broadcast_in_dim3A_112 = vector.shape_cast %reduce_sum3A_111 : vector<128xi32> to vector<128x1xi32>
    %min3A = arith.constant 7 : i32
    %min3A_113 = vector.broadcast %min3A : i32 to vector<128x1xi32>
    %min3A_114 = arith.minsi %broadcast_in_dim3A_112, %min3A_113 : vector<128x1xi32>
    %broadcast_in_dim3A_115 = arith.constant 0 : i32
    %broadcast_in_dim3A_116 = vector.broadcast %broadcast_in_dim3A_115 : i32 to vector<128x128xi32>
    %add3A_117 = vector.broadcast %min3A_114 : vector<128x1xi32> to vector<128x128xi32>
    %add3A_118 = arith.addi %add3A_117, %broadcast_in_dim3A_116 : vector<128x128xi32>
    %swap3A_119 = arith.constant 0 : index
    %swap3A_120 = arith.constant 0 : index
    %swap3A_121 = vector.load %arg6[%swap3A_119, %swap3A_120] : memref<128x128xi32, #tpu.memory_space<vmem>>, vector<128x128xi32>
    tpu.vector_store %arg6[%swap3A_119, %swap3A_120], %add3A_118 {strides = array<i32>} : memref<128x128xi32, #tpu.memory_space<vmem>>, vector<128x128xi32>,
    return
  }
  func.func @transform_0(%arg0: i32) -> (i32, i32) {
    %jit3A = arith.constant 8 : i32
    %eq3A = arith.constant 0 : i32
    %eq3A_0 = arith.cmpi eq, %jit3A, %eq3A : i32
    %jit3A_1 = arith.constant 1 : i32
    %select_n3A = arith.select %eq3A_0, %jit3A_1, %jit3A : i32
    %rem3A = arith.remsi %arg0, %select_n3A : i32
    %ne3A = arith.constant 0 : i32
    %ne3A_2 = arith.cmpi ne, %rem3A, %ne3A : i32
    %lt3A = arith.constant 0 : i32
    %lt3A_3 = arith.cmpi slt, %rem3A, %lt3A : i32
    %lt3A_4 = arith.constant 0 : i32
    %lt3A_5 = arith.cmpi slt, %select_n3A, %lt3A_4 : i32
    %ne3A_6 = arith.xori %lt3A_3, %lt3A_5 : i1
    %and3A = arith.andi %ne3A_6, %ne3A_2 : i1
    %add3A = arith.addi %rem3A, %select_n3A : i32
    %select_n3A_7 = arith.select %and3A, %add3A, %rem3A : i32
    %c0_i32 = arith.constant 0 : i32
    %c0_i32_8 = arith.constant 0 : i32
    return %select_n3A_7, %c0_i32 : i32, i32
  }
  func.func @transform_1(%arg0: i32) -> (i32, i32) {
    %jit3A = arith.constant 8 : i32
    %eq3A = arith.constant 0 : i32
    %eq3A_0 = arith.cmpi eq, %jit3A, %eq3A : i32
    %jit3A_1 = arith.constant 1 : i32
    %select_n3A = arith.select %eq3A_0, %jit3A_1, %jit3A : i32
    %rem3A = arith.remsi %arg0, %select_n3A : i32
    %ne3A = arith.constant 0 : i32
    %ne3A_2 = arith.cmpi ne, %rem3A, %ne3A : i32
    %lt3A = arith.constant 0 : i32
    %lt3A_3 = arith.cmpi slt, %rem3A, %lt3A : i32
    %lt3A_4 = arith.constant 0 : i32
    %lt3A_5 = arith.cmpi slt, %select_n3A, %lt3A_4 : i32
    %ne3A_6 = arith.xori %lt3A_3, %lt3A_5 : i1
    %and3A = arith.andi %ne3A_6, %ne3A_2 : i1
    %add3A = arith.addi %rem3A, %select_n3A : i32
    %select_n3A_7 = arith.select %and3A, %add3A, %rem3A : i32
    %c0_i32 = arith.constant 0 : i32
    %c0_i32_8 = arith.constant 0 : i32
    return %select_n3A_7, %c0_i32 : i32, i32
  }
  func.func @transform_2(%arg0: i32) -> (i32, i32, i32) {
    %c0_i32 = arith.constant 0 : i32
    %c0_i32_0 = arith.constant 0 : i32
    %c0_i32_1 = arith.constant 0 : i32
    %c0_i32_2 = arith.constant 0 : i32
    return %c0_i32, %c0_i32_0, %c0_i32_1 : i32, i32, i32
  }
  func.func @transform_3(%arg0: i32) -> (i32, i32, i32) {
    %c0_i32 = arith.constant 0 : i32
    %c0_i32_0 = arith.constant 0 : i32
    %c0_i32_1 = arith.constant 0 : i32
    %c0_i32_2 = arith.constant 0 : i32
    return %c0_i32, %c0_i32_0, %c0_i32_1 : i32, i32, i32
  }
  func.func @transform_4(%arg0: i32) -> (i32, i32) {
    %c0_i32 = arith.constant 0 : i32
    %c0_i32_0 = arith.constant 0 : i32
    return %arg0, %c0_i32 : i32, i32
  }
  func.func @transform_5(%arg0: i32) -> (i32, i32) {
    %c0_i32 = arith.constant 0 : i32
    %c0_i32_0 = arith.constant 0 : i32
    %c0_i32_1 = arith.constant 0 : i32
    return %c0_i32, %c0_i32_0 : i32, i32
  }
}

module attributes {stable_mosaic.version = 14 : i64} {
  func.func @_ffn_body(%arg0: i32, %arg1: memref<40xi32, #tpu.memory_space<smem>>, %arg2: memref<256x1024xf32, #tpu.memory_space<vmem>>, %arg3: memref<1x1024x1024xf32, #tpu.memory_space<vmem>>, %arg4: memref<1x1x1024xf32, #tpu.memory_space<vmem>>, %arg5: memref<1x1024x1024xf32, #tpu.memory_space<vmem>>, %arg6: memref<1x1x1024xf32, #tpu.memory_space<vmem>>, %arg7: memref<256x1024xf32, #tpu.memory_space<vmem>>) attributes {dimension_semantics = [#tpu.dimension_semantics<arbitrary>], iteration_bounds = array<i64: 40>, scalar_prefetch = 1 : i64, scratch_operands = 0 : i64, tpu.core_type = #tpu.core_type<tc>, window_params = [{transform_indices = @transform_0, window_bounds = array<i64: 256, 1024>}, {transform_indices = @transform_1, window_bounds = array<i64: 1, 1024, 1024>}, {transform_indices = @transform_2, window_bounds = array<i64: 1, 1, 1024>}, {transform_indices = @transform_3, window_bounds = array<i64: 1, 1024, 1024>}, {transform_indices = @transform_4, window_bounds = array<i64: 1, 1, 1024>}, {transform_indices = @transform_5, window_bounds = array<i64: 256, 1024>}]} {
    %get3A = arith.constant 0 : index
    %get3A_0 = arith.constant 0 : index
    %get3A_1 = vector.load %arg2[%get3A, %get3A_0] : memref<256x1024xf32, #tpu.memory_space<vmem>>, vector<256x1024xf32>
    %get3A_2 = arith.constant 0 : index
    %get3A_3 = arith.constant 0 : index
    %get3A_4 = arith.constant 0 : index
    %get3A_5 = vector.load %arg3[%get3A_2, %get3A_3, %get3A_4] : memref<1x1024x1024xf32, #tpu.memory_space<vmem>>, vector<1x1024x1024xf32>
    %get3A_6 = vector.shape_cast %get3A_5 : vector<1x1024x1024xf32> to vector<1024x1024xf32>
    %dot_general3A = arith.constant dense<0.000000e+00> : vector<256x1024xf32>
    %dot_general3A_7 = tpu.matmul %get3A_1, %get3A_6, %dot_general3A {dimension_numbers = #tpu.dot_dimension_numbers<[1], [0], [0], [1], [0, 0, 1, 1], [], []>, transpose_lhs_hint = false} : vector<256x1024xf32>, vector<1024x1024xf32>, vector<256x1024xf32> -> vector<256x1024xf32>
    %get3A_8 = arith.constant 0 : index
    %get3A_9 = arith.constant 0 : index
    %get3A_10 = arith.constant 0 : index
    %get3A_11 = vector.load %arg4[%get3A_8, %get3A_9, %get3A_10] : memref<1x1x1024xf32, #tpu.memory_space<vmem>>, vector<1x1x1024xf32>
    %get3A_12 = vector.shape_cast %get3A_11 : vector<1x1x1024xf32> to vector<1x1024xf32>
    %add3A = vector.broadcast %get3A_12 : vector<1x1024xf32> to vector<256x1024xf32>
    %add3A_13 = arith.addf %dot_general3A_7, %add3A : vector<256x1024xf32>
    %max3A = arith.constant 0.000000e+00 : f32
    %max3A_14 = vector.broadcast %max3A : f32 to vector<256x1024xf32>
    %max3A_15 = arith.maximumf %add3A_13, %max3A_14 : vector<256x1024xf32>
    %get3A_16 = arith.constant 0 : index
    %get3A_17 = arith.constant 0 : index
    %get3A_18 = arith.constant 0 : index
    %get3A_19 = vector.load %arg5[%get3A_16, %get3A_17, %get3A_18] : memref<1x1024x1024xf32, #tpu.memory_space<vmem>>, vector<1x1024x1024xf32>
    %get3A_20 = vector.shape_cast %get3A_19 : vector<1x1024x1024xf32> to vector<1024x1024xf32>
    %dot_general3A_21 = arith.constant dense<0.000000e+00> : vector<256x1024xf32>
    %dot_general3A_22 = tpu.matmul %max3A_15, %get3A_20, %dot_general3A_21 {dimension_numbers = #tpu.dot_dimension_numbers<[1], [0], [0], [1], [0, 0, 1, 1], [], []>, transpose_lhs_hint = false} : vector<256x1024xf32>, vector<1024x1024xf32>, vector<256x1024xf32> -> vector<256x1024xf32>
    %get3A_23 = arith.constant 0 : index
    %get3A_24 = arith.constant 0 : index
    %get3A_25 = arith.constant 0 : index
    %get3A_26 = vector.load %arg6[%get3A_23, %get3A_24, %get3A_25] : memref<1x1x1024xf32, #tpu.memory_space<vmem>>, vector<1x1x1024xf32>
    %get3A_27 = vector.shape_cast %get3A_26 : vector<1x1x1024xf32> to vector<1x1024xf32>
    %add3A_28 = vector.broadcast %get3A_27 : vector<1x1024xf32> to vector<256x1024xf32>
    %add3A_29 = arith.addf %dot_general3A_22, %add3A_28 : vector<256x1024xf32>
    %swap3A = arith.constant 0 : index
    %swap3A_30 = arith.constant 0 : index
    %swap3A_31 = vector.load %arg7[%swap3A, %swap3A_30] : memref<256x1024xf32, #tpu.memory_space<vmem>>, vector<256x1024xf32>
    tpu.vector_store %arg7[%swap3A, %swap3A_30], %add3A_29 {strides = array<i32>} : memref<256x1024xf32, #tpu.memory_space<vmem>>, vector<256x1024xf32>,
    return
  }
  func.func @transform_0(%arg0: i32, %arg1: memref<40xi32, #tpu.memory_space<smem>>) -> (i32, i32) {
    %c0_i32 = arith.constant 0 : i32
    %c0_i32_0 = arith.constant 0 : i32
    return %arg0, %c0_i32 : i32, i32
  }
  func.func @transform_1(%arg0: i32, %arg1: memref<40xi32, #tpu.memory_space<smem>>) -> (i32, i32, i32) {
    %get3A = arith.index_cast %arg0 : i32 to index
    %get3A_0 = memref.load %arg1[%get3A] : memref<40xi32, #tpu.memory_space<smem>>
    %c0_i32 = arith.constant 0 : i32
    %c0_i32_1 = arith.constant 0 : i32
    %c0_i32_2 = arith.constant 0 : i32
    return %get3A_0, %c0_i32, %c0_i32_1 : i32, i32, i32
  }
  func.func @transform_2(%arg0: i32, %arg1: memref<40xi32, #tpu.memory_space<smem>>) -> (i32, i32, i32) {
    %get3A = arith.index_cast %arg0 : i32 to index
    %get3A_0 = memref.load %arg1[%get3A] : memref<40xi32, #tpu.memory_space<smem>>
    %c0_i32 = arith.constant 0 : i32
    %c0_i32_1 = arith.constant 0 : i32
    %c0_i32_2 = arith.constant 0 : i32
    return %get3A_0, %c0_i32, %c0_i32_1 : i32, i32, i32
  }
  func.func @transform_3(%arg0: i32, %arg1: memref<40xi32, #tpu.memory_space<smem>>) -> (i32, i32, i32) {
    %get3A = arith.index_cast %arg0 : i32 to index
    %get3A_0 = memref.load %arg1[%get3A] : memref<40xi32, #tpu.memory_space<smem>>
    %c0_i32 = arith.constant 0 : i32
    %c0_i32_1 = arith.constant 0 : i32
    %c0_i32_2 = arith.constant 0 : i32
    return %get3A_0, %c0_i32, %c0_i32_1 : i32, i32, i32
  }
  func.func @transform_4(%arg0: i32, %arg1: memref<40xi32, #tpu.memory_space<smem>>) -> (i32, i32, i32) {
    %get3A = arith.index_cast %arg0 : i32 to index
    %get3A_0 = memref.load %arg1[%get3A] : memref<40xi32, #tpu.memory_space<smem>>
    %c0_i32 = arith.constant 0 : i32
    %c0_i32_1 = arith.constant 0 : i32
    %c0_i32_2 = arith.constant 0 : i32
    return %get3A_0, %c0_i32, %c0_i32_1 : i32, i32, i32
  }
  func.func @transform_5(%arg0: i32, %arg1: memref<40xi32, #tpu.memory_space<smem>>) -> (i32, i32) {
    %c0_i32 = arith.constant 0 : i32
    %c0_i32_0 = arith.constant 0 : i32
    return %arg0, %c0_i32 : i32, i32
  }
}

module attributes {stable_mosaic.version = 14 : i64} {
  func.func @_combine_body(%arg0: i32, %arg1: memref<512x1024xf32, #tpu.memory_space<vmem>>, %arg2: memref<512x1024xf32, #tpu.memory_space<vmem>>, %arg3: memref<512x128xf32, #tpu.memory_space<vmem>>, %arg4: memref<512x128xf32, #tpu.memory_space<vmem>>, %arg5: memref<512x1024xf32, #tpu.memory_space<vmem>>) attributes {dimension_semantics = [#tpu.dimension_semantics<arbitrary>], iteration_bounds = array<i64: 8>, scalar_prefetch = 0 : i64, scratch_operands = 0 : i64, tpu.core_type = #tpu.core_type<tc>, window_params = [{transform_indices = @transform_0, window_bounds = array<i64: 512, 1024>}, {transform_indices = @transform_1, window_bounds = array<i64: 512, 1024>}, {transform_indices = @transform_2, window_bounds = array<i64: 512, 128>}, {transform_indices = @transform_3, window_bounds = array<i64: 512, 128>}, {transform_indices = @transform_4, window_bounds = array<i64: 512, 1024>}]} {
    %get3A = arith.constant 0 : index
    %get3A_0 = arith.constant 0 : index
    %get3A_1 = vector.load %arg3[%get3A, %get3A_0] : memref<512x128xf32, #tpu.memory_space<vmem>>, vector<512x1xf32>
    %get3A_2 = arith.constant 0 : index
    %get3A_3 = arith.constant 0 : index
    %get3A_4 = vector.load %arg1[%get3A_2, %get3A_3] : memref<512x1024xf32, #tpu.memory_space<vmem>>, vector<512x1024xf32>
    %mul3A = vector.broadcast %get3A_1 : vector<512x1xf32> to vector<512x1024xf32>
    %mul3A_5 = arith.mulf %mul3A, %get3A_4 : vector<512x1024xf32>
    %get3A_6 = arith.constant 0 : index
    %get3A_7 = arith.constant 0 : index
    %get3A_8 = vector.load %arg4[%get3A_6, %get3A_7] : memref<512x128xf32, #tpu.memory_space<vmem>>, vector<512x1xf32>
    %get3A_9 = arith.constant 0 : index
    %get3A_10 = arith.constant 0 : index
    %get3A_11 = vector.load %arg2[%get3A_9, %get3A_10] : memref<512x1024xf32, #tpu.memory_space<vmem>>, vector<512x1024xf32>
    %mul3A_12 = vector.broadcast %get3A_8 : vector<512x1xf32> to vector<512x1024xf32>
    %mul3A_13 = arith.mulf %mul3A_12, %get3A_11 : vector<512x1024xf32>
    %add3A = arith.addf %mul3A_5, %mul3A_13 : vector<512x1024xf32>
    %swap3A = arith.constant 0 : index
    %swap3A_14 = arith.constant 0 : index
    %swap3A_15 = vector.load %arg5[%swap3A, %swap3A_14] : memref<512x1024xf32, #tpu.memory_space<vmem>>, vector<512x1024xf32>
    tpu.vector_store %arg5[%swap3A, %swap3A_14], %add3A {strides = array<i32>} : memref<512x1024xf32, #tpu.memory_space<vmem>>, vector<512x1024xf32>,
    return
  }
  func.func @transform_0(%arg0: i32) -> (i32, i32) {
    %c0_i32 = arith.constant 0 : i32
    %c0_i32_0 = arith.constant 0 : i32
    return %arg0, %c0_i32 : i32, i32
  }
  func.func @transform_1(%arg0: i32) -> (i32, i32) {
    %add3A = arith.constant 8 : i32
    %add3A_0 = arith.addi %arg0, %add3A : i32
    %c0_i32 = arith.constant 0 : i32
    %c0_i32_1 = arith.constant 0 : i32
    return %add3A_0, %c0_i32 : i32, i32
  }
  func.func @transform_2(%arg0: i32) -> (i32, i32) {
    %c0_i32 = arith.constant 0 : i32
    %c0_i32_0 = arith.constant 0 : i32
    return %arg0, %c0_i32 : i32, i32
  }
  func.func @transform_3(%arg0: i32) -> (i32, i32) {
    %c0_i32 = arith.constant 0 : i32
    %c0_i32_0 = arith.constant 0 : i32
    return %arg0, %c0_i32 : i32, i32
  }
  func.func @transform_4(%arg0: i32) -> (i32, i32) {
    %c0_i32 = arith.constant 0 : i32
    %c0_i32_0 = arith.constant 0 : i32
    return %arg0, %c0_i32 : i32, i32
  }
}

</mosaic_0001>

<sc_bundles>
// kernel: kernel.11.cloned.1.call-start
scs
__scs_entry_jumppad:
0x0: {  	(pc) =	sbr.rel $0x88, $3  }
0x1: {  	(tag) =	ssettag $0x0;
	lr =	simm.s32 $0x1  }
0x2: {  	[smem:$0x3F9A] =	sst lr;
	_ =	strace $0xD0000000  }
0x3: {  	_ = 	snop  }
0x4: {  	_ = 	snop  }
0x5: {  	_ = 	snop  }
0x6: {  	_ = 	snop  }
0x7: {  	_ = 	snop  }
__scs_overlays_trampoline_lowered:
0x8: {  	[smem:$0x3FA9] =	sst s0  }
0x9: {  	[smem:$0x3FAA] =	sst s1  }
0xa: {  	[smem:$0x3FAB] =	sst s2  }
0xb: {  	[smem:$0x3FAC] =	sst s3  }
0xc: {  	[smem:$0x3FAD] =	sst s4  }
0xd: {  	[smem:$0x3FAE] =	sst s5  }
0xe: {  	[smem:$0x3FAF] =	sst s6  }
0xf: {  	[smem:$0x3FB0] =	sst s7  }
0x10: {  	[smem:$0x3FB1] =	sst s8  }
0x11: {  	[smem:$0x3FB2] =	sst s9;
	s0 =	simm.s32 @!p0 $0x0  }
0x12: {  	s1 =	sld [smem:$0x3F98];
	s0 =	simm.s32 @p0 $0x1  }
0x13: {  	[smem:$0x3FB3] =	sst s0;
	s0 =	simm.s32 @!p1 $0x0  }
0x14: {  	s2 =	sld [smem:$0x3F97];
	s0 =	simm.s32 @p1 $0x1  }
0x15: {  	[smem:$0x3FB4] =	sst s0;
	s0 =	simm.s32 @!p2 $0x0  }
0x16: {  	s3 =	sld [smem:$0x3FDB];
	s0 =	simm.s32 @p2 $0x1  }
0x17: {  	s4 =	simm.s32 $0x1BF5;
	[smem:$0x3FB6] =	sst s0  }
0x18: {  	s0 =	sld [smem:$0x3F99];
	_ =	swait.ge [sflag:s4], $0x0  }
0x19: {  	s7 =	sld [smem:$0x3F9A]  }
0x1a: {  	s8 =	sadd.s32 $0xFFFFE003, lr  }
0x1b: {  	s9 =	sadd.s32 $0xFFFFFEF7, lr;
	s5 =	simm.s32 $0xFFFFFFFF;
	p2 =	slt.u32 s8, $0xFFFFF086  }
0x1c: {  	p1 =	slt.u32 s9, $0xF7A;
	s5 =	simm.s32 @!p2 $0x0  }
0x1d: {  	s5 =	simm.s32 @p1 $0x1;
	p0 =	seq.s32 s7, s2  }
0x1e: {  	s7 =	smul.u32 @!p0 $0xF7A, s2;
	p2 =	seq.s32 @!p0 s5, $0x0  }
0x1f: {  	s9 =	smul.u32 $0xF7A, s1;
	s8 =	simm.s32 @!p0 $0x1BF5;
	p2 =	por !p2, p0  }
0x20: {  	[sflag:s8] =	ssyncset.s32 @!p0 $0xFFFFF086;
	s6 =	sadd.s32 @!p0 s3, s7;
	s7 =	simm.s32 @!p0 $0x108  }
0x21: {  	s3 =	sadd.s32 s3, s9;
	s6 =	sadd.s32 @!p0 $0x88, s6;
	s7 =	simm.s32 @p2 $0x1082  }
0x22: {  	[simem:s7], [sflag:s8] =	dma.local @!p0 [hbm:s6], $0xF7A  }
0x23: {  	s9 =	sor.u32 $0xD0000000, s2;
	s6 =	simm.s32 $0x108;
	_ =	swait.ge @!p0 [sflag:s8], $0x0  }
0x24: {  	s3 =	sadd.s32 $0x88, s3;
	s6 =	simm.s32 @!p1 $0x1082;
	[sflag:s4] =	ssyncset.s32 $0xFFFFF086  }
0x25: {  	[simem:s6], [sflag:s4] =	dma.local [hbm:s3], $0xF7A  }
0x26: {  	[smem:$0x3F9A] =	sst s1;
	(tag) =	ssettag s2;
	_ =	strace s9  }
0x27: {  	s1 =	sld [smem:$0x3FAA]  }
0x28: {  	s2 =	sld [smem:$0x3FAB]  }
0x29: {  	s4 =	sld [smem:$0x3FAD]  }
0x2a: {  	p0 =	seq.s32 s5, $0x0;
	s5 =	sld [smem:$0x3FAE]  }
0x2b: {  	s6 =	sld [smem:$0x3FAF]  }
0x2c: {  	s7 =	sld [smem:$0x3FB0]  }
0x2d: {  	s3 =	simm.s32 $0x108;
	s8 =	sld [smem:$0x3FB1]  }
0x2e: {  	s3 =	simm.s32 @!p0 $0x1082;
	s9 =	sld [smem:$0x3FB2]  }
0x2f: {  	lr =	sadd.s32 s0, s3;
	s0 =	sld [smem:$0x3FA9]  }
0x30: {  	s3 =	sld [smem:$0x3FAC]  }
0x31: {  	[smem:$0x3FB5] =	sst s10  }
0x32: {  	s10 =	sld [smem:$0x3FB3];
	_ =	sdelay $0x3  }
0x33: {  	p0 =	seq.s32 s10, $0x1;
	s10 =	sld [smem:$0x3FB5];
	_ =	sdelay $0x3  }
0x34: {  	[smem:$0x3FB5] =	sst s10  }
0x35: {  	s10 =	sld [smem:$0x3FB4];
	_ =	sdelay $0x3  }
0x36: {  	p1 =	seq.s32 s10, $0x1;
	s10 =	sld [smem:$0x3FB5];
	_ =	sdelay $0x3  }
0x37: {  	[smem:$0x3FB5] =	sst s10  }
0x38: {  	s10 =	sld [smem:$0x3FB6]  }
0x39: {  	_ = 	snop;
	(pc) =	sbr.ind lr, $3  }
0x3a: {  	_ = 	snop  }
0x3b: {  	_ = 	snop  }
0x3c: {  	p2 =	seq.s32 s10, $0x1;
	s10 =	sld [smem:$0x3FB5]  }
0x3d: {  	_ =	shalt  }
0x3e: {  	_ =	shalt  }
0x3f: {  	_ =	shalt  }
0x40: {  	_ =	shalt  }
0x41: {  	_ =	shalt  }
0x42: {  	_ =	shalt  }
0x43: {  	_ =	shalt  }
0x44: {  	_ =	shalt  }
0x45: {  	_ =	shalt  }
0x46: {  	_ =	shalt  }
0x47: {  	_ =	shalt  }
0x48: {  	_ =	shalt  }
0x49: {  	_ =	shalt  }
0x4a: {  	_ =	shalt  }
0x4b: {  	_ =	shalt  }
0x4c: {  	_ =	shalt  }
0x4d: {  	_ =	shalt  }
0x4e: {  	_ =	shalt  }
0x4f: {  	_ =	shalt  }
0x50: {  	_ =	shalt  }
0x51: {  	_ =	shalt  }
0x52: {  	_ =	shalt  }
0x53: {  	_ =	shalt  }
0x54: {  	_ =	shalt  }
0x55: {  	_ =	shalt  }
0x56: {  	_ =	shalt  }
0x57: {  	_ =	shalt  }
0x58: {  	_ =	shalt  }
0x59: {  	_ =	shalt  }
0x5a: {  	_ =	shalt  }
0x5b: {  	_ =	shalt  }
0x5c: {  	_ =	shalt  }
0x5d: {  	_ =	shalt  }
0x5e: {  	_ =	shalt  }
0x5f: {  	_ =	shalt  }
0x60: {  	_ =	shalt  }
0x61: {  	_ =	shalt  }
0x62: {  	_ =	shalt  }
0x63: {  	_ =	shalt  }
0x64: {  	_ =	shalt  }
0x65: {  	_ =	shalt  }
0x66: {  	_ =	shalt  }
0x67: {  	_ =	shalt  }
0x68: {  	_ =	shalt  }
0x69: {  	_ =	shalt  }
0x6a: {  	_ =	shalt  }
0x6b: {  	_ =	shalt  }
0x6c: {  	_ =	shalt  }
0x6d: {  	_ =	shalt  }
0x6e: {  	_ =	shalt  }
0x6f: {  	_ =	shalt  }
0x70: {  	_ =	shalt  }
0x71: {  	_ =	shalt  }
0x72: {  	_ =	shalt  }
0x73: {  	_ =	shalt  }
0x74: {  	_ =	shalt  }
0x75: {  	_ =	shalt  }
0x76: {  	_ =	shalt  }
0x77: {  	_ =	shalt  }
0x78: {  	_ =	shalt  }
0x79: {  	_ =	shalt  }
0x7a: {  	_ =	shalt  }
0x7b: {  	_ =	shalt  }
0x7c: {  	_ =	shalt  }
0x7d: {  	_ =	shalt  }
0x7e: {  	_ =	shalt  }
0x7f: {  	_ =	shalt  }
0x80: {  	_ =	shalt  }
0x81: {  	_ =	shalt  }
0x82: {  	_ =	shalt  }
0x83: {  	_ =	shalt  }
0x84: {  	_ =	shalt  }
0x85: {  	_ =	shalt  }
0x86: {  	_ =	shalt  }
0x87: {  	_ =	shalt  }
.Lfunc_end0:
.L_simem_size_0:
called_computation.1_lowered:
.L_overlay_start_0:
0x88: {  	s2 =	sld [smem:$0x3FD9]  }
0x89: {  	s3 =	sld [smem:$0x3FFE];
	_ =	sdelay $0x1  }
0x8a: {  	s1 =	srdreg.scid  }
0x8b: {  	s0 =	sand.u32 $0x1, s1  }
0x8c: {  	s16 =	sshll.u32 s0, $0xA;
	s2 =	sadd.s32 s3, s2  }
0x8d: {  	s2 =	sadd.s32 s2, s16  }
0x8e: {  	[smem:$0x3FC1] =	sst s2  }
0x8f: {  	_ = 	snop  }
0x90: {  	(tm) =	ssettm $0x1  }
0x91: {  	s17 =	sld [smem:$0x3FFB];
	_ =	sdelay $0x3  }
0x92: {  	_ =	strace s17  }
0x93: {  	s2 =	sld [smem:$0x3FFC];
	_ =	sdelay $0x3  }
0x94: {  	_ =	strace s2  }
0x95: {  	s2 =	sld [smem:$0x3FFD];
	_ =	sdelay $0x3  }
0x96: {  	_ =	strace s2  }
0x97: {  	_ =	strace $0x8FFFFFFF  }
0x98: {  	s18 =	sld [smem:$0x3FDB];
	_ =	sdelay $0x1  }
0x99: {  	s19 =	simm.s32 $_scs_section_size  }
0x9a: {  	s4 =	simm.s32 $_size__tile_overlayer_lowered;
	s5 =	simm.s32 $_tile_overlayer_lowered  }
0x9b: {  	s22 =	simm.s32 $0x1BFF;
	s21 =	sshll.u32 s5, $0x1;
	s2 =	sadd.s32 s19, s18  }
0x9c: {  	s6 =	simm.s32 $0x0;
	s20 =	sshll.u32 s4, $0x1;
	s4 =	sadd.s32 s21, s2  }
0x9d: {  	[timem:s6], [sflag:s22] =	dma.local [hbm:s4], s20  }
0x9e: {  	_ =	swait.ge [sflag:s22], s20  }
0x9f: {  	s3 =	ssub.s32 $0x0, s20;
	[sflag:s22] =	ssyncset.done $0x0  }
0xa0: {  	[sflag:s22] =	ssyncadd.s32 s3;
	_ =	sdelay $0x1  }
0xa1: {  	s23 =	simm.s32 $0x1B8B  }
0xa2: {  	_ =	swait.ge [sflag:s23], $0x1  }
0xa3: {  	[sflag:s23] =	ssyncset.done $0x0  }
0xa4: {  	s25 =	simm.s32 $0x1B8E;
	s24 =	sld [smem:$0x3FFE];
	[sflag:s23] =	ssyncadd.s32 $0xFFFFFFFF  }
0xa5: {  	s26 =	simm.s32 $execute0_lowered;
	[smem:$0x3FD2] =	sst s25  }
0xa6: {  	s4 =	sshll.u32 s26, $0x1;
	_ =	strace $0x80000049;
	[dreg:$0x1] =	wrdreg $0xFFFFFFFF  }
0xa7: {  	s28 =	simm.s32 $_size_execute0_lowered;
	s2 =	sadd.s32 s2, s4;
	[dreg:$0x0] =	wrdreg $0x0  }
0xa8: {  	s4 =	sshll.u32 s28, $0x1;
	[dreg:$0x2] =	wrdreg s2  }
0xa9: {  	[dreg:$0x3] =	wrdreg s4  }
0xaa: {  	[dreg:$0x4] =	wrdreg $0xC0  }
0xab: {  	_ =	task [dreg:s6], $0x5FFFF  }
0xac: {  	[dreg:$0x1] =	wrdreg $0xFFFFFFFF  }
0xad: {  	[dreg:$0x0] =	wrdreg $0x60  }
0xae: {  	[dreg:$0x2] =	wrdreg s24  }
0xaf: {  	[dreg:$0x3] =	wrdreg $0x9  }
0xb0: {  	_ =	task.clear_ibuf [dreg:s6], $0x4FFFF;
	_ =	strace $0x90000049  }
0xb1: {  	s29 =	simm.s32 $0x9;
	_ =	strace $0x8000004B  }
0xb2: {  	_ =	swait.ge [sflag:s29], $0x1  }
0xb3: {  	[sflag:s29] =	ssyncadd.s32 $0xFFFFFFFF  }
0xb4: {  	_ =	strace $0x9000004B  }
0xb5: {  	_ =	sfence  }
0xb6: {  	s30 =	sld [smem:$0x0];
	_ =	sdelay $0x2  }
0xb7: {  	s31 =	sshll.u32 s1, $0xD;
	s1 =	sshrl.u32 s1, $0x2  }
0xb8: {  	s3 =	sand.u32 $0x4000, s31;
	s1 =	sadd.s32 s1, s30  }
0xb9: {  	s0 =	sor.u32 s3, s0;
	s1 =	sshll.u32 s1, $0x11  }
0xba: {  	s0 =	sor.u32 s1, s0  }
0xbb: {  	s0 =	sadd.s32 $0x8F2B, s0  }
0xbc: {  	[sflag:s0] =	ssyncadd.remote.s32 $0x1  }
0xbd: {  	_ =	sfence.sel $0xFFFF  }
0xbe: {  	[dreg:$0x0] =	wrdreg $0xFFFFFFFF;
	(pc) =	sbr.abs _section_cstart, $3  }
0xbf: {  	[dreg:$0x1] =	wrdreg $0xFFFFFFFF  }
0xc0: {  	_ =	task.clear_ibuf [dreg:s6], $0x2FFFF;
	_ =	strace $0x9FFFFFFF  }
0xc1: {  	(tm) =	ssettm $0x7FFFFFFF  }
tec
execute0_lowered:
.L_overlay_start_1:
0x0: {  	(tag) =	ssettag $0x1  }
0x1: {  	s0 =	rddreg [dreg:$0x0];
	s1 =	srdreg.scid  }
0x2: {  	s3 =	stileid.u32;
	s2 =	simm.s32 $0x0;
	s30 =	simm.s32 $0xA100  }
0x3: {  	s28 =	simm.s32 $0x1;
	s1 =	sand.u32 $0x1, s1;
	s3 =	sshll.u32 s3, $0x1  }
0x4: {  	s29 =	simm.s32 $0x2;
	[smem:$0x7FF] =	sst s2;
	s3 =	sor.u32 s1, s3  }
0x5: {  	s5 =	sadd.s32 $0x150A00, s0;
	s1 =	ssub.s32 $0x2, s1;
	s4 =	smul.u32 $0x140, s3  }
0x6: {  	s7 =	sadd.s32 $0x150400, s0;
	s6 =	smul.u32 $0xA000, s3;
	s16 =	sshrl.u32 s1, $0x1  }
0x7: {  	_ =	strace $0x8000004A;
	s3 =	sadd.s32 $0x10000, s0;
	s1 =	ssub.s32 s1, s16  }
0x8: {  	s6 =	sadd.s32 s5, s6;
	s8 =	sshrl.u32 s4, $0x3;
	s9 =	sor.u32 $0x28, s4  }
0x9: {  	s25 =	sadd.s32 $0x50, s4;
	s31 =	sadd.s32 $0x78, s4;
	s15 =	sadd.s32 $0xA0, s4  }
0xa: {  	[dreg:$0x2] =	wrdreg s6;
	s20 =	sadd.s32 s7, s8;
	s21 =	sshll.u32 s9, $0x7  }
0xb: {  	s23 =	sshrl.u32 s9, $0x3;
	s26 =	sshll.u32 s25, $0x7;
	s8 =	sshrl.u32 s25, $0x3  }
0xc: {  	s11 =	sshll.u32 s31, $0x7;
	[dreg:$0x3] =	wrdreg s20;
	s22 =	sadd.s32 s5, s21  }
0xd: {  	s13 =	sshrl.u32 s31, $0x3;
	s24 =	sadd.s32 s7, s23;
	[dreg:$0x4] =	wrdreg s22  }
0xe: {  	s17 =	sshll.u32 s15, $0x7;
	s6 =	sadd.s32 s5, s26;
	[dreg:$0x5] =	wrdreg s24  }
0xf: {  	s9 =	simm.s32 $0x3;
	s10 =	sadd.s32 s7, s8;
	[dreg:$0x6] =	wrdreg s6  }
0x10: {  	s12 =	sadd.s32 s5, s11;
	s14 =	sadd.s32 s7, s13;
	[dreg:$0x7] =	wrdreg s10  }
0x11: {  	s8 =	sshrl.u32 s15, $0x3;
	s23 =	sadd.s32 $0xF0, s4;
	[dreg:$0x8] =	wrdreg s12  }
0x12: {  	[dreg:$0x9] =	wrdreg s14;
	s6 =	sadd.s32 s5, s17;
	s10 =	sadd.s32 $0xC8, s4  }
0x13: {  	s18 =	sadd.s32 s7, s8;
	s24 =	sshll.u32 s23, $0x7;
	s8 =	sshrl.u32 s23, $0x3  }
0x14: {  	s4 =	sadd.s32 $0x118, s4;
	s23 =	simm.s32 $0x100;
	[dreg:$0xa] =	wrdreg s6  }
0x15: {  	s19 =	sshll.u32 s10, $0x7;
	[dreg:$0xb] =	wrdreg s18;
	s6 =	sadd.s32 s5, s24  }
0x16: {  	s21 =	sshrl.u32 s10, $0x3;
	s25 =	sadd.s32 s7, s8;
	[dreg:$0xe] =	wrdreg s6  }
0x17: {  	s26 =	sshll.u32 s4, $0x7;
	s20 =	sadd.s32 s5, s19;
	[dreg:$0xf] =	wrdreg s25  }
0x18: {  	s31 =	sshrl.u32 s4, $0x3;
	s22 =	sadd.s32 s7, s21;
	[dreg:$0xc] =	wrdreg s20  }
0x19: {  	v2 =	vlaneseq.u32;
	s4 =	sadd.s32 $0x10100, s0;
	s5 =	sadd.s32 s5, s26;
	[dreg:$0xd] =	wrdreg s22  }
0x1a: {  	vm0 =	vmmov $0xffff;
	v1 =	vshrl.u32 v2, $0x3;
	s7 =	sadd.s32 s7, s31;
	s6 =	sadd.s32 $0x10300, s0;
	[dreg:$0x10] =	wrdreg s5  }
0x1b: {  	v0 =	vand.u32 $0x7, v2;
	v2 =	vor.u32 $0x8, v2;
	v1 =	vmul.u32 $0x8, v1;
	s5 =	sadd.s32 $0x10200, s0;
	[dreg:$0x11] =	wrdreg s7;
	s7 =	smax.u32 s1, $0x1  }
.LBB2_1:
0x1c: {  	s31 =	rddreg [dreg:$0x2]  }
0x1d: {  	[tilespmem:s23], [sflag:$0x3] =	stream.linear.gather [hbm4b:s31+s2], $0xA000, $0x38;
	[tilespmem:$0x14100] =	vst v63  }
0x1e: {  	_ =	swait.ge [sflag:s9], $0xA000  }
0x1f: {  	[sflag:s9] =	ssyncset.done $0x0  }
0x20: {  	s19 =	rddreg [dreg:$0x3];
	[sflag:s9] =	ssyncadd.s32 $0xFFFF6000  }
0x21: {  	[tilespmem:s2], [sflag:$0x3] =	stream.linear.gather [hbm4b:s19+s2], $0x28, $0x38;
	[tilespmem:$0x14100] =	vst v63  }
0x22: {  	_ =	swait.ge [sflag:s9], $0x28  }
0x23: {  	[sflag:s9] =	ssyncset.done $0x0  }
0x24: {  	[sflag:s9] =	ssyncadd.s32 $0xFFFFFFD8  }
0x25: {  	v3 =	vld [tilespmem:$0x0];
	_ =	sdelay $0x4  }
0x26: {  	v4 =	vshll.u32 v3, $0x3  }
0x27: {  	v3 =	vand.u32 $0x7, v3;
	v4 =	vand.u32 $0xFFFFFFC0, v4  }
0x28: {  	v3 =	vor.u32 v3, v4  }
0x29: {  	v4 =	vperm.xlane v3, v0;
	_ =	sdelay $0x1  }
0x2a: {  	v4 =	vadd.s32 v1, v4;
	_ =	sdelay $0x4  }
0x2b: {  	[hbm4b:s3+s2] =	stream.indirect_vreg.scatter [tilespmem:s23], [sflag:$0x1], $0x80, v4, vm0, $0xb8;
	[tilespmem:$0x14100] =	vst v63  }
0x2c: {  	s0 =	simm.s32 $0x900;
	v3 =	vperm.xlane v3, v2  }
0x2d: {  	[hbm4b:s4+s2] =	stream.indirect_vreg.scatter [tilespmem:s0], [sflag:$0x1], $0x80, v4, vm0, $0xb8;
	[tilespmem:$0x14100] =	vst v63  }
0x2e: {  	s20 =	simm.s32 $0x1100;
	v3 =	vadd.s32 v1, v3  }
0x2f: {  	[hbm4b:s5+s2] =	stream.indirect_vreg.scatter [tilespmem:s20], [sflag:$0x1], $0x80, v4, vm0, $0xb8;
	[tilespmem:$0x14100] =	vst v63  }
0x30: {  	s21 =	simm.s32 $0x1900  }
0x31: {  	[hbm4b:s6+s2] =	stream.indirect_vreg.scatter [tilespmem:s21], [sflag:$0x1], $0x80, v4, vm0, $0xb8;
	[tilespmem:$0x14100] =	vst v63  }
0x32: {  	s22 =	simm.s32 $0x2100  }
0x33: {  	[hbm4b:s3+s2] =	stream.indirect_vreg.scatter [tilespmem:s22], [sflag:$0x1], $0x80, v3, vm0, $0xb8;
	[tilespmem:$0x14100] =	vst v63  }
0x34: {  	s24 =	simm.s32 $0x2900  }
0x35: {  	[hbm4b:s4+s2] =	stream.indirect_vreg.scatter [tilespmem:s24], [sflag:$0x1], $0x80, v3, vm0, $0xb8;
	[tilespmem:$0x14100] =	vst v63  }
0x36: {  	s25 =	simm.s32 $0x3100  }
0x37: {  	[hbm4b:s5+s2] =	stream.indirect_vreg.scatter [tilespmem:s25], [sflag:$0x1], $0x80, v3, vm0, $0xb8;
	[tilespmem:$0x14100] =	vst v63  }
0x38: {  	s26 =	simm.s32 $0x3900  }
0x39: {  	[hbm4b:s6+s2] =	stream.indirect_vreg.scatter [tilespmem:s26], [sflag:$0x1], $0x80, v3, vm0, $0xb8;
	[tilespmem:$0x14100] =	vst v63  }
0x3a: {  	v3 =	vld [tilespmem:$0x10];
	_ =	sdelay $0x4  }
0x3b: {  	v41 =	vshll.u32 v3, $0x3  }
0x3c: {  	v3 =	vand.u32 $0x7, v3;
	v4 =	vand.u32 $0xFFFFFFC0, v41  }
0x3d: {  	v3 =	vor.u32 v3, v4  }
0x3e: {  	v4 =	vperm.xlane v3, v0;
	_ =	sdelay $0x1  }
0x3f: {  	v4 =	vadd.s32 v1, v4;
	_ =	sdelay $0x3  }
0x40: {  	s31 =	simm.s32 $0x4100  }
0x41: {  	[hbm4b:s3+s2] =	stream.indirect_vreg.scatter [tilespmem:s31], [sflag:$0x1], $0x80, v4, vm0, $0xb8;
	[tilespmem:$0x14100] =	vst v63  }
0x42: {  	s8 =	simm.s32 $0x4900;
	v3 =	vperm.xlane v3, v2  }
0x43: {  	[hbm4b:s4+s2] =	stream.indirect_vreg.scatter [tilespmem:s8], [sflag:$0x1], $0x80, v4, vm0, $0xb8;
	[tilespmem:$0x14100] =	vst v63  }
0x44: {  	s10 =	simm.s32 $0x5100;
	v3 =	vadd.s32 v1, v3  }
0x45: {  	[hbm4b:s5+s2] =	stream.indirect_vreg.scatter [tilespmem:s10], [sflag:$0x1], $0x80, v4, vm0, $0xb8;
	[tilespmem:$0x14100] =	vst v63  }
0x46: {  	s11 =	simm.s32 $0x5900  }
0x47: {  	[hbm4b:s6+s2] =	stream.indirect_vreg.scatter [tilespmem:s11], [sflag:$0x1], $0x80, v4, vm0, $0xb8;
	[tilespmem:$0x14100] =	vst v63  }
0x48: {  	s12 =	simm.s32 $0x6100  }
0x49: {  	[hbm4b:s3+s2] =	stream.indirect_vreg.scatter [tilespmem:s12], [sflag:$0x1], $0x80, v3, vm0, $0xb8;
	[tilespmem:$0x14100] =	vst v63  }
0x4a: {  	s16 =	simm.s32 $0x6900  }
0x4b: {  	[hbm4b:s4+s2] =	stream.indirect_vreg.scatter [tilespmem:s16], [sflag:$0x1], $0x80, v3, vm0, $0xb8;
	[tilespmem:$0x14100] =	vst v63  }
0x4c: {  	s17 =	simm.s32 $0x7100  }
0x4d: {  	[hbm4b:s5+s2] =	stream.indirect_vreg.scatter [tilespmem:s17], [sflag:$0x1], $0x80, v3, vm0, $0xb8;
	[tilespmem:$0x14100] =	vst v63  }
0x4e: {  	s18 =	simm.s32 $0x7900  }
0x4f: {  	[hbm4b:s6+s2] =	stream.indirect_vreg.scatter [tilespmem:s18], [sflag:$0x1], $0x80, v3, vm0, $0xb8;
	[tilespmem:$0x14100] =	vst v63  }
0x50: {  	v3 =	vld.msk [tilespmem:$0x20], $0xff;
	_ =	sdelay $0x4  }
0x51: {  	v42 =	vshll.u32 v3, $0x3  }
0x52: {  	v3 =	vand.u32 $0x7, v3;
	v4 =	vand.u32 $0xFFFFFFC0, v42  }
0x53: {  	v3 =	vor.u32 v3, v4  }
0x54: {  	v3 =	vperm.xlane v3, v0;
	_ =	sdelay $0x1  }
0x55: {  	v3 =	vadd.s32 v1, v3;
	_ =	sdelay $0x3  }
0x56: {  	s19 =	simm.s32 $0x8100  }
0x57: {  	[hbm4b:s3+s2] =	stream.indirect_vreg.scatter [tilespmem:s19], [sflag:$0x1], $0x80, v3, vm0, $0xb8;
	[tilespmem:$0x14100] =	vst v63  }
0x58: {  	s20 =	simm.s32 $0x8900  }
0x59: {  	[hbm4b:s4+s2] =	stream.indirect_vreg.scatter [tilespmem:s20], [sflag:$0x1], $0x80, v3, vm0, $0xb8;
	[tilespmem:$0x14100] =	vst v63  }
0x5a: {  	s21 =	simm.s32 $0x9100  }
0x5b: {  	[hbm4b:s5+s2] =	stream.indirect_vreg.scatter [tilespmem:s21], [sflag:$0x1], $0x80, v3, vm0, $0xb8;
	[tilespmem:$0x14100] =	vst v63  }
0x5c: {  	s24 =	simm.s32 $0x9900  }
0x5d: {  	[hbm4b:s6+s2] =	stream.indirect_vreg.scatter [tilespmem:s24], [sflag:$0x1], $0x80, v3, vm0, $0xb8;
	[tilespmem:$0x14100] =	vst v63  }
0x5e: {  	s22 =	rddreg [dreg:$0x4]  }
0x5f: {  	[tilespmem:s30], [sflag:$0x3] =	stream.linear.gather [hbm4b:s22+s2], $0xA000, $0x38;
	[tilespmem:$0x14100] =	vst v63  }
0x60: {  	_ =	swait.ge [sflag:s9], $0xA000  }
0x61: {  	[sflag:s9] =	ssyncset.done $0x0  }
0x62: {  	s26 =	simm.s32 $0x80;
	s25 =	rddreg [dreg:$0x5];
	[sflag:s9] =	ssyncadd.s32 $0xFFFF6000  }
0x63: {  	[tilespmem:s26], [sflag:$0x3] =	stream.linear.gather [hbm4b:s25+s2], $0x28, $0x38;
	[tilespmem:$0x14100] =	vst v63  }
0x64: {  	_ =	swait.ge [sflag:s9], $0x28  }
0x65: {  	[sflag:s9] =	ssyncset.done $0x0  }
0x66: {  	[sflag:s9] =	ssyncadd.s32 $0xFFFFFFD8  }
0x67: {  	v3 =	vld [tilespmem:$0x80];
	_ =	sdelay $0x4  }
0x68: {  	v43 =	vshll.u32 v3, $0x3  }
0x69: {  	v3 =	vand.u32 $0x7, v3;
	v4 =	vand.u32 $0xFFFFFFC0, v43  }
0x6a: {  	v3 =	vor.u32 v3, v4  }
0x6b: {  	v4 =	vperm.xlane v3, v0;
	_ =	sdelay $0x1  }
0x6c: {  	v4 =	vadd.s32 v1, v4;
	_ =	sdelay $0x4  }
0x6d: {  	[hbm4b:s3+s2] =	stream.indirect_vreg.scatter [tilespmem:s30], [sflag:$0x2], $0x80, v4, vm0, $0xb8;
	[tilespmem:$0x14100] =	vst v63  }
0x6e: {  	s31 =	simm.s32 $0xA900;
	v3 =	vperm.xlane v3, v2  }
0x6f: {  	[hbm4b:s4+s2] =	stream.indirect_vreg.scatter [tilespmem:s31], [sflag:$0x2], $0x80, v4, vm0, $0xb8;
	[tilespmem:$0x14100] =	vst v63  }
0x70: {  	s8 =	simm.s32 $0xB100;
	v3 =	vadd.s32 v1, v3  }
0x71: {  	[hbm4b:s5+s2] =	stream.indirect_vreg.scatter [tilespmem:s8], [sflag:$0x2], $0x80, v4, vm0, $0xb8;
	[tilespmem:$0x14100] =	vst v63  }
0x72: {  	s10 =	simm.s32 $0xB900  }
0x73: {  	[hbm4b:s6+s2] =	stream.indirect_vreg.scatter [tilespmem:s10], [sflag:$0x2], $0x80, v4, vm0, $0xb8;
	[tilespmem:$0x14100] =	vst v63  }
0x74: {  	s11 =	simm.s32 $0xC100  }
0x75: {  	[hbm4b:s3+s2] =	stream.indirect_vreg.scatter [tilespmem:s11], [sflag:$0x2], $0x80, v3, vm0, $0xb8;
	[tilespmem:$0x14100] =	vst v63  }
0x76: {  	s12 =	simm.s32 $0xC900  }
0x77: {  	[hbm4b:s4+s2] =	stream.indirect_vreg.scatter [tilespmem:s12], [sflag:$0x2], $0x80, v3, vm0, $0xb8;
	[tilespmem:$0x14100] =	vst v63  }
0x78: {  	s16 =	simm.s32 $0xD100  }
0x79: {  	[hbm4b:s5+s2] =	stream.indirect_vreg.scatter [tilespmem:s16], [sflag:$0x2], $0x80, v3, vm0, $0xb8;
	[tilespmem:$0x14100] =	vst v63  }
0x7a: {  	s17 =	simm.s32 $0xD900  }
0x7b: {  	[hbm4b:s6+s2] =	stream.indirect_vreg.scatter [tilespmem:s17], [sflag:$0x2], $0x80, v3, vm0, $0xb8;
	[tilespmem:$0x14100] =	vst v63  }
0x7c: {  	v3 =	vld [tilespmem:$0x90];
	_ =	sdelay $0x4  }
0x7d: {  	v44 =	vshll.u32 v3, $0x3  }
0x7e: {  	v3 =	vand.u32 $0x7, v3;
	v4 =	vand.u32 $0xFFFFFFC0, v44  }
0x7f: {  	v3 =	vor.u32 v3, v4  }
0x80: {  	v4 =	vperm.xlane v3, v0;
	_ =	sdelay $0x1  }
0x81: {  	v4 =	vadd.s32 v1, v4;
	_ =	sdelay $0x3  }
0x82: {  	s19 =	simm.s32 $0xE100  }
0x83: {  	[hbm4b:s3+s2] =	stream.indirect_vreg.scatter [tilespmem:s19], [sflag:$0x2], $0x80, v4, vm0, $0xb8;
	[tilespmem:$0x14100] =	vst v63  }
0x84: {  	s20 =	simm.s32 $0xE900;
	v3 =	vperm.xlane v3, v2  }
0x85: {  	[hbm4b:s4+s2] =	stream.indirect_vreg.scatter [tilespmem:s20], [sflag:$0x2], $0x80, v4, vm0, $0xb8;
	[tilespmem:$0x14100] =	vst v63  }
0x86: {  	s21 =	simm.s32 $0xF100;
	v3 =	vadd.s32 v1, v3  }
0x87: {  	[hbm4b:s5+s2] =	stream.indirect_vreg.scatter [tilespmem:s21], [sflag:$0x2], $0x80, v4, vm0, $0xb8;
	[tilespmem:$0x14100] =	vst v63  }
0x88: {  	s26 =	simm.s32 $0xF900  }
0x89: {  	[hbm4b:s6+s2] =	stream.indirect_vreg.scatter [tilespmem:s26], [sflag:$0x2], $0x80, v4, vm0, $0xb8;
	[tilespmem:$0x14100] =	vst v63  }
0x8a: {  	s0 =	simm.s32 $0x10100  }
0x8b: {  	[hbm4b:s3+s2] =	stream.indirect_vreg.scatter [tilespmem:s0], [sflag:$0x2], $0x80, v3, vm0, $0xb8;
	[tilespmem:$0x14100] =	vst v63  }
0x8c: {  	s8 =	simm.s32 $0x10900  }
0x8d: {  	[hbm4b:s4+s2] =	stream.indirect_vreg.scatter [tilespmem:s8], [sflag:$0x2], $0x80, v3, vm0, $0xb8;
	[tilespmem:$0x14100] =	vst v63  }
0x8e: {  	s10 =	simm.s32 $0x11100  }
0x8f: {  	[hbm4b:s5+s2] =	stream.indirect_vreg.scatter [tilespmem:s10], [sflag:$0x2], $0x80, v3, vm0, $0xb8;
	[tilespmem:$0x14100] =	vst v63  }
0x90: {  	s11 =	simm.s32 $0x11900  }
0x91: {  	[hbm4b:s6+s2] =	stream.indirect_vreg.scatter [tilespmem:s11], [sflag:$0x2], $0x80, v3, vm0, $0xb8;
	[tilespmem:$0x14100] =	vst v63  }
0x92: {  	v3 =	vld.msk [tilespmem:$0xA0], $0xff;
	_ =	sdelay $0x4  }
0x93: {  	v45 =	vshll.u32 v3, $0x3  }
0x94: {  	v3 =	vand.u32 $0x7, v3;
	v4 =	vand.u32 $0xFFFFFFC0, v45  }
0x95: {  	v3 =	vor.u32 v3, v4  }
0x96: {  	v3 =	vperm.xlane v3, v0;
	_ =	sdelay $0x1  }
0x97: {  	v3 =	vadd.s32 v1, v3;
	_ =	sdelay $0x3  }
0x98: {  	s12 =	simm.s32 $0x12100  }
0x99: {  	[hbm4b:s3+s2] =	stream.indirect_vreg.scatter [tilespmem:s12], [sflag:$0x2], $0x80, v3, vm0, $0xb8;
	[tilespmem:$0x14100] =	vst v63  }
0x9a: {  	s16 =	simm.s32 $0x12900  }
0x9b: {  	[hbm4b:s4+s2] =	stream.indirect_vreg.scatter [tilespmem:s16], [sflag:$0x2], $0x80, v3, vm0, $0xb8;
	[tilespmem:$0x14100] =	vst v63  }
0x9c: {  	s17 =	simm.s32 $0x13100  }
0x9d: {  	[hbm4b:s5+s2] =	stream.indirect_vreg.scatter [tilespmem:s17], [sflag:$0x2], $0x80, v3, vm0, $0xb8;
	[tilespmem:$0x14100] =	vst v63  }
0x9e: {  	s19 =	simm.s32 $0x13900  }
0x9f: {  	[hbm4b:s6+s2] =	stream.indirect_vreg.scatter [tilespmem:s19], [sflag:$0x2], $0x80, v3, vm0, $0xb8;
	[tilespmem:$0x14100] =	vst v63  }
0xa0: {  	_ =	swait.ge [sflag:s28], $0xA000  }
0xa1: {  	[sflag:s28] =	ssyncset.done $0x0  }
0xa2: {  	s20 =	rddreg [dreg:$0x6];
	[sflag:s28] =	ssyncadd.s32 $0xFFFF6000  }
0xa3: {  	[tilespmem:s23], [sflag:$0x3] =	stream.linear.gather [hbm4b:s20+s2], $0xA000, $0x38;
	[tilespmem:$0x14100] =	vst v63  }
0xa4: {  	_ =	swait.ge [sflag:s9], $0xA000  }
0xa5: {  	[sflag:s9] =	ssyncset.done $0x0  }
0xa6: {  	s21 =	rddreg [dreg:$0x7];
	[sflag:s9] =	ssyncadd.s32 $0xFFFF6000  }
0xa7: {  	[tilespmem:s2], [sflag:$0x3] =	stream.linear.gather [hbm4b:s21+s2], $0x28, $0x38;
	[tilespmem:$0x14100] =	vst v63  }
0xa8: {  	_ =	swait.ge [sflag:s9], $0x28  }
0xa9: {  	[sflag:s9] =	ssyncset.done $0x0  }
0xaa: {  	[sflag:s9] =	ssyncadd.s32 $0xFFFFFFD8  }
0xab: {  	v3 =	vld [tilespmem:$0x0];
	_ =	sdelay $0x4  }
0xac: {  	v46 =	vshll.u32 v3, $0x3  }
0xad: {  	v3 =	vand.u32 $0x7, v3;
	v4 =	vand.u32 $0xFFFFFFC0, v46  }
0xae: {  	v3 =	vor.u32 v3, v4  }
0xaf: {  	v4 =	vperm.xlane v3, v0;
	_ =	sdelay $0x1  }
0xb0: {  	v4 =	vadd.s32 v1, v4;
	_ =	sdelay $0x4  }
0xb1: {  	[hbm4b:s3+s2] =	stream.indirect_vreg.scatter [tilespmem:s23], [sflag:$0x1], $0x80, v4, vm0, $0xb8;
	[tilespmem:$0x14100] =	vst v63  }
0xb2: {  	s1 =	simm.s32 $0x900;
	v3 =	vperm.xlane v3, v2  }
0xb3: {  	[hbm4b:s4+s2] =	stream.indirect_vreg.scatter [tilespmem:s1], [sflag:$0x1], $0x80, v4, vm0, $0xb8;
	[tilespmem:$0x14100] =	vst v63  }
0xb4: {  	v3 =	vadd.s32 v1, v3;
	s1 =	simm.s32 $0x1100  }
0xb5: {  	[hbm4b:s5+s2] =	stream.indirect_vreg.scatter [tilespmem:s1], [sflag:$0x1], $0x80, v4, vm0, $0xb8;
	[tilespmem:$0x14100] =	vst v63  }
0xb6: {  	s8 =	simm.s32 $0x1900  }
0xb7: {  	[hbm4b:s6+s2] =	stream.indirect_vreg.scatter [tilespmem:s8], [sflag:$0x1], $0x80, v4, vm0, $0xb8;
	[tilespmem:$0x14100] =	vst v63  }
0xb8: {  	s10 =	simm.s32 $0x2100  }
0xb9: {  	[hbm4b:s3+s2] =	stream.indirect_vreg.scatter [tilespmem:s10], [sflag:$0x1], $0x80, v3, vm0, $0xb8;
	[tilespmem:$0x14100] =	vst v63  }
0xba: {  	s11 =	simm.s32 $0x2900  }
0xbb: {  	[hbm4b:s4+s2] =	stream.indirect_vreg.scatter [tilespmem:s11], [sflag:$0x1], $0x80, v3, vm0, $0xb8;
	[tilespmem:$0x14100] =	vst v63  }
0xbc: {  	s12 =	simm.s32 $0x3100  }
0xbd: {  	[hbm4b:s5+s2] =	stream.indirect_vreg.scatter [tilespmem:s12], [sflag:$0x1], $0x80, v3, vm0, $0xb8;
	[tilespmem:$0x14100] =	vst v63  }
0xbe: {  	s13 =	simm.s32 $0x3900  }
0xbf: {  	[hbm4b:s6+s2] =	stream.indirect_vreg.scatter [tilespmem:s13], [sflag:$0x1], $0x80, v3, vm0, $0xb8;
	[tilespmem:$0x14100] =	vst v63  }
0xc0: {  	v3 =	vld [tilespmem:$0x10];
	_ =	sdelay $0x4  }
0xc1: {  	v47 =	vshll.u32 v3, $0x3  }
0xc2: {  	v3 =	vand.u32 $0x7, v3;
	v4 =	vand.u32 $0xFFFFFFC0, v47  }
0xc3: {  	v3 =	vor.u32 v3, v4  }
0xc4: {  	v4 =	vperm.xlane v3, v0;
	_ =	sdelay $0x1  }
0xc5: {  	v4 =	vadd.s32 v1, v4;
	_ =	sdelay $0x3  }
0xc6: {  	s14 =	simm.s32 $0x4100  }
0xc7: {  	[hbm4b:s3+s2] =	stream.indirect_vreg.scatter [tilespmem:s14], [sflag:$0x1], $0x80, v4, vm0, $0xb8;
	[tilespmem:$0x14100] =	vst v63  }
0xc8: {  	s15 =	simm.s32 $0x4900;
	v3 =	vperm.xlane v3, v2  }
0xc9: {  	[hbm4b:s4+s2] =	stream.indirect_vreg.scatter [tilespmem:s15], [sflag:$0x1], $0x80, v4, vm0, $0xb8;
	[tilespmem:$0x14100] =	vst v63  }
0xca: {  	s13 =	simm.s32 $0x5100;
	v3 =	vadd.s32 v1, v3  }
0xcb: {  	[hbm4b:s5+s2] =	stream.indirect_vreg.scatter [tilespmem:s13], [sflag:$0x1], $0x80, v4, vm0, $0xb8;
	[tilespmem:$0x14100] =	vst v63  }
0xcc: {  	s14 =	simm.s32 $0x5900  }
0xcd: {  	[hbm4b:s6+s2] =	stream.indirect_vreg.scatter [tilespmem:s14], [sflag:$0x1], $0x80, v4, vm0, $0xb8;
	[tilespmem:$0x14100] =	vst v63  }
0xce: {  	s15 =	simm.s32 $0x6100  }
0xcf: {  	[hbm4b:s3+s2] =	stream.indirect_vreg.scatter [tilespmem:s15], [sflag:$0x1], $0x80, v3, vm0, $0xb8;
	[tilespmem:$0x14100] =	vst v63  }
0xd0: {  	s16 =	simm.s32 $0x6900  }
0xd1: {  	[hbm4b:s4+s2] =	stream.indirect_vreg.scatter [tilespmem:s16], [sflag:$0x1], $0x80, v3, vm0, $0xb8;
	[tilespmem:$0x14100] =	vst v63  }
0xd2: {  	s17 =	simm.s32 $0x7100  }
0xd3: {  	[hbm4b:s5+s2] =	stream.indirect_vreg.scatter [tilespmem:s17], [sflag:$0x1], $0x80, v3, vm0, $0xb8;
	[tilespmem:$0x14100] =	vst v63  }
0xd4: {  	s18 =	simm.s32 $0x7900  }
0xd5: {  	[hbm4b:s6+s2] =	stream.indirect_vreg.scatter [tilespmem:s18], [sflag:$0x1], $0x80, v3, vm0, $0xb8;
	[tilespmem:$0x14100] =	vst v63  }
0xd6: {  	v3 =	vld.msk [tilespmem:$0x20], $0xff;
	_ =	sdelay $0x4  }
0xd7: {  	v48 =	vshll.u32 v3, $0x3  }
0xd8: {  	v3 =	vand.u32 $0x7, v3;
	v4 =	vand.u32 $0xFFFFFFC0, v48  }
0xd9: {  	v3 =	vor.u32 v3, v4  }
0xda: {  	v3 =	vperm.xlane v3, v0;
	_ =	sdelay $0x1  }
0xdb: {  	v3 =	vadd.s32 v1, v3;
	_ =	sdelay $0x3  }
0xdc: {  	s18 =	simm.s32 $0x8100  }
0xdd: {  	[hbm4b:s3+s2] =	stream.indirect_vreg.scatter [tilespmem:s18], [sflag:$0x1], $0x80, v3, vm0, $0xb8;
	[tilespmem:$0x14100] =	vst v63  }
0xde: {  	s19 =	simm.s32 $0x8900  }
0xdf: {  	[hbm4b:s4+s2] =	stream.indirect_vreg.scatter [tilespmem:s19], [sflag:$0x1], $0x80, v3, vm0, $0xb8;
	[tilespmem:$0x14100] =	vst v63  }
0xe0: {  	s20 =	simm.s32 $0x9100  }
0xe1: {  	[hbm4b:s5+s2] =	stream.indirect_vreg.scatter [tilespmem:s20], [sflag:$0x1], $0x80, v3, vm0, $0xb8;
	[tilespmem:$0x14100] =	vst v63  }
0xe2: {  	s21 =	simm.s32 $0x9900  }
0xe3: {  	[hbm4b:s6+s2] =	stream.indirect_vreg.scatter [tilespmem:s21], [sflag:$0x1], $0x80, v3, vm0, $0xb8;
	[tilespmem:$0x14100] =	vst v63  }
0xe4: {  	_ =	swait.ge [sflag:s29], $0xA000  }
0xe5: {  	[sflag:s29] =	ssyncset.done $0x0  }
0xe6: {  	s0 =	rddreg [dreg:$0x8];
	[sflag:s29] =	ssyncadd.s32 $0xFFFF6000  }
0xe7: {  	[tilespmem:s30], [sflag:$0x3] =	stream.linear.gather [hbm4b:s0+s2], $0xA000, $0x38;
	[tilespmem:$0x14100] =	vst v63  }
0xe8: {  	_ =	swait.ge [sflag:s9], $0xA000  }
0xe9: {  	[sflag:s9] =	ssyncset.done $0x0  }
0xea: {  	s0 =	simm.s32 $0x80;
	s31 =	rddreg [dreg:$0x9];
	[sflag:s9] =	ssyncadd.s32 $0xFFFF6000  }
0xeb: {  	[tilespmem:s0], [sflag:$0x3] =	stream.linear.gather [hbm4b:s31+s2], $0x28, $0x38;
	[tilespmem:$0x14100] =	vst v63  }
0xec: {  	_ =	swait.ge [sflag:s9], $0x28  }
0xed: {  	[sflag:s9] =	ssyncset.done $0x0  }
0xee: {  	[sflag:s9] =	ssyncadd.s32 $0xFFFFFFD8  }
0xef: {  	v3 =	vld [tilespmem:$0x80];
	_ =	sdelay $0x4  }
0xf0: {  	v49 =	vshll.u32 v3, $0x3  }
0xf1: {  	v3 =	vand.u32 $0x7, v3;
	v4 =	vand.u32 $0xFFFFFFC0, v49  }
0xf2: {  	v3 =	vor.u32 v3, v4  }
0xf3: {  	v4 =	vperm.xlane v3, v0;
	_ =	sdelay $0x1  }
0xf4: {  	v4 =	vadd.s32 v1, v4;
	_ =	sdelay $0x4  }
0xf5: {  	[hbm4b:s3+s2] =	stream.indirect_vreg.scatter [tilespmem:s30], [sflag:$0x2], $0x80, v4, vm0, $0xb8;
	[tilespmem:$0x14100] =	vst v63  }
0xf6: {  	s31 =	simm.s32 $0xA900;
	v3 =	vperm.xlane v3, v2  }
0xf7: {  	[hbm4b:s4+s2] =	stream.indirect_vreg.scatter [tilespmem:s31], [sflag:$0x2], $0x80, v4, vm0, $0xb8;
	[tilespmem:$0x14100] =	vst v63  }
0xf8: {  	v3 =	vadd.s32 v1, v3;
	s31 =	simm.s32 $0xB100  }
0xf9: {  	[hbm4b:s5+s2] =	stream.indirect_vreg.scatter [tilespmem:s31], [sflag:$0x2], $0x80, v4, vm0, $0xb8;
	[tilespmem:$0x14100] =	vst v63  }
0xfa: {  	s31 =	simm.s32 $0xB900  }
0xfb: {  	[hbm4b:s6+s2] =	stream.indirect_vreg.scatter [tilespmem:s31], [sflag:$0x2], $0x80, v4, vm0, $0xb8;
	[tilespmem:$0x14100] =	vst v63  }
0xfc: {  	s31 =	simm.s32 $0xC100  }
0xfd: {  	[hbm4b:s3+s2] =	stream.indirect_vreg.scatter [tilespmem:s31], [sflag:$0x2], $0x80, v3, vm0, $0xb8;
	[tilespmem:$0x14100] =	vst v63  }
0xfe: {  	s31 =	simm.s32 $0xC900  }
0xff: {  	[hbm4b:s4+s2] =	stream.indirect_vreg.scatter [tilespmem:s31], [sflag:$0x2], $0x80, v3, vm0, $0xb8;
	[tilespmem:$0x14100] =	vst v63  }
0x100: {  	s31 =	simm.s32 $0xD100  }
0x101: {  	[hbm4b:s5+s2] =	stream.indirect_vreg.scatter [tilespmem:s31], [sflag:$0x2], $0x80, v3, vm0, $0xb8;
	[tilespmem:$0x14100] =	vst v63  }
0x102: {  	s22 =	simm.s32 $0xD900  }
0x103: {  	[hbm4b:s6+s2] =	stream.indirect_vreg.scatter [tilespmem:s22], [sflag:$0x2], $0x80, v3, vm0, $0xb8;
	[tilespmem:$0x14100] =	vst v63  }
0x104: {  	v3 =	vld [tilespmem:$0x90];
	_ =	sdelay $0x4  }
0x105: {  	v50 =	vshll.u32 v3, $0x3  }
0x106: {  	v3 =	vand.u32 $0x7, v3;
	v4 =	vand.u32 $0xFFFFFFC0, v50  }
0x107: {  	v3 =	vor.u32 v3, v4  }
0x108: {  	v4 =	vperm.xlane v3, v0;
	_ =	sdelay $0x1  }
0x109: {  	v4 =	vadd.s32 v1, v4;
	_ =	sdelay $0x3  }
0x10a: {  	s24 =	simm.s32 $0xE100  }
0x10b: {  	[hbm4b:s3+s2] =	stream.indirect_vreg.scatter [tilespmem:s24], [sflag:$0x2], $0x80, v4, vm0, $0xb8;
	[tilespmem:$0x14100] =	vst v63  }
0x10c: {  	s25 =	simm.s32 $0xE900;
	v3 =	vperm.xlane v3, v2  }
0x10d: {  	[hbm4b:s4+s2] =	stream.indirect_vreg.scatter [tilespmem:s25], [sflag:$0x2], $0x80, v4, vm0, $0xb8;
	[tilespmem:$0x14100] =	vst v63  }
0x10e: {  	s31 =	simm.s32 $0xF100;
	v3 =	vadd.s32 v1, v3  }
0x10f: {  	[hbm4b:s5+s2] =	stream.indirect_vreg.scatter [tilespmem:s31], [sflag:$0x2], $0x80, v4, vm0, $0xb8;
	[tilespmem:$0x14100] =	vst v63  }
0x110: {  	s24 =	simm.s32 $0xF900  }
0x111: {  	[hbm4b:s6+s2] =	stream.indirect_vreg.scatter [tilespmem:s24], [sflag:$0x2], $0x80, v4, vm0, $0xb8;
	[tilespmem:$0x14100] =	vst v63  }
0x112: {  	s25 =	simm.s32 $0x10100  }
0x113: {  	[hbm4b:s3+s2] =	stream.indirect_vreg.scatter [tilespmem:s25], [sflag:$0x2], $0x80, v3, vm0, $0xb8;
	[tilespmem:$0x14100] =	vst v63  }
0x114: {  	s31 =	simm.s32 $0x10900  }
0x115: {  	[hbm4b:s4+s2] =	stream.indirect_vreg.scatter [tilespmem:s31], [sflag:$0x2], $0x80, v3, vm0, $0xb8;
	[tilespmem:$0x14100] =	vst v63  }
0x116: {  	s24 =	simm.s32 $0x11100  }
0x117: {  	[hbm4b:s5+s2] =	stream.indirect_vreg.scatter [tilespmem:s24], [sflag:$0x2], $0x80, v3, vm0, $0xb8;
	[tilespmem:$0x14100] =	vst v63  }
0x118: {  	s26 =	simm.s32 $0x11900  }
0x119: {  	[hbm4b:s6+s2] =	stream.indirect_vreg.scatter [tilespmem:s26], [sflag:$0x2], $0x80, v3, vm0, $0xb8;
	[tilespmem:$0x14100] =	vst v63  }
0x11a: {  	v3 =	vld.msk [tilespmem:$0xA0], $0xff;
	_ =	sdelay $0x4  }
0x11b: {  	v51 =	vshll.u32 v3, $0x3  }
0x11c: {  	v3 =	vand.u32 $0x7, v3;
	v4 =	vand.u32 $0xFFFFFFC0, v51  }
0x11d: {  	v3 =	vor.u32 v3, v4  }
0x11e: {  	v3 =	vperm.xlane v3, v0;
	_ =	sdelay $0x1  }
0x11f: {  	v3 =	vadd.s32 v1, v3;
	_ =	sdelay $0x3  }
0x120: {  	s25 =	simm.s32 $0x12100  }
0x121: {  	[hbm4b:s3+s2] =	stream.indirect_vreg.scatter [tilespmem:s25], [sflag:$0x2], $0x80, v3, vm0, $0xb8;
	[tilespmem:$0x14100] =	vst v63  }
0x122: {  	s26 =	simm.s32 $0x12900  }
0x123: {  	[hbm4b:s4+s2] =	stream.indirect_vreg.scatter [tilespmem:s26], [sflag:$0x2], $0x80, v3, vm0, $0xb8;
	[tilespmem:$0x14100] =	vst v63  }
0x124: {  	s31 =	simm.s32 $0x13100  }
0x125: {  	[hbm4b:s5+s2] =	stream.indirect_vreg.scatter [tilespmem:s31], [sflag:$0x2], $0x80, v3, vm0, $0xb8;
	[tilespmem:$0x14100] =	vst v63  }
0x126: {  	s24 =	simm.s32 $0x13900  }
0x127: {  	[hbm4b:s6+s2] =	stream.indirect_vreg.scatter [tilespmem:s24], [sflag:$0x2], $0x80, v3, vm0, $0xb8;
	[tilespmem:$0x14100] =	vst v63  }
0x128: {  	_ =	swait.ge [sflag:s28], $0xA000  }
0x129: {  	[sflag:s28] =	ssyncset.done $0x0  }
0x12a: {  	s25 =	rddreg [dreg:$0xa];
	[sflag:s28] =	ssyncadd.s32 $0xFFFF6000  }
0x12b: {  	[tilespmem:s23], [sflag:$0x3] =	stream.linear.gather [hbm4b:s25+s2], $0xA000, $0x38;
	[tilespmem:$0x14100] =	vst v63  }
0x12c: {  	_ =	swait.ge [sflag:s9], $0xA000  }
0x12d: {  	[sflag:s9] =	ssyncset.done $0x0  }
0x12e: {  	s26 =	rddreg [dreg:$0xb];
	[sflag:s9] =	ssyncadd.s32 $0xFFFF6000  }
0x12f: {  	[tilespmem:s2], [sflag:$0x3] =	stream.linear.gather [hbm4b:s26+s2], $0x28, $0x38;
	[tilespmem:$0x14100] =	vst v63  }
0x130: {  	_ =	swait.ge [sflag:s9], $0x28  }
0x131: {  	[sflag:s9] =	ssyncset.done $0x0  }
0x132: {  	[sflag:s9] =	ssyncadd.s32 $0xFFFFFFD8  }
0x133: {  	v3 =	vld [tilespmem:$0x0];
	_ =	sdelay $0x4  }
0x134: {  	v52 =	vshll.u32 v3, $0x3  }
0x135: {  	v3 =	vand.u32 $0x7, v3;
	v4 =	vand.u32 $0xFFFFFFC0, v52  }
0x136: {  	v3 =	vor.u32 v3, v4  }
0x137: {  	v4 =	vperm.xlane v3, v0;
	_ =	sdelay $0x1  }
0x138: {  	v4 =	vadd.s32 v1, v4;
	_ =	sdelay $0x4  }
0x139: {  	[hbm4b:s3+s2] =	stream.indirect_vreg.scatter [tilespmem:s23], [sflag:$0x1], $0x80, v4, vm0, $0xb8;
	[tilespmem:$0x14100] =	vst v63  }
0x13a: {  	s31 =	simm.s32 $0x900;
	v3 =	vperm.xlane v3, v2  }
0x13b: {  	[hbm4b:s4+s2] =	stream.indirect_vreg.scatter [tilespmem:s31], [sflag:$0x1], $0x80, v4, vm0, $0xb8;
	[tilespmem:$0x14100] =	vst v63  }
0x13c: {  	v3 =	vadd.s32 v1, v3  }
0x13d: {  	[hbm4b:s5+s2] =	stream.indirect_vreg.scatter [tilespmem:s1], [sflag:$0x1], $0x80, v4, vm0, $0xb8;
	[tilespmem:$0x14100] =	vst v63  }
0x13e: {  	_ = 	snop  }
0x13f: {  	[hbm4b:s6+s2] =	stream.indirect_vreg.scatter [tilespmem:s8], [sflag:$0x1], $0x80, v4, vm0, $0xb8;
	[tilespmem:$0x14100] =	vst v63  }
0x140: {  	_ = 	snop  }
0x141: {  	[hbm4b:s3+s2] =	stream.indirect_vreg.scatter [tilespmem:s10], [sflag:$0x1], $0x80, v3, vm0, $0xb8;
	[tilespmem:$0x14100] =	vst v63  }
0x142: {  	_ = 	snop  }
0x143: {  	[hbm4b:s4+s2] =	stream.indirect_vreg.scatter [tilespmem:s11], [sflag:$0x1], $0x80, v3, vm0, $0xb8;
	[tilespmem:$0x14100] =	vst v63  }
0x144: {  	_ = 	snop  }
0x145: {  	[hbm4b:s5+s2] =	stream.indirect_vreg.scatter [tilespmem:s12], [sflag:$0x1], $0x80, v3, vm0, $0xb8;
	[tilespmem:$0x14100] =	vst v63  }
0x146: {  	s10 =	simm.s32 $0x3900  }
0x147: {  	[hbm4b:s6+s2] =	stream.indirect_vreg.scatter [tilespmem:s10], [sflag:$0x1], $0x80, v3, vm0, $0xb8;
	[tilespmem:$0x14100] =	vst v63  }
0x148: {  	v3 =	vld [tilespmem:$0x10];
	_ =	sdelay $0x4  }
0x149: {  	v53 =	vshll.u32 v3, $0x3  }
0x14a: {  	v3 =	vand.u32 $0x7, v3;
	v4 =	vand.u32 $0xFFFFFFC0, v53  }
0x14b: {  	v3 =	vor.u32 v3, v4  }
0x14c: {  	v4 =	vperm.xlane v3, v0;
	_ =	sdelay $0x1  }
0x14d: {  	v4 =	vadd.s32 v1, v4;
	_ =	sdelay $0x3  }
0x14e: {  	s11 =	simm.s32 $0x4100  }
0x14f: {  	[hbm4b:s3+s2] =	stream.indirect_vreg.scatter [tilespmem:s11], [sflag:$0x1], $0x80, v4, vm0, $0xb8;
	[tilespmem:$0x14100] =	vst v63  }
0x150: {  	s12 =	simm.s32 $0x4900;
	v3 =	vperm.xlane v3, v2  }
0x151: {  	[hbm4b:s4+s2] =	stream.indirect_vreg.scatter [tilespmem:s12], [sflag:$0x1], $0x80, v4, vm0, $0xb8;
	[tilespmem:$0x14100] =	vst v63  }
0x152: {  	v3 =	vadd.s32 v1, v3  }
0x153: {  	[hbm4b:s5+s2] =	stream.indirect_vreg.scatter [tilespmem:s13], [sflag:$0x1], $0x80, v4, vm0, $0xb8;
	[tilespmem:$0x14100] =	vst v63  }
0x154: {  	_ = 	snop  }
0x155: {  	[hbm4b:s6+s2] =	stream.indirect_vreg.scatter [tilespmem:s14], [sflag:$0x1], $0x80, v4, vm0, $0xb8;
	[tilespmem:$0x14100] =	vst v63  }
0x156: {  	_ = 	snop  }
0x157: {  	[hbm4b:s3+s2] =	stream.indirect_vreg.scatter [tilespmem:s15], [sflag:$0x1], $0x80, v3, vm0, $0xb8;
	[tilespmem:$0x14100] =	vst v63  }
0x158: {  	_ = 	snop  }
0x159: {  	[hbm4b:s4+s2] =	stream.indirect_vreg.scatter [tilespmem:s16], [sflag:$0x1], $0x80, v3, vm0, $0xb8;
	[tilespmem:$0x14100] =	vst v63  }
0x15a: {  	_ = 	snop  }
0x15b: {  	[hbm4b:s5+s2] =	stream.indirect_vreg.scatter [tilespmem:s17], [sflag:$0x1], $0x80, v3, vm0, $0xb8;
	[tilespmem:$0x14100] =	vst v63  }
0x15c: {  	s13 =	simm.s32 $0x7900  }
0x15d: {  	[hbm4b:s6+s2] =	stream.indirect_vreg.scatter [tilespmem:s13], [sflag:$0x1], $0x80, v3, vm0, $0xb8;
	[tilespmem:$0x14100] =	vst v63  }
0x15e: {  	v3 =	vld.msk [tilespmem:$0x20], $0xff;
	_ =	sdelay $0x4  }
0x15f: {  	v54 =	vshll.u32 v3, $0x3  }
0x160: {  	v3 =	vand.u32 $0x7, v3;
	v4 =	vand.u32 $0xFFFFFFC0, v54  }
0x161: {  	v3 =	vor.u32 v3, v4  }
0x162: {  	v3 =	vperm.xlane v3, v0;
	_ =	sdelay $0x1  }
0x163: {  	v3 =	vadd.s32 v1, v3;
	_ =	sdelay $0x4  }
0x164: {  	[hbm4b:s3+s2] =	stream.indirect_vreg.scatter [tilespmem:s18], [sflag:$0x1], $0x80, v3, vm0, $0xb8;
	[tilespmem:$0x14100] =	vst v63  }
0x165: {  	_ = 	snop  }
0x166: {  	[hbm4b:s4+s2] =	stream.indirect_vreg.scatter [tilespmem:s19], [sflag:$0x1], $0x80, v3, vm0, $0xb8;
	[tilespmem:$0x14100] =	vst v63  }
0x167: {  	_ = 	snop  }
0x168: {  	[hbm4b:s5+s2] =	stream.indirect_vreg.scatter [tilespmem:s20], [sflag:$0x1], $0x80, v3, vm0, $0xb8;
	[tilespmem:$0x14100] =	vst v63  }
0x169: {  	_ = 	snop  }
0x16a: {  	[hbm4b:s6+s2] =	stream.indirect_vreg.scatter [tilespmem:s21], [sflag:$0x1], $0x80, v3, vm0, $0xb8;
	[tilespmem:$0x14100] =	vst v63  }
0x16b: {  	_ =	swait.ge [sflag:s29], $0xA000  }
0x16c: {  	[sflag:s29] =	ssyncset.done $0x0  }
0x16d: {  	s14 =	rddreg [dreg:$0xc];
	[sflag:s29] =	ssyncadd.s32 $0xFFFF6000  }
0x16e: {  	[tilespmem:s30], [sflag:$0x3] =	stream.linear.gather [hbm4b:s14+s2], $0xA000, $0x38;
	[tilespmem:$0x14100] =	vst v63  }
0x16f: {  	_ =	swait.ge [sflag:s9], $0xA000  }
0x170: {  	[sflag:s9] =	ssyncset.done $0x0  }
0x171: {  	s15 =	rddreg [dreg:$0xd];
	[sflag:s9] =	ssyncadd.s32 $0xFFFF6000  }
0x172: {  	[tilespmem:s0], [sflag:$0x3] =	stream.linear.gather [hbm4b:s15+s2], $0x28, $0x38;
	[tilespmem:$0x14100] =	vst v63  }
0x173: {  	_ =	swait.ge [sflag:s9], $0x28  }
0x174: {  	[sflag:s9] =	ssyncset.done $0x0  }
0x175: {  	[sflag:s9] =	ssyncadd.s32 $0xFFFFFFD8  }
0x176: {  	v3 =	vld [tilespmem:$0x80];
	_ =	sdelay $0x4  }
0x177: {  	v55 =	vshll.u32 v3, $0x3  }
0x178: {  	v3 =	vand.u32 $0x7, v3;
	v4 =	vand.u32 $0xFFFFFFC0, v55  }
0x179: {  	v3 =	vor.u32 v3, v4  }
0x17a: {  	v4 =	vperm.xlane v3, v0;
	_ =	sdelay $0x1  }
0x17b: {  	v4 =	vadd.s32 v1, v4;
	_ =	sdelay $0x4  }
0x17c: {  	[hbm4b:s3+s2] =	stream.indirect_vreg.scatter [tilespmem:s30], [sflag:$0x2], $0x80, v4, vm0, $0xb8;
	[tilespmem:$0x14100] =	vst v63  }
0x17d: {  	s16 =	simm.s32 $0xA900;
	v3 =	vperm.xlane v3, v2  }
0x17e: {  	[hbm4b:s4+s2] =	stream.indirect_vreg.scatter [tilespmem:s16], [sflag:$0x2], $0x80, v4, vm0, $0xb8;
	[tilespmem:$0x14100] =	vst v63  }
0x17f: {  	s17 =	simm.s32 $0xB100;
	v3 =	vadd.s32 v1, v3  }
0x180: {  	[hbm4b:s5+s2] =	stream.indirect_vreg.scatter [tilespmem:s17], [sflag:$0x2], $0x80, v4, vm0, $0xb8;
	[tilespmem:$0x14100] =	vst v63  }
0x181: {  	s18 =	simm.s32 $0xB900  }
0x182: {  	[hbm4b:s6+s2] =	stream.indirect_vreg.scatter [tilespmem:s18], [sflag:$0x2], $0x80, v4, vm0, $0xb8;
	[tilespmem:$0x14100] =	vst v63  }
0x183: {  	s19 =	simm.s32 $0xC100  }
0x184: {  	[hbm4b:s3+s2] =	stream.indirect_vreg.scatter [tilespmem:s19], [sflag:$0x2], $0x80, v3, vm0, $0xb8;
	[tilespmem:$0x14100] =	vst v63  }
0x185: {  	s20 =	simm.s32 $0xC900  }
0x186: {  	[hbm4b:s4+s2] =	stream.indirect_vreg.scatter [tilespmem:s20], [sflag:$0x2], $0x80, v3, vm0, $0xb8;
	[tilespmem:$0x14100] =	vst v63  }
0x187: {  	s0 =	simm.s32 $0xD100  }
0x188: {  	[hbm4b:s5+s2] =	stream.indirect_vreg.scatter [tilespmem:s0], [sflag:$0x2], $0x80, v3, vm0, $0xb8;
	[tilespmem:$0x14100] =	vst v63  }
0x189: {  	s16 =	simm.s32 $0xD900  }
0x18a: {  	[hbm4b:s6+s2] =	stream.indirect_vreg.scatter [tilespmem:s16], [sflag:$0x2], $0x80, v3, vm0, $0xb8;
	[tilespmem:$0x14100] =	vst v63  }
0x18b: {  	v3 =	vld [tilespmem:$0x90];
	_ =	sdelay $0x4  }
0x18c: {  	v56 =	vshll.u32 v3, $0x3  }
0x18d: {  	v3 =	vand.u32 $0x7, v3;
	v4 =	vand.u32 $0xFFFFFFC0, v56  }
0x18e: {  	v3 =	vor.u32 v3, v4  }
0x18f: {  	v4 =	vperm.xlane v3, v0;
	_ =	sdelay $0x1  }
0x190: {  	v4 =	vadd.s32 v1, v4;
	_ =	sdelay $0x3  }
0x191: {  	s17 =	simm.s32 $0xE100  }
0x192: {  	[hbm4b:s3+s2] =	stream.indirect_vreg.scatter [tilespmem:s17], [sflag:$0x2], $0x80, v4, vm0, $0xb8;
	[tilespmem:$0x14100] =	vst v63  }
0x193: {  	s18 =	simm.s32 $0xE900;
	v3 =	vperm.xlane v3, v2  }
0x194: {  	[hbm4b:s4+s2] =	stream.indirect_vreg.scatter [tilespmem:s18], [sflag:$0x2], $0x80, v4, vm0, $0xb8;
	[tilespmem:$0x14100] =	vst v63  }
0x195: {  	s1 =	simm.s32 $0xF100;
	v3 =	vadd.s32 v1, v3  }
0x196: {  	[hbm4b:s5+s2] =	stream.indirect_vreg.scatter [tilespmem:s1], [sflag:$0x2], $0x80, v4, vm0, $0xb8;
	[tilespmem:$0x14100] =	vst v63  }
0x197: {  	s8 =	simm.s32 $0xF900  }
0x198: {  	[hbm4b:s6+s2] =	stream.indirect_vreg.scatter [tilespmem:s8], [sflag:$0x2], $0x80, v4, vm0, $0xb8;
	[tilespmem:$0x14100] =	vst v63  }
0x199: {  	s10 =	simm.s32 $0x10100  }
0x19a: {  	[hbm4b:s3+s2] =	stream.indirect_vreg.scatter [tilespmem:s10], [sflag:$0x2], $0x80, v3, vm0, $0xb8;
	[tilespmem:$0x14100] =	vst v63  }
0x19b: {  	s11 =	simm.s32 $0x10900  }
0x19c: {  	[hbm4b:s4+s2] =	stream.indirect_vreg.scatter [tilespmem:s11], [sflag:$0x2], $0x80, v3, vm0, $0xb8;
	[tilespmem:$0x14100] =	vst v63  }
0x19d: {  	s12 =	simm.s32 $0x11100  }
0x19e: {  	[hbm4b:s5+s2] =	stream.indirect_vreg.scatter [tilespmem:s12], [sflag:$0x2], $0x80, v3, vm0, $0xb8;
	[tilespmem:$0x14100] =	vst v63  }
0x19f: {  	s19 =	simm.s32 $0x11900  }
0x1a0: {  	[hbm4b:s6+s2] =	stream.indirect_vreg.scatter [tilespmem:s19], [sflag:$0x2], $0x80, v3, vm0, $0xb8;
	[tilespmem:$0x14100] =	vst v63  }
0x1a1: {  	v3 =	vld.msk [tilespmem:$0xA0], $0xff;
	_ =	sdelay $0x4  }
0x1a2: {  	v57 =	vshll.u32 v3, $0x3  }
0x1a3: {  	v3 =	vand.u32 $0x7, v3;
	v4 =	vand.u32 $0xFFFFFFC0, v57  }
0x1a4: {  	v3 =	vor.u32 v3, v4  }
0x1a5: {  	v3 =	vperm.xlane v3, v0;
	_ =	sdelay $0x1  }
0x1a6: {  	v3 =	vadd.s32 v1, v3;
	_ =	sdelay $0x3  }
0x1a7: {  	s13 =	simm.s32 $0x12100  }
0x1a8: {  	[hbm4b:s3+s2] =	stream.indirect_vreg.scatter [tilespmem:s13], [sflag:$0x2], $0x80, v3, vm0, $0xb8;
	[tilespmem:$0x14100] =	vst v63  }
0x1a9: {  	s14 =	simm.s32 $0x12900  }
0x1aa: {  	[hbm4b:s4+s2] =	stream.indirect_vreg.scatter [tilespmem:s14], [sflag:$0x2], $0x80, v3, vm0, $0xb8;
	[tilespmem:$0x14100] =	vst v63  }
0x1ab: {  	s15 =	simm.s32 $0x13100  }
0x1ac: {  	[hbm4b:s5+s2] =	stream.indirect_vreg.scatter [tilespmem:s15], [sflag:$0x2], $0x80, v3, vm0, $0xb8;
	[tilespmem:$0x14100] =	vst v63  }
0x1ad: {  	s20 =	simm.s32 $0x13900  }
0x1ae: {  	[hbm4b:s6+s2] =	stream.indirect_vreg.scatter [tilespmem:s20], [sflag:$0x2], $0x80, v3, vm0, $0xb8;
	[tilespmem:$0x14100] =	vst v63  }
0x1af: {  	_ =	swait.ge [sflag:s28], $0xA000  }
0x1b0: {  	[sflag:s28] =	ssyncset.done $0x0  }
0x1b1: {  	s31 =	rddreg [dreg:$0xe];
	[sflag:s28] =	ssyncadd.s32 $0xFFFF6000  }
0x1b2: {  	[tilespmem:s23], [sflag:$0x3] =	stream.linear.gather [hbm4b:s31+s2], $0xA000, $0x38;
	[tilespmem:$0x14100] =	vst v63  }
0x1b3: {  	_ =	swait.ge [sflag:s9], $0xA000  }
0x1b4: {  	[sflag:s9] =	ssyncset.done $0x0  }
0x1b5: {  	s31 =	rddreg [dreg:$0xf];
	[sflag:s9] =	ssyncadd.s32 $0xFFFF6000  }
0x1b6: {  	[tilespmem:s2], [sflag:$0x3] =	stream.linear.gather [hbm4b:s31+s2], $0x28, $0x38;
	[tilespmem:$0x14100] =	vst v63  }
0x1b7: {  	_ =	swait.ge [sflag:s9], $0x28  }
0x1b8: {  	[sflag:s9] =	ssyncset.done $0x0  }
0x1b9: {  	[sflag:s9] =	ssyncadd.s32 $0xFFFFFFD8  }
0x1ba: {  	v3 =	vld [tilespmem:$0x0];
	_ =	sdelay $0x4  }
0x1bb: {  	v58 =	vshll.u32 v3, $0x3  }
0x1bc: {  	v3 =	vand.u32 $0x7, v3;
	v4 =	vand.u32 $0xFFFFFFC0, v58  }
0x1bd: {  	v3 =	vor.u32 v3, v4  }
0x1be: {  	v4 =	vperm.xlane v3, v0;
	_ =	sdelay $0x1  }
0x1bf: {  	v4 =	vadd.s32 v1, v4;
	_ =	sdelay $0x4  }
0x1c0: {  	[hbm4b:s3+s2] =	stream.indirect_vreg.scatter [tilespmem:s23], [sflag:$0x1], $0x80, v4, vm0, $0xb8;
	[tilespmem:$0x14100] =	vst v63  }
0x1c1: {  	s31 =	simm.s32 $0x900;
	v3 =	vperm.xlane v3, v2  }
0x1c2: {  	[hbm4b:s4+s2] =	stream.indirect_vreg.scatter [tilespmem:s31], [sflag:$0x1], $0x80, v4, vm0, $0xb8;
	[tilespmem:$0x14100] =	vst v63  }
0x1c3: {  	v3 =	vadd.s32 v1, v3;
	s31 =	simm.s32 $0x1100  }
0x1c4: {  	[hbm4b:s5+s2] =	stream.indirect_vreg.scatter [tilespmem:s31], [sflag:$0x1], $0x80, v4, vm0, $0xb8;
	[tilespmem:$0x14100] =	vst v63  }
0x1c5: {  	s31 =	simm.s32 $0x1900  }
0x1c6: {  	[hbm4b:s6+s2] =	stream.indirect_vreg.scatter [tilespmem:s31], [sflag:$0x1], $0x80, v4, vm0, $0xb8;
	[tilespmem:$0x14100] =	vst v63  }
0x1c7: {  	s31 =	simm.s32 $0x2100  }
0x1c8: {  	[hbm4b:s3+s2] =	stream.indirect_vreg.scatter [tilespmem:s31], [sflag:$0x1], $0x80, v3, vm0, $0xb8;
	[tilespmem:$0x14100] =	vst v63  }
0x1c9: {  	s31 =	simm.s32 $0x2900  }
0x1ca: {  	[hbm4b:s4+s2] =	stream.indirect_vreg.scatter [tilespmem:s31], [sflag:$0x1], $0x80, v3, vm0, $0xb8;
	[tilespmem:$0x14100] =	vst v63  }
0x1cb: {  	s31 =	simm.s32 $0x3100  }
0x1cc: {  	[hbm4b:s5+s2] =	stream.indirect_vreg.scatter [tilespmem:s31], [sflag:$0x1], $0x80, v3, vm0, $0xb8;
	[tilespmem:$0x14100] =	vst v63  }
0x1cd: {  	s31 =	simm.s32 $0x3900  }
0x1ce: {  	[hbm4b:s6+s2] =	stream.indirect_vreg.scatter [tilespmem:s31], [sflag:$0x1], $0x80, v3, vm0, $0xb8;
	[tilespmem:$0x14100] =	vst v63  }
0x1cf: {  	v3 =	vld [tilespmem:$0x10];
	_ =	sdelay $0x4  }
0x1d0: {  	v59 =	vshll.u32 v3, $0x3  }
0x1d1: {  	v3 =	vand.u32 $0x7, v3;
	v4 =	vand.u32 $0xFFFFFFC0, v59  }
0x1d2: {  	v3 =	vor.u32 v3, v4  }
0x1d3: {  	v4 =	vperm.xlane v3, v0;
	_ =	sdelay $0x1  }
0x1d4: {  	v4 =	vadd.s32 v1, v4;
	_ =	sdelay $0x3  }
0x1d5: {  	s31 =	simm.s32 $0x4100  }
0x1d6: {  	[hbm4b:s3+s2] =	stream.indirect_vreg.scatter [tilespmem:s31], [sflag:$0x1], $0x80, v4, vm0, $0xb8;
	[tilespmem:$0x14100] =	vst v63  }
0x1d7: {  	v3 =	vperm.xlane v3, v2;
	s31 =	simm.s32 $0x4900  }
0x1d8: {  	[hbm4b:s4+s2] =	stream.indirect_vreg.scatter [tilespmem:s31], [sflag:$0x1], $0x80, v4, vm0, $0xb8;
	[tilespmem:$0x14100] =	vst v63  }
0x1d9: {  	v3 =	vadd.s32 v1, v3;
	s31 =	simm.s32 $0x5100  }
0x1da: {  	[hbm4b:s5+s2] =	stream.indirect_vreg.scatter [tilespmem:s31], [sflag:$0x1], $0x80, v4, vm0, $0xb8;
	[tilespmem:$0x14100] =	vst v63  }
0x1db: {  	s31 =	simm.s32 $0x5900  }
0x1dc: {  	[hbm4b:s6+s2] =	stream.indirect_vreg.scatter [tilespmem:s31], [sflag:$0x1], $0x80, v4, vm0, $0xb8;
	[tilespmem:$0x14100] =	vst v63  }
0x1dd: {  	s31 =	simm.s32 $0x6100  }
0x1de: {  	[hbm4b:s3+s2] =	stream.indirect_vreg.scatter [tilespmem:s31], [sflag:$0x1], $0x80, v3, vm0, $0xb8;
	[tilespmem:$0x14100] =	vst v63  }
0x1df: {  	s31 =	simm.s32 $0x6900  }
0x1e0: {  	[hbm4b:s4+s2] =	stream.indirect_vreg.scatter [tilespmem:s31], [sflag:$0x1], $0x80, v3, vm0, $0xb8;
	[tilespmem:$0x14100] =	vst v63  }
0x1e1: {  	s31 =	simm.s32 $0x7100  }
0x1e2: {  	[hbm4b:s5+s2] =	stream.indirect_vreg.scatter [tilespmem:s31], [sflag:$0x1], $0x80, v3, vm0, $0xb8;
	[tilespmem:$0x14100] =	vst v63  }
0x1e3: {  	s31 =	simm.s32 $0x7900  }
0x1e4: {  	[hbm4b:s6+s2] =	stream.indirect_vreg.scatter [tilespmem:s31], [sflag:$0x1], $0x80, v3, vm0, $0xb8;
	[tilespmem:$0x14100] =	vst v63  }
0x1e5: {  	v3 =	vld.msk [tilespmem:$0x20], $0xff;
	_ =	sdelay $0x4  }
0x1e6: {  	v60 =	vshll.u32 v3, $0x3  }
0x1e7: {  	v3 =	vand.u32 $0x7, v3;
	v4 =	vand.u32 $0xFFFFFFC0, v60  }
0x1e8: {  	v3 =	vor.u32 v3, v4  }
0x1e9: {  	v3 =	vperm.xlane v3, v0;
	_ =	sdelay $0x1  }
0x1ea: {  	v3 =	vadd.s32 v1, v3;
	_ =	sdelay $0x3  }
0x1eb: {  	s31 =	simm.s32 $0x8100  }
0x1ec: {  	[hbm4b:s3+s2] =	stream.indirect_vreg.scatter [tilespmem:s31], [sflag:$0x1], $0x80, v3, vm0, $0xb8;
	[tilespmem:$0x14100] =	vst v63  }
0x1ed: {  	s31 =	simm.s32 $0x8900  }
0x1ee: {  	[hbm4b:s4+s2] =	stream.indirect_vreg.scatter [tilespmem:s31], [sflag:$0x1], $0x80, v3, vm0, $0xb8;
	[tilespmem:$0x14100] =	vst v63  }
0x1ef: {  	s31 =	simm.s32 $0x9100  }
0x1f0: {  	[hbm4b:s5+s2] =	stream.indirect_vreg.scatter [tilespmem:s31], [sflag:$0x1], $0x80, v3, vm0, $0xb8;
	[tilespmem:$0x14100] =	vst v63  }
0x1f1: {  	s21 =	simm.s32 $0x9900  }
0x1f2: {  	[hbm4b:s6+s2] =	stream.indirect_vreg.scatter [tilespmem:s21], [sflag:$0x1], $0x80, v3, vm0, $0xb8;
	[tilespmem:$0x14100] =	vst v63  }
0x1f3: {  	_ =	swait.ge [sflag:s29], $0xA000  }
0x1f4: {  	[sflag:s29] =	ssyncset.done $0x0  }
0x1f5: {  	s21 =	rddreg [dreg:$0x10];
	[sflag:s29] =	ssyncadd.s32 $0xFFFF6000  }
0x1f6: {  	[tilespmem:s30], [sflag:$0x3] =	stream.linear.gather [hbm4b:s21+s2], $0xA000, $0x38;
	[tilespmem:$0x14100] =	vst v63  }
0x1f7: {  	_ =	swait.ge [sflag:s9], $0xA000  }
0x1f8: {  	[sflag:s9] =	ssyncset.done $0x0  }
0x1f9: {  	s21 =	simm.s32 $0x80;
	s31 =	rddreg [dreg:$0x11];
	[sflag:s9] =	ssyncadd.s32 $0xFFFF6000  }
0x1fa: {  	[tilespmem:s21], [sflag:$0x3] =	stream.linear.gather [hbm4b:s31+s2], $0x28, $0x38;
	[tilespmem:$0x14100] =	vst v63  }
0x1fb: {  	_ =	swait.ge [sflag:s9], $0x28  }
0x1fc: {  	[sflag:s9] =	ssyncset.done $0x0  }
0x1fd: {  	[sflag:s9] =	ssyncadd.s32 $0xFFFFFFD8  }
0x1fe: {  	v3 =	vld [tilespmem:$0x80];
	_ =	sdelay $0x4  }
0x1ff: {  	v61 =	vshll.u32 v3, $0x3  }
0x200: {  	v3 =	vand.u32 $0x7, v3;
	v4 =	vand.u32 $0xFFFFFFC0, v61  }
0x201: {  	v3 =	vor.u32 v3, v4  }
0x202: {  	v4 =	vperm.xlane v3, v0;
	_ =	sdelay $0x1  }
0x203: {  	v4 =	vadd.s32 v1, v4;
	_ =	sdelay $0x4  }
0x204: {  	[hbm4b:s3+s2] =	stream.indirect_vreg.scatter [tilespmem:s30], [sflag:$0x2], $0x80, v4, vm0, $0xb8;
	[tilespmem:$0x14100] =	vst v63  }
0x205: {  	s31 =	simm.s32 $0xA900;
	v3 =	vperm.xlane v3, v2  }
0x206: {  	[hbm4b:s4+s2] =	stream.indirect_vreg.scatter [tilespmem:s31], [sflag:$0x2], $0x80, v4, vm0, $0xb8;
	[tilespmem:$0x14100] =	vst v63  }
0x207: {  	s22 =	simm.s32 $0xB100;
	v3 =	vadd.s32 v1, v3  }
0x208: {  	[hbm4b:s5+s2] =	stream.indirect_vreg.scatter [tilespmem:s22], [sflag:$0x2], $0x80, v4, vm0, $0xb8;
	[tilespmem:$0x14100] =	vst v63  }
0x209: {  	s24 =	simm.s32 $0xB900  }
0x20a: {  	[hbm4b:s6+s2] =	stream.indirect_vreg.scatter [tilespmem:s24], [sflag:$0x2], $0x80, v4, vm0, $0xb8;
	[tilespmem:$0x14100] =	vst v63  }
0x20b: {  	s25 =	simm.s32 $0xC100  }
0x20c: {  	[hbm4b:s3+s2] =	stream.indirect_vreg.scatter [tilespmem:s25], [sflag:$0x2], $0x80, v3, vm0, $0xb8;
	[tilespmem:$0x14100] =	vst v63  }
0x20d: {  	s26 =	simm.s32 $0xC900  }
0x20e: {  	[hbm4b:s4+s2] =	stream.indirect_vreg.scatter [tilespmem:s26], [sflag:$0x2], $0x80, v3, vm0, $0xb8;
	[tilespmem:$0x14100] =	vst v63  }
0x20f: {  	_ = 	snop  }
0x210: {  	[hbm4b:s5+s2] =	stream.indirect_vreg.scatter [tilespmem:s0], [sflag:$0x2], $0x80, v3, vm0, $0xb8;
	[tilespmem:$0x14100] =	vst v63  }
0x211: {  	_ = 	snop  }
0x212: {  	[hbm4b:s6+s2] =	stream.indirect_vreg.scatter [tilespmem:s16], [sflag:$0x2], $0x80, v3, vm0, $0xb8;
	[tilespmem:$0x14100] =	vst v63  }
0x213: {  	v3 =	vld [tilespmem:$0x90];
	_ =	sdelay $0x4  }
0x214: {  	v62 =	vshll.u32 v3, $0x3  }
0x215: {  	v3 =	vand.u32 $0x7, v3;
	v4 =	vand.u32 $0xFFFFFFC0, v62  }
0x216: {  	v3 =	vor.u32 v3, v4  }
0x217: {  	v4 =	vperm.xlane v3, v0;
	_ =	sdelay $0x1  }
0x218: {  	v4 =	vadd.s32 v1, v4;
	_ =	sdelay $0x4  }
0x219: {  	[hbm4b:s3+s2] =	stream.indirect_vreg.scatter [tilespmem:s17], [sflag:$0x2], $0x80, v4, vm0, $0xb8;
	[tilespmem:$0x14100] =	vst v63  }
0x21a: {  	v3 =	vperm.xlane v3, v2  }
0x21b: {  	[hbm4b:s4+s2] =	stream.indirect_vreg.scatter [tilespmem:s18], [sflag:$0x2], $0x80, v4, vm0, $0xb8;
	[tilespmem:$0x14100] =	vst v63  }
0x21c: {  	v3 =	vadd.s32 v1, v3  }
0x21d: {  	[hbm4b:s5+s2] =	stream.indirect_vreg.scatter [tilespmem:s1], [sflag:$0x2], $0x80, v4, vm0, $0xb8;
	[tilespmem:$0x14100] =	vst v63  }
0x21e: {  	_ = 	snop  }
0x21f: {  	[hbm4b:s6+s2] =	stream.indirect_vreg.scatter [tilespmem:s8], [sflag:$0x2], $0x80, v4, vm0, $0xb8;
	[tilespmem:$0x14100] =	vst v63  }
0x220: {  	_ = 	snop  }
0x221: {  	[hbm4b:s3+s2] =	stream.indirect_vreg.scatter [tilespmem:s10], [sflag:$0x2], $0x80, v3, vm0, $0xb8;
	[tilespmem:$0x14100] =	vst v63  }
0x222: {  	_ = 	snop  }
0x223: {  	[hbm4b:s4+s2] =	stream.indirect_vreg.scatter [tilespmem:s11], [sflag:$0x2], $0x80, v3, vm0, $0xb8;
	[tilespmem:$0x14100] =	vst v63  }
0x224: {  	_ = 	snop  }
0x225: {  	[hbm4b:s5+s2] =	stream.indirect_vreg.scatter [tilespmem:s12], [sflag:$0x2], $0x80, v3, vm0, $0xb8;
	[tilespmem:$0x14100] =	vst v63  }
0x226: {  	_ = 	snop  }
0x227: {  	[hbm4b:s6+s2] =	stream.indirect_vreg.scatter [tilespmem:s19], [sflag:$0x2], $0x80, v3, vm0, $0xb8;
	[tilespmem:$0x14100] =	vst v63  }
0x228: {  	v3 =	vld.msk [tilespmem:$0xA0], $0xff;
	_ =	sdelay $0x4  }
0x229: {  	v63 =	vshll.u32 v3, $0x3  }
0x22a: {  	v3 =	vand.u32 $0x7, v3;
	v4 =	vand.u32 $0xFFFFFFC0, v63  }
0x22b: {  	v3 =	vor.u32 v3, v4  }
0x22c: {  	v3 =	vperm.xlane v3, v0;
	_ =	sdelay $0x1  }
0x22d: {  	v3 =	vadd.s32 v1, v3;
	_ =	sdelay $0x4  }
0x22e: {  	[hbm4b:s3+s2] =	stream.indirect_vreg.scatter [tilespmem:s13], [sflag:$0x2], $0x80, v3, vm0, $0xb8;
	[tilespmem:$0x14100] =	vst v63  }
0x22f: {  	_ = 	snop  }
0x230: {  	[hbm4b:s4+s2] =	stream.indirect_vreg.scatter [tilespmem:s14], [sflag:$0x2], $0x80, v3, vm0, $0xb8;
	[tilespmem:$0x14100] =	vst v63  }
0x231: {  	_ = 	snop  }
0x232: {  	[hbm4b:s5+s2] =	stream.indirect_vreg.scatter [tilespmem:s15], [sflag:$0x2], $0x80, v3, vm0, $0xb8;
	[tilespmem:$0x14100] =	vst v63  }
0x233: {  	_ = 	snop  }
0x234: {  	[hbm4b:s6+s2] =	stream.indirect_vreg.scatter [tilespmem:s20], [sflag:$0x2], $0x80, v3, vm0, $0xb8;
	[tilespmem:$0x14100] =	vst v63  }
0x235: {  	p0 =	sne.s32 s7, $0x1;
	_ =	swait.ge [sflag:s28], $0xA000  }
.Ltmp0:
0x236: {  	[sflag:s28] =	ssyncset.done $0x0;
	(pc) =	sbr.rel @p0 .LBB2_1-.Ltmp0, $4  }
0x237: {  	[sflag:s28] =	ssyncadd.s32 $0xFFFF6000  }
0x238: {  	_ =	swait.ge [sflag:s29], $0xA000  }
0x239: {  	[sflag:s29] =	ssyncset.done $0x0  }
0x23a: {  	s7 =	sadd.s32 $0xFFFFFFFF, s7;
	[sflag:s29] =	ssyncadd.s32 $0xFFFF6000  }
0x23b: {  	_ =	sfence.sel $0x180000  }
0x23c: {  	[bflag:$0x0] =	sbarrier.arrive $0xFFFF  }
0x23d: {  	_ =	strace $0x9000004A  }
0x23e: {  	s0 =	stileid.u32;
	[bflag:$0x2] =	sbarrier.arrive $0xFFFF  }
0x23f: {  	p0 =	sne.s32 s0, $0x0;
	s0 =	rddreg [dreg:$0x1]  }
0x240: {  	s0 =	sadd.s32 @!p0 $0x100000, s0  }
0x241: {  	[sflag:s0] =	ssyncadd.tile.s32 @!p0 $0x1;
	_ =	shalt  }
.Lfunc_end2:
_tile_overlayer_lowered:
.L_overlay_start_2:
0x242: {  	(tag) =	ssettag $0x2  }
0x243: {  	s0 =	rddreg [dreg:$0x0];
	s2 =	stileid.u32  }
0x244: {  	s1 =	rddreg [dreg:$0x1];
	p0 =	sne.s32 s2, $0x0  }
0x245: {  	s3 =	rddreg [dreg:$0x2];
	[bflag:$0x3] =	sbarrier.arrive $0xFFFF;
	s2 =	simm.s32 @!p0 $0x1C03  }
0x246: {  	[timem:s3], [sflag:s2] =	dma.local @!p0 [hbm:s0], s1  }
0x247: {  	s0 =	simm.s32 @!p0 $0x3  }
0x248: {  	_ =	swait.ge @!p0 [sflag:s0], s1  }
0x249: {  	s1 =	ssub.s32 @!p0 $0x0, s1;
	[sflag:s0] =	ssyncset.done @!p0 $0x0  }
0x24a: {  	[sflag:s0] =	ssyncadd.s32 @!p0 s1  }
0x24b: {  	[bflag:$0x3] =	sbarrier.arrive $0xFFFF  }
0x24c: {  	_ =	shalt  }

// kernel: kernel.8.cloned.1.call-start
scs
__scs_entry_jumppad:
0x0: {  	(pc) =	sbr.rel $0x88, $3  }
0x1: {  	(tag) =	ssettag $0x0;
	lr =	simm.s32 $0x1  }
0x2: {  	[smem:$0x3F9A] =	sst lr;
	_ =	strace $0xD0000000  }
0x3: {  	_ = 	snop  }
0x4: {  	_ = 	snop  }
0x5: {  	_ = 	snop  }
0x6: {  	_ = 	snop  }
0x7: {  	_ = 	snop  }
__scs_overlays_trampoline_lowered:
0x8: {  	[smem:$0x3FA9] =	sst s0  }
0x9: {  	[smem:$0x3FAA] =	sst s1  }
0xa: {  	[smem:$0x3FAB] =	sst s2  }
0xb: {  	[smem:$0x3FAC] =	sst s3  }
0xc: {  	[smem:$0x3FAD] =	sst s4  }
0xd: {  	[smem:$0x3FAE] =	sst s5  }
0xe: {  	[smem:$0x3FAF] =	sst s6  }
0xf: {  	[smem:$0x3FB0] =	sst s7  }
0x10: {  	[smem:$0x3FB1] =	sst s8  }
0x11: {  	[smem:$0x3FB2] =	sst s9;
	s0 =	simm.s32 @!p0 $0x0  }
0x12: {  	s1 =	sld [smem:$0x3F98];
	s0 =	simm.s32 @p0 $0x1  }
0x13: {  	[smem:$0x3FB3] =	sst s0;
	s0 =	simm.s32 @!p1 $0x0  }
0x14: {  	s2 =	sld [smem:$0x3F97];
	s0 =	simm.s32 @p1 $0x1  }
0x15: {  	[smem:$0x3FB4] =	sst s0;
	s0 =	simm.s32 @!p2 $0x0  }
0x16: {  	s3 =	sld [smem:$0x3FDB];
	s0 =	simm.s32 @p2 $0x1  }
0x17: {  	s4 =	simm.s32 $0x1BF5;
	[smem:$0x3FB6] =	sst s0  }
0x18: {  	s0 =	sld [smem:$0x3F99];
	_ =	swait.ge [sflag:s4], $0x0  }
0x19: {  	s7 =	sld [smem:$0x3F9A]  }
0x1a: {  	s8 =	sadd.s32 $0xFFFFE003, lr  }
0x1b: {  	s9 =	sadd.s32 $0xFFFFFEF7, lr;
	s5 =	simm.s32 $0xFFFFFFFF;
	p2 =	slt.u32 s8, $0xFFFFF086  }
0x1c: {  	p1 =	slt.u32 s9, $0xF7A;
	s5 =	simm.s32 @!p2 $0x0  }
0x1d: {  	s5 =	simm.s32 @p1 $0x1;
	p0 =	seq.s32 s7, s2  }
0x1e: {  	s7 =	smul.u32 @!p0 $0xF7A, s2;
	p2 =	seq.s32 @!p0 s5, $0x0  }
0x1f: {  	s9 =	smul.u32 $0xF7A, s1;
	s8 =	simm.s32 @!p0 $0x1BF5;
	p2 =	por !p2, p0  }
0x20: {  	[sflag:s8] =	ssyncset.s32 @!p0 $0xFFFFF086;
	s6 =	sadd.s32 @!p0 s3, s7;
	s7 =	simm.s32 @!p0 $0x108  }
0x21: {  	s3 =	sadd.s32 s3, s9;
	s6 =	sadd.s32 @!p0 $0x88, s6;
	s7 =	simm.s32 @p2 $0x1082  }
0x22: {  	[simem:s7], [sflag:s8] =	dma.local @!p0 [hbm:s6], $0xF7A  }
0x23: {  	s9 =	sor.u32 $0xD0000000, s2;
	s6 =	simm.s32 $0x108;
	_ =	swait.ge @!p0 [sflag:s8], $0x0  }
0x24: {  	s3 =	sadd.s32 $0x88, s3;
	s6 =	simm.s32 @!p1 $0x1082;
	[sflag:s4] =	ssyncset.s32 $0xFFFFF086  }
0x25: {  	[simem:s6], [sflag:s4] =	dma.local [hbm:s3], $0xF7A  }
0x26: {  	[smem:$0x3F9A] =	sst s1;
	(tag) =	ssettag s2;
	_ =	strace s9  }
0x27: {  	s1 =	sld [smem:$0x3FAA]  }
0x28: {  	s2 =	sld [smem:$0x3FAB]  }
0x29: {  	s4 =	sld [smem:$0x3FAD]  }
0x2a: {  	p0 =	seq.s32 s5, $0x0;
	s5 =	sld [smem:$0x3FAE]  }
0x2b: {  	s6 =	sld [smem:$0x3FAF]  }
0x2c: {  	s7 =	sld [smem:$0x3FB0]  }
0x2d: {  	s3 =	simm.s32 $0x108;
	s8 =	sld [smem:$0x3FB1]  }
0x2e: {  	s3 =	simm.s32 @!p0 $0x1082;
	s9 =	sld [smem:$0x3FB2]  }
0x2f: {  	lr =	sadd.s32 s0, s3;
	s0 =	sld [smem:$0x3FA9]  }
0x30: {  	s3 =	sld [smem:$0x3FAC]  }
0x31: {  	[smem:$0x3FB5] =	sst s10  }
0x32: {  	s10 =	sld [smem:$0x3FB3];
	_ =	sdelay $0x3  }
0x33: {  	p0 =	seq.s32 s10, $0x1;
	s10 =	sld [smem:$0x3FB5];
	_ =	sdelay $0x3  }
0x34: {  	[smem:$0x3FB5] =	sst s10  }
0x35: {  	s10 =	sld [smem:$0x3FB4];
	_ =	sdelay $0x3  }
0x36: {  	p1 =	seq.s32 s10, $0x1;
	s10 =	sld [smem:$0x3FB5];
	_ =	sdelay $0x3  }
0x37: {  	[smem:$0x3FB5] =	sst s10  }
0x38: {  	s10 =	sld [smem:$0x3FB6]  }
0x39: {  	_ = 	snop;
	(pc) =	sbr.ind lr, $3  }
0x3a: {  	_ = 	snop  }
0x3b: {  	_ = 	snop  }
0x3c: {  	p2 =	seq.s32 s10, $0x1;
	s10 =	sld [smem:$0x3FB5]  }
0x3d: {  	_ =	shalt  }
0x3e: {  	_ =	shalt  }
0x3f: {  	_ =	shalt  }
0x40: {  	_ =	shalt  }
0x41: {  	_ =	shalt  }
0x42: {  	_ =	shalt  }
0x43: {  	_ =	shalt  }
0x44: {  	_ =	shalt  }
0x45: {  	_ =	shalt  }
0x46: {  	_ =	shalt  }
0x47: {  	_ =	shalt  }
0x48: {  	_ =	shalt  }
0x49: {  	_ =	shalt  }
0x4a: {  	_ =	shalt  }
0x4b: {  	_ =	shalt  }
0x4c: {  	_ =	shalt  }
0x4d: {  	_ =	shalt  }
0x4e: {  	_ =	shalt  }
0x4f: {  	_ =	shalt  }
0x50: {  	_ =	shalt  }
0x51: {  	_ =	shalt  }
0x52: {  	_ =	shalt  }
0x53: {  	_ =	shalt  }
0x54: {  	_ =	shalt  }
0x55: {  	_ =	shalt  }
0x56: {  	_ =	shalt  }
0x57: {  	_ =	shalt  }
0x58: {  	_ =	shalt  }
0x59: {  	_ =	shalt  }
0x5a: {  	_ =	shalt  }
0x5b: {  	_ =	shalt  }
0x5c: {  	_ =	shalt  }
0x5d: {  	_ =	shalt  }
0x5e: {  	_ =	shalt  }
0x5f: {  	_ =	shalt  }
0x60: {  	_ =	shalt  }
0x61: {  	_ =	shalt  }
0x62: {  	_ =	shalt  }
0x63: {  	_ =	shalt  }
0x64: {  	_ =	shalt  }
0x65: {  	_ =	shalt  }
0x66: {  	_ =	shalt  }
0x67: {  	_ =	shalt  }
0x68: {  	_ =	shalt  }
0x69: {  	_ =	shalt  }
0x6a: {  	_ =	shalt  }
0x6b: {  	_ =	shalt  }
0x6c: {  	_ =	shalt  }
0x6d: {  	_ =	shalt  }
0x6e: {  	_ =	shalt  }
0x6f: {  	_ =	shalt  }
0x70: {  	_ =	shalt  }
0x71: {  	_ =	shalt  }
0x72: {  	_ =	shalt  }
0x73: {  	_ =	shalt  }
0x74: {  	_ =	shalt  }
0x75: {  	_ =	shalt  }
0x76: {  	_ =	shalt  }
0x77: {  	_ =	shalt  }
0x78: {  	_ =	shalt  }
0x79: {  	_ =	shalt  }
0x7a: {  	_ =	shalt  }
0x7b: {  	_ =	shalt  }
0x7c: {  	_ =	shalt  }
0x7d: {  	_ =	shalt  }
0x7e: {  	_ =	shalt  }
0x7f: {  	_ =	shalt  }
0x80: {  	_ =	shalt  }
0x81: {  	_ =	shalt  }
0x82: {  	_ =	shalt  }
0x83: {  	_ =	shalt  }
0x84: {  	_ =	shalt  }
0x85: {  	_ =	shalt  }
0x86: {  	_ =	shalt  }
0x87: {  	_ =	shalt  }
.Lfunc_end0:
.L_simem_size_0:
called_computation_lowered:
.L_overlay_start_0:
0x88: {  	s2 =	sld [smem:$0x3FD9]  }
0x89: {  	s3 =	sld [smem:$0x3FFE];
	_ =	sdelay $0x1  }
0x8a: {  	s1 =	srdreg.scid  }
0x8b: {  	s0 =	sand.u32 $0x1, s1  }
0x8c: {  	s17 =	sshll.u32 s0, $0xA;
	s2 =	sadd.s32 s3, s2  }
0x8d: {  	s2 =	sadd.s32 s2, s17  }
0x8e: {  	[smem:$0x3FC1] =	sst s2  }
0x8f: {  	_ = 	snop  }
0x90: {  	s2 =	sld [smem:$0x3FC9];
	(tm) =	ssettm $0x1  }
0x91: {  	s18 =	sld [smem:$0x3FFB];
	_ =	sdelay $0x3  }
0x92: {  	_ =	strace s18  }
0x93: {  	s3 =	sld [smem:$0x3FFC];
	_ =	sdelay $0x3  }
0x94: {  	_ =	strace s3  }
0x95: {  	s3 =	sld [smem:$0x3FFD];
	_ =	sdelay $0x3  }
0x96: {  	_ =	strace s3  }
0x97: {  	_ =	strace $0x8FFFFFFF  }
0x98: {  	s19 =	sld [smem:$0x3FDB];
	_ =	sdelay $0x1  }
0x99: {  	s4 =	simm.s32 $_scs_section_size  }
0x9a: {  	s5 =	simm.s32 $_size__tile_overlayer_lowered;
	s6 =	simm.s32 $_tile_overlayer_lowered  }
0x9b: {  	s22 =	simm.s32 $0x1BFF;
	s21 =	sshll.u32 s6, $0x1;
	s3 =	sadd.s32 s4, s19  }
0x9c: {  	s7 =	simm.s32 $0x0;
	s20 =	sshll.u32 s5, $0x1;
	s5 =	sadd.s32 s21, s3  }
0x9d: {  	[timem:s7], [sflag:s22] =	dma.local [hbm:s5], s20  }
0x9e: {  	_ =	swait.ge [sflag:s22], s20  }
0x9f: {  	s4 =	ssub.s32 $0x0, s20;
	[sflag:s22] =	ssyncset.done $0x0  }
0xa0: {  	[sflag:s22] =	ssyncadd.s32 s4;
	_ =	sdelay $0x1  }
0xa1: {  	s23 =	simm.s32 $0x1B8B  }
0xa2: {  	_ =	swait.ge [sflag:s23], $0x1  }
0xa3: {  	[sflag:s23] =	ssyncset.done $0x0  }
0xa4: {  	s25 =	simm.s32 $0x1B8E;
	s24 =	sld [smem:$0x3FFE];
	[sflag:s23] =	ssyncadd.s32 $0xFFFFFFFF  }
0xa5: {  	s26 =	simm.s32 $execute0_lowered;
	[smem:$0x3FD2] =	sst s25  }
0xa6: {  	s5 =	sshll.u32 s26, $0x1;
	_ =	strace $0x80000046;
	[dreg:$0x1] =	wrdreg $0xFFFFFFFF  }
0xa7: {  	s28 =	simm.s32 $_size_execute0_lowered;
	s3 =	sadd.s32 s3, s5;
	[dreg:$0x0] =	wrdreg $0x0  }
0xa8: {  	s5 =	sshll.u32 s28, $0x1;
	[dreg:$0x2] =	wrdreg s3  }
0xa9: {  	[dreg:$0x3] =	wrdreg s5  }
0xaa: {  	[dreg:$0x4] =	wrdreg $0xC0  }
0xab: {  	_ =	task [dreg:s7], $0x5FFFF  }
0xac: {  	[dreg:$0x1] =	wrdreg $0xFFFFFFFF  }
0xad: {  	[dreg:$0x0] =	wrdreg $0x60  }
0xae: {  	[dreg:$0x2] =	wrdreg s2  }
0xaf: {  	[dreg:$0x3] =	wrdreg s24  }
0xb0: {  	[dreg:$0x4] =	wrdreg $0x9  }
0xb1: {  	_ =	task.clear_ibuf [dreg:s7], $0x5FFFF;
	_ =	strace $0x90000046  }
0xb2: {  	s29 =	simm.s32 $0x9;
	_ =	strace $0x80000048  }
0xb3: {  	_ =	swait.ge [sflag:s29], $0x1  }
0xb4: {  	[sflag:s29] =	ssyncadd.s32 $0xFFFFFFFF  }
0xb5: {  	_ =	strace $0x90000048  }
0xb6: {  	_ =	sfence  }
0xb7: {  	s30 =	sld [smem:$0x0];
	_ =	sdelay $0x2  }
0xb8: {  	s31 =	sshll.u32 s1, $0xD;
	s1 =	sshrl.u32 s1, $0x2  }
0xb9: {  	s3 =	sand.u32 $0x4000, s31;
	s1 =	sadd.s32 s1, s30  }
0xba: {  	s0 =	sor.u32 s3, s0;
	s1 =	sshll.u32 s1, $0x11  }
0xbb: {  	s0 =	sor.u32 s1, s0  }
0xbc: {  	s0 =	sadd.s32 $0x8F2B, s0  }
0xbd: {  	[sflag:s0] =	ssyncadd.remote.s32 $0x1  }
0xbe: {  	_ =	sfence.sel $0xFFFF  }
0xbf: {  	[dreg:$0x0] =	wrdreg $0xFFFFFFFF;
	(pc) =	sbr.abs _section_cstart, $3  }
0xc0: {  	[dreg:$0x1] =	wrdreg $0xFFFFFFFF  }
0xc1: {  	_ =	task.clear_ibuf [dreg:s7], $0x2FFFF;
	_ =	strace $0x9FFFFFFF  }
0xc2: {  	(tm) =	ssettm $0x7FFFFFFF  }
0xc3: {  	_ =	shalt  }
tec
execute0_lowered:
.L_overlay_start_1:
0x0: {  	(tag) =	ssettag $0x1  }
0x1: {  	s0 =	rddreg [dreg:$0x0]  }
0x2: {  	s1 =	rddreg [dreg:$0x1]  }
0x3: {  	s3 =	srdreg.scid;
	s2 =	simm.s32 $0x0;
	s5 =	stileid.u32  }
0x4: {  	s30 =	simm.s32 $0x1200;
	s31 =	simm.s32 $0x1A00;
	s29 =	simm.s32 $0x4200  }
0x5: {  	s4 =	sand.u32 $0x1, s3;
	[smem:$0x7FF] =	sst s2;
	s10 =	sshll.u32 s5, $0x8  }
0x6: {  	s6 =	sadd.s32 $0x10000, s1;
	s7 =	sadd.s32 $0x10200, s1;
	s11 =	sshll.u32 s4, $0x7  }
0x7: {  	s3 =	sadd.s32 $0x10400, s1;
	s4 =	ssub.s32 $0x2, s4;
	s5 =	sor.u32 s11, s10  }
0x8: {  	_ =	strace $0x80000047;
	s10 =	sshrl.u32 s4, $0x1;
	s8 =	sshll.u32 s5, $0x7  }
0x9: {  	s9 =	sshrl.u32 s5, $0x3;
	s14 =	sor.u32 $0x20, s5;
	s10 =	ssub.s32 s4, s10  }
0xa: {  	s4 =	sadd.s32 $0x10500, s1;
	s11 =	sor.u32 $0x40, s5;
	s8 =	sadd.s32 s0, s8  }
0xb: {  	s5 =	sor.u32 $0x60, s5;
	s12 =	sadd.s32 s6, s9;
	[dreg:$0x3] =	wrdreg s8  }
0xc: {  	s13 =	sadd.s32 s7, s9;
	s15 =	sshll.u32 s14, $0x7;
	[dreg:$0x4] =	wrdreg s12  }
0xd: {  	s9 =	sshrl.u32 s14, $0x3;
	[dreg:$0x5] =	wrdreg s13;
	s8 =	sadd.s32 s0, s15  }
0xe: {  	s18 =	sshll.u32 s11, $0x7;
	s16 =	sadd.s32 s6, s9;
	[dreg:$0x6] =	wrdreg s8  }
0xf: {  	s20 =	sshrl.u32 s11, $0x3;
	s17 =	sadd.s32 s7, s9;
	[dreg:$0x7] =	wrdreg s16  }
0x10: {  	s23 =	sshll.u32 s5, $0x7;
	s19 =	sadd.s32 s0, s18;
	[dreg:$0x8] =	wrdreg s17  }
0x11: {  	s24 =	sshrl.u32 s5, $0x3;
	s21 =	sadd.s32 s6, s20;
	[dreg:$0x9] =	wrdreg s19  }
0x12: {  	s5 =	sadd.s32 $0x10600, s1;
	s22 =	sadd.s32 s7, s20;
	[dreg:$0xa] =	wrdreg s21  }
0x13: {  	s28 =	smax.u32 s10, $0x1;
	s0 =	sadd.s32 s0, s23;
	[dreg:$0xb] =	wrdreg s22  }
0x14: {  	v2 =	vlaneseq.u32;
	s25 =	sadd.s32 s6, s24;
	s6 =	sadd.s32 $0x10700, s1;
	[dreg:$0xc] =	wrdreg s0  }
0x15: {  	vm0 =	vmmov $0xffff;
	v1 =	vshrl.u32 v2, $0x3;
	s26 =	sadd.s32 s7, s24;
	s9 =	simm.s32 $0x5;
	[dreg:$0xd] =	wrdreg s25  }
0x16: {  	v0 =	vand.u32 $0x7, v2;
	v2 =	vor.u32 $0x8, v2;
	v1 =	vmul.u32 $0x8, v1;
	[dreg:$0xe] =	wrdreg s26;
	s26 =	simm.s32 $0x200;
	s19 =	simm.s32 $0x8200  }
.LBB2_1:
0x17: {  	s23 =	rddreg [dreg:$0x3]  }
0x18: {  	[tilespmem:s26], [sflag:$0x5] =	stream.linear.gather [hbm4b:s23+s2], $0x8000, $0x38;
	[tilespmem:$0x10200] =	vst v63  }
0x19: {  	_ =	swait.ge [sflag:s9], $0x8000  }
0x1a: {  	[sflag:s9] =	ssyncset.done $0x0  }
0x1b: {  	s12 =	rddreg [dreg:$0x4];
	[sflag:s9] =	ssyncadd.s32 $0xFFFF8000  }
0x1c: {  	[tilespmem:s2], [sflag:$0x5] =	stream.linear.gather [hbm4b:s12+s2], $0x20, $0x38;
	[tilespmem:$0x10200] =	vst v63  }
0x1d: {  	_ =	swait.ge [sflag:s9], $0x20  }
0x1e: {  	[sflag:s9] =	ssyncset.done $0x0  }
0x1f: {  	s0 =	simm.s32 $0x100;
	s13 =	rddreg [dreg:$0x5];
	[sflag:s9] =	ssyncadd.s32 $0xFFFFFFE0  }
0x20: {  	[tilespmem:s0], [sflag:$0x5] =	stream.linear.gather [hbm4b:s13+s2], $0x20, $0x38;
	[tilespmem:$0x10200] =	vst v63  }
0x21: {  	_ =	swait.ge [sflag:s9], $0x20  }
0x22: {  	[sflag:s9] =	ssyncset.done $0x0  }
0x23: {  	[sflag:s9] =	ssyncadd.s32 $0xFFFFFFE0  }
0x24: {  	v3 =	vld [tilespmem:$0x0];
	_ =	sdelay $0x4  }
0x25: {  	v4 =	vshll.u32 v3, $0x3  }
0x26: {  	v3 =	vand.u32 $0x7, v3;
	v4 =	vand.u32 $0xFFFFFFC0, v4  }
0x27: {  	v3 =	vor.u32 v3, v4  }
0x28: {  	v4 =	vperm.xlane v3, v0;
	_ =	sdelay $0x1  }
0x29: {  	v4 =	vadd.s32 v1, v4;
	_ =	sdelay $0x4  }
0x2a: {  	[hbm4b:s3+s2] =	stream.indirect_vreg.scatter [tilespmem:s26], [sflag:$0x1], $0x80, v4, vm0, $0xb8;
	[tilespmem:$0x10200] =	vst v63  }
0x2b: {  	s14 =	simm.s32 $0xA00;
	v3 =	vperm.xlane v3, v2  }
0x2c: {  	[hbm4b:s4+s2] =	stream.indirect_vreg.scatter [tilespmem:s14], [sflag:$0x1], $0x80, v4, vm0, $0xb8;
	[tilespmem:$0x10200] =	vst v63  }
0x2d: {  	v3 =	vadd.s32 v1, v3  }
0x2e: {  	[hbm4b:s5+s2] =	stream.indirect_vreg.scatter [tilespmem:s30], [sflag:$0x1], $0x80, v4, vm0, $0xb8;
	[tilespmem:$0x10200] =	vst v63  }
0x2f: {  	_ = 	snop  }
0x30: {  	[hbm4b:s6+s2] =	stream.indirect_vreg.scatter [tilespmem:s31], [sflag:$0x1], $0x80, v4, vm0, $0xb8;
	[tilespmem:$0x10200] =	vst v63  }
0x31: {  	s21 =	simm.s32 $0x2200  }
0x32: {  	[hbm4b:s3+s2] =	stream.indirect_vreg.scatter [tilespmem:s21], [sflag:$0x1], $0x80, v3, vm0, $0xb8;
	[tilespmem:$0x10200] =	vst v63  }
0x33: {  	s18 =	simm.s32 $0x2A00  }
0x34: {  	[hbm4b:s4+s2] =	stream.indirect_vreg.scatter [tilespmem:s18], [sflag:$0x1], $0x80, v3, vm0, $0xb8;
	[tilespmem:$0x10200] =	vst v63  }
0x35: {  	s15 =	simm.s32 $0x3200  }
0x36: {  	[hbm4b:s5+s2] =	stream.indirect_vreg.scatter [tilespmem:s15], [sflag:$0x1], $0x80, v3, vm0, $0xb8;
	[tilespmem:$0x10200] =	vst v63  }
0x37: {  	s16 =	simm.s32 $0x3A00  }
0x38: {  	[hbm4b:s6+s2] =	stream.indirect_vreg.scatter [tilespmem:s16], [sflag:$0x1], $0x80, v3, vm0, $0xb8;
	[tilespmem:$0x10200] =	vst v63  }
0x39: {  	v3 =	vld [tilespmem:$0x10];
	_ =	sdelay $0x4  }
0x3a: {  	v49 =	vshll.u32 v3, $0x3  }
0x3b: {  	v3 =	vand.u32 $0x7, v3;
	v4 =	vand.u32 $0xFFFFFFC0, v49  }
0x3c: {  	v3 =	vor.u32 v3, v4  }
0x3d: {  	v4 =	vperm.xlane v3, v0;
	_ =	sdelay $0x1  }
0x3e: {  	v4 =	vadd.s32 v1, v4;
	_ =	sdelay $0x4  }
0x3f: {  	[hbm4b:s3+s2] =	stream.indirect_vreg.scatter [tilespmem:s29], [sflag:$0x1], $0x80, v4, vm0, $0xb8;
	[tilespmem:$0x10200] =	vst v63  }
0x40: {  	s17 =	simm.s32 $0x4A00;
	v3 =	vperm.xlane v3, v2  }
0x41: {  	[hbm4b:s4+s2] =	stream.indirect_vreg.scatter [tilespmem:s17], [sflag:$0x1], $0x80, v4, vm0, $0xb8;
	[tilespmem:$0x10200] =	vst v63  }
0x42: {  	s20 =	simm.s32 $0x5200;
	v3 =	vadd.s32 v1, v3  }
0x43: {  	[hbm4b:s5+s2] =	stream.indirect_vreg.scatter [tilespmem:s20], [sflag:$0x1], $0x80, v4, vm0, $0xb8;
	[tilespmem:$0x10200] =	vst v63  }
0x44: {  	s22 =	simm.s32 $0x5A00  }
0x45: {  	[hbm4b:s6+s2] =	stream.indirect_vreg.scatter [tilespmem:s22], [sflag:$0x1], $0x80, v4, vm0, $0xb8;
	[tilespmem:$0x10200] =	vst v63  }
0x46: {  	s23 =	simm.s32 $0x6200  }
0x47: {  	[hbm4b:s3+s2] =	stream.indirect_vreg.scatter [tilespmem:s23], [sflag:$0x1], $0x80, v3, vm0, $0xb8;
	[tilespmem:$0x10200] =	vst v63  }
0x48: {  	s24 =	simm.s32 $0x6A00  }
0x49: {  	[hbm4b:s4+s2] =	stream.indirect_vreg.scatter [tilespmem:s24], [sflag:$0x1], $0x80, v3, vm0, $0xb8;
	[tilespmem:$0x10200] =	vst v63  }
0x4a: {  	s16 =	simm.s32 $0x7200  }
0x4b: {  	[hbm4b:s5+s2] =	stream.indirect_vreg.scatter [tilespmem:s16], [sflag:$0x1], $0x80, v3, vm0, $0xb8;
	[tilespmem:$0x10200] =	vst v63  }
0x4c: {  	s17 =	simm.s32 $0x7A00  }
0x4d: {  	[hbm4b:s6+s2] =	stream.indirect_vreg.scatter [tilespmem:s17], [sflag:$0x1], $0x80, v3, vm0, $0xb8;
	[tilespmem:$0x10200] =	vst v63  }
0x4e: {  	v3 =	vld [tilespmem:$0x100];
	_ =	sdelay $0x4  }
0x4f: {  	v50 =	vshll.u32 v3, $0x3  }
0x50: {  	v3 =	vand.u32 $0x7, v3;
	v4 =	vand.u32 $0xFFFFFFC0, v50  }
0x51: {  	v3 =	vor.u32 v3, v4  }
0x52: {  	v4 =	vperm.xlane v3, v0;
	_ =	sdelay $0x1  }
0x53: {  	v4 =	vadd.s32 v1, v4;
	_ =	sdelay $0x4  }
0x54: {  	[hbm4b:s3+s2] =	stream.indirect_vreg.scatter [tilespmem:s26], [sflag:$0x3], $0x80, v4, vm0, $0xb8;
	[tilespmem:$0x10200] =	vst v63  }
0x55: {  	s11 =	simm.s32 $0xA00;
	v3 =	vperm.xlane v3, v2  }
0x56: {  	[hbm4b:s4+s2] =	stream.indirect_vreg.scatter [tilespmem:s11], [sflag:$0x3], $0x80, v4, vm0, $0xb8;
	[tilespmem:$0x10200] =	vst v63  }
0x57: {  	v3 =	vadd.s32 v1, v3  }
0x58: {  	[hbm4b:s5+s2] =	stream.indirect_vreg.scatter [tilespmem:s30], [sflag:$0x3], $0x80, v4, vm0, $0xb8;
	[tilespmem:$0x10200] =	vst v63  }
0x59: {  	_ = 	snop  }
0x5a: {  	[hbm4b:s6+s2] =	stream.indirect_vreg.scatter [tilespmem:s31], [sflag:$0x3], $0x80, v4, vm0, $0xb8;
	[tilespmem:$0x10200] =	vst v63  }
0x5b: {  	_ = 	snop  }
0x5c: {  	[hbm4b:s3+s2] =	stream.indirect_vreg.scatter [tilespmem:s21], [sflag:$0x3], $0x80, v3, vm0, $0xb8;
	[tilespmem:$0x10200] =	vst v63  }
0x5d: {  	_ = 	snop  }
0x5e: {  	[hbm4b:s4+s2] =	stream.indirect_vreg.scatter [tilespmem:s18], [sflag:$0x3], $0x80, v3, vm0, $0xb8;
	[tilespmem:$0x10200] =	vst v63  }
0x5f: {  	s1 =	simm.s32 $0x3200  }
0x60: {  	[hbm4b:s5+s2] =	stream.indirect_vreg.scatter [tilespmem:s1], [sflag:$0x3], $0x80, v3, vm0, $0xb8;
	[tilespmem:$0x10200] =	vst v63  }
0x61: {  	s12 =	simm.s32 $0x3A00  }
0x62: {  	[hbm4b:s6+s2] =	stream.indirect_vreg.scatter [tilespmem:s12], [sflag:$0x3], $0x80, v3, vm0, $0xb8;
	[tilespmem:$0x10200] =	vst v63  }
0x63: {  	v3 =	vld [tilespmem:$0x110];
	_ =	sdelay $0x4  }
0x64: {  	v51 =	vshll.u32 v3, $0x3  }
0x65: {  	v3 =	vand.u32 $0x7, v3;
	v4 =	vand.u32 $0xFFFFFFC0, v51  }
0x66: {  	v3 =	vor.u32 v3, v4  }
0x67: {  	v4 =	vperm.xlane v3, v0;
	_ =	sdelay $0x1  }
0x68: {  	v4 =	vadd.s32 v1, v4;
	_ =	sdelay $0x4  }
0x69: {  	[hbm4b:s3+s2] =	stream.indirect_vreg.scatter [tilespmem:s29], [sflag:$0x3], $0x80, v4, vm0, $0xb8;
	[tilespmem:$0x10200] =	vst v63  }
0x6a: {  	s13 =	simm.s32 $0x4A00;
	v3 =	vperm.xlane v3, v2  }
0x6b: {  	[hbm4b:s4+s2] =	stream.indirect_vreg.scatter [tilespmem:s13], [sflag:$0x3], $0x80, v4, vm0, $0xb8;
	[tilespmem:$0x10200] =	vst v63  }
0x6c: {  	s7 =	simm.s32 $0x5200;
	v3 =	vadd.s32 v1, v3  }
0x6d: {  	[hbm4b:s5+s2] =	stream.indirect_vreg.scatter [tilespmem:s7], [sflag:$0x3], $0x80, v4, vm0, $0xb8;
	[tilespmem:$0x10200] =	vst v63  }
0x6e: {  	s8 =	simm.s32 $0x5A00  }
0x6f: {  	[hbm4b:s6+s2] =	stream.indirect_vreg.scatter [tilespmem:s8], [sflag:$0x3], $0x80, v4, vm0, $0xb8;
	[tilespmem:$0x10200] =	vst v63  }
0x70: {  	s10 =	simm.s32 $0x6200  }
0x71: {  	[hbm4b:s3+s2] =	stream.indirect_vreg.scatter [tilespmem:s10], [sflag:$0x3], $0x80, v3, vm0, $0xb8;
	[tilespmem:$0x10200] =	vst v63  }
0x72: {  	s25 =	simm.s32 $0x6A00  }
0x73: {  	[hbm4b:s4+s2] =	stream.indirect_vreg.scatter [tilespmem:s25], [sflag:$0x3], $0x80, v3, vm0, $0xb8;
	[tilespmem:$0x10200] =	vst v63  }
0x74: {  	_ = 	snop  }
0x75: {  	[hbm4b:s5+s2] =	stream.indirect_vreg.scatter [tilespmem:s16], [sflag:$0x3], $0x80, v3, vm0, $0xb8;
	[tilespmem:$0x10200] =	vst v63  }
0x76: {  	_ = 	snop  }
0x77: {  	[hbm4b:s6+s2] =	stream.indirect_vreg.scatter [tilespmem:s17], [sflag:$0x3], $0x80, v3, vm0, $0xb8;
	[tilespmem:$0x10200] =	vst v63  }
0x78: {  	s11 =	rddreg [dreg:$0x6]  }
0x79: {  	[tilespmem:s19], [sflag:$0x5] =	stream.linear.gather [hbm4b:s11+s2], $0x8000, $0x38;
	[tilespmem:$0x10200] =	vst v63  }
0x7a: {  	_ =	swait.ge [sflag:s9], $0x8000  }
0x7b: {  	[sflag:s9] =	ssyncset.done $0x0  }
0x7c: {  	s13 =	simm.s32 $0x80;
	s12 =	rddreg [dreg:$0x7];
	[sflag:s9] =	ssyncadd.s32 $0xFFFF8000  }
0x7d: {  	[tilespmem:s13], [sflag:$0x5] =	stream.linear.gather [hbm4b:s12+s2], $0x20, $0x38;
	[tilespmem:$0x10200] =	vst v63  }
0x7e: {  	_ =	swait.ge [sflag:s9], $0x20  }
0x7f: {  	[sflag:s9] =	ssyncset.done $0x0  }
0x80: {  	s15 =	simm.s32 $0x180;
	s14 =	rddreg [dreg:$0x8];
	[sflag:s9] =	ssyncadd.s32 $0xFFFFFFE0  }
0x81: {  	[tilespmem:s15], [sflag:$0x5] =	stream.linear.gather [hbm4b:s14+s2], $0x20, $0x38;
	[tilespmem:$0x10200] =	vst v63  }
0x82: {  	_ =	swait.ge [sflag:s9], $0x20  }
0x83: {  	[sflag:s9] =	ssyncset.done $0x0  }
0x84: {  	[sflag:s9] =	ssyncadd.s32 $0xFFFFFFE0  }
0x85: {  	v3 =	vld [tilespmem:$0x80];
	_ =	sdelay $0x4  }
0x86: {  	v52 =	vshll.u32 v3, $0x3  }
0x87: {  	v3 =	vand.u32 $0x7, v3;
	v4 =	vand.u32 $0xFFFFFFC0, v52  }
0x88: {  	v3 =	vor.u32 v3, v4  }
0x89: {  	v4 =	vperm.xlane v3, v0;
	_ =	sdelay $0x1  }
0x8a: {  	v4 =	vadd.s32 v1, v4;
	_ =	sdelay $0x4  }
0x8b: {  	[hbm4b:s3+s2] =	stream.indirect_vreg.scatter [tilespmem:s19], [sflag:$0x2], $0x80, v4, vm0, $0xb8;
	[tilespmem:$0x10200] =	vst v63  }
0x8c: {  	s20 =	simm.s32 $0x8A00;
	v3 =	vperm.xlane v3, v2  }
0x8d: {  	[hbm4b:s4+s2] =	stream.indirect_vreg.scatter [tilespmem:s20], [sflag:$0x2], $0x80, v4, vm0, $0xb8;
	[tilespmem:$0x10200] =	vst v63  }
0x8e: {  	s22 =	simm.s32 $0x9200;
	v3 =	vadd.s32 v1, v3  }
0x8f: {  	[hbm4b:s5+s2] =	stream.indirect_vreg.scatter [tilespmem:s22], [sflag:$0x2], $0x80, v4, vm0, $0xb8;
	[tilespmem:$0x10200] =	vst v63  }
0x90: {  	s23 =	simm.s32 $0x9A00  }
0x91: {  	[hbm4b:s6+s2] =	stream.indirect_vreg.scatter [tilespmem:s23], [sflag:$0x2], $0x80, v4, vm0, $0xb8;
	[tilespmem:$0x10200] =	vst v63  }
0x92: {  	s24 =	simm.s32 $0xA200  }
0x93: {  	[hbm4b:s3+s2] =	stream.indirect_vreg.scatter [tilespmem:s24], [sflag:$0x2], $0x80, v3, vm0, $0xb8;
	[tilespmem:$0x10200] =	vst v63  }
0x94: {  	s25 =	simm.s32 $0xAA00  }
0x95: {  	[hbm4b:s4+s2] =	stream.indirect_vreg.scatter [tilespmem:s25], [sflag:$0x2], $0x80, v3, vm0, $0xb8;
	[tilespmem:$0x10200] =	vst v63  }
0x96: {  	s7 =	simm.s32 $0xB200  }
0x97: {  	[hbm4b:s5+s2] =	stream.indirect_vreg.scatter [tilespmem:s7], [sflag:$0x2], $0x80, v3, vm0, $0xb8;
	[tilespmem:$0x10200] =	vst v63  }
0x98: {  	s8 =	simm.s32 $0xBA00  }
0x99: {  	[hbm4b:s6+s2] =	stream.indirect_vreg.scatter [tilespmem:s8], [sflag:$0x2], $0x80, v3, vm0, $0xb8;
	[tilespmem:$0x10200] =	vst v63  }
0x9a: {  	v3 =	vld [tilespmem:$0x90];
	_ =	sdelay $0x4  }
0x9b: {  	v53 =	vshll.u32 v3, $0x3  }
0x9c: {  	v3 =	vand.u32 $0x7, v3;
	v4 =	vand.u32 $0xFFFFFFC0, v53  }
0x9d: {  	v3 =	vor.u32 v3, v4  }
0x9e: {  	v4 =	vperm.xlane v3, v0;
	_ =	sdelay $0x1  }
0x9f: {  	v4 =	vadd.s32 v1, v4;
	_ =	sdelay $0x3  }
0xa0: {  	s10 =	simm.s32 $0xC200  }
0xa1: {  	[hbm4b:s3+s2] =	stream.indirect_vreg.scatter [tilespmem:s10], [sflag:$0x2], $0x80, v4, vm0, $0xb8;
	[tilespmem:$0x10200] =	vst v63  }
0xa2: {  	s11 =	simm.s32 $0xCA00;
	v3 =	vperm.xlane v3, v2  }
0xa3: {  	[hbm4b:s4+s2] =	stream.indirect_vreg.scatter [tilespmem:s11], [sflag:$0x2], $0x80, v4, vm0, $0xb8;
	[tilespmem:$0x10200] =	vst v63  }
0xa4: {  	s23 =	simm.s32 $0xD200;
	v3 =	vadd.s32 v1, v3  }
0xa5: {  	[hbm4b:s5+s2] =	stream.indirect_vreg.scatter [tilespmem:s23], [sflag:$0x2], $0x80, v4, vm0, $0xb8;
	[tilespmem:$0x10200] =	vst v63  }
0xa6: {  	s7 =	simm.s32 $0xDA00  }
0xa7: {  	[hbm4b:s6+s2] =	stream.indirect_vreg.scatter [tilespmem:s7], [sflag:$0x2], $0x80, v4, vm0, $0xb8;
	[tilespmem:$0x10200] =	vst v63  }
0xa8: {  	s8 =	simm.s32 $0xE200  }
0xa9: {  	[hbm4b:s3+s2] =	stream.indirect_vreg.scatter [tilespmem:s8], [sflag:$0x2], $0x80, v3, vm0, $0xb8;
	[tilespmem:$0x10200] =	vst v63  }
0xaa: {  	s10 =	simm.s32 $0xEA00  }
0xab: {  	[hbm4b:s4+s2] =	stream.indirect_vreg.scatter [tilespmem:s10], [sflag:$0x2], $0x80, v3, vm0, $0xb8;
	[tilespmem:$0x10200] =	vst v63  }
0xac: {  	s11 =	simm.s32 $0xF200  }
0xad: {  	[hbm4b:s5+s2] =	stream.indirect_vreg.scatter [tilespmem:s11], [sflag:$0x2], $0x80, v3, vm0, $0xb8;
	[tilespmem:$0x10200] =	vst v63  }
0xae: {  	s0 =	simm.s32 $0xFA00  }
0xaf: {  	[hbm4b:s6+s2] =	stream.indirect_vreg.scatter [tilespmem:s0], [sflag:$0x2], $0x80, v3, vm0, $0xb8;
	[tilespmem:$0x10200] =	vst v63  }
0xb0: {  	v3 =	vld [tilespmem:$0x180];
	_ =	sdelay $0x4  }
0xb1: {  	v54 =	vshll.u32 v3, $0x3  }
0xb2: {  	v3 =	vand.u32 $0x7, v3;
	v4 =	vand.u32 $0xFFFFFFC0, v54  }
0xb3: {  	v3 =	vor.u32 v3, v4  }
0xb4: {  	v4 =	vperm.xlane v3, v0;
	_ =	sdelay $0x1  }
0xb5: {  	v4 =	vadd.s32 v1, v4;
	_ =	sdelay $0x4  }
0xb6: {  	[hbm4b:s3+s2] =	stream.indirect_vreg.scatter [tilespmem:s19], [sflag:$0x4], $0x80, v4, vm0, $0xb8;
	[tilespmem:$0x10200] =	vst v63  }
0xb7: {  	s20 =	simm.s32 $0x8A00;
	v3 =	vperm.xlane v3, v2  }
0xb8: {  	[hbm4b:s4+s2] =	stream.indirect_vreg.scatter [tilespmem:s20], [sflag:$0x4], $0x80, v4, vm0, $0xb8;
	[tilespmem:$0x10200] =	vst v63  }
0xb9: {  	s1 =	simm.s32 $0x9200;
	v3 =	vadd.s32 v1, v3  }
0xba: {  	[hbm4b:s5+s2] =	stream.indirect_vreg.scatter [tilespmem:s1], [sflag:$0x4], $0x80, v4, vm0, $0xb8;
	[tilespmem:$0x10200] =	vst v63  }
0xbb: {  	s15 =	simm.s32 $0x9A00  }
0xbc: {  	[hbm4b:s6+s2] =	stream.indirect_vreg.scatter [tilespmem:s15], [sflag:$0x4], $0x80, v4, vm0, $0xb8;
	[tilespmem:$0x10200] =	vst v63  }
0xbd: {  	s12 =	simm.s32 $0xA200  }
0xbe: {  	[hbm4b:s3+s2] =	stream.indirect_vreg.scatter [tilespmem:s12], [sflag:$0x4], $0x80, v3, vm0, $0xb8;
	[tilespmem:$0x10200] =	vst v63  }
0xbf: {  	s13 =	simm.s32 $0xAA00  }
0xc0: {  	[hbm4b:s4+s2] =	stream.indirect_vreg.scatter [tilespmem:s13], [sflag:$0x4], $0x80, v3, vm0, $0xb8;
	[tilespmem:$0x10200] =	vst v63  }
0xc1: {  	s14 =	simm.s32 $0xB200  }
0xc2: {  	[hbm4b:s5+s2] =	stream.indirect_vreg.scatter [tilespmem:s14], [sflag:$0x4], $0x80, v3, vm0, $0xb8;
	[tilespmem:$0x10200] =	vst v63  }
0xc3: {  	s22 =	simm.s32 $0xBA00  }
0xc4: {  	[hbm4b:s6+s2] =	stream.indirect_vreg.scatter [tilespmem:s22], [sflag:$0x4], $0x80, v3, vm0, $0xb8;
	[tilespmem:$0x10200] =	vst v63  }
0xc5: {  	v3 =	vld [tilespmem:$0x190];
	_ =	sdelay $0x4  }
0xc6: {  	v55 =	vshll.u32 v3, $0x3  }
0xc7: {  	v3 =	vand.u32 $0x7, v3;
	v4 =	vand.u32 $0xFFFFFFC0, v55  }
0xc8: {  	v3 =	vor.u32 v3, v4  }
0xc9: {  	v4 =	vperm.xlane v3, v0;
	_ =	sdelay $0x1  }
0xca: {  	v4 =	vadd.s32 v1, v4;
	_ =	sdelay $0x3  }
0xcb: {  	s24 =	simm.s32 $0xC200  }
0xcc: {  	[hbm4b:s3+s2] =	stream.indirect_vreg.scatter [tilespmem:s24], [sflag:$0x4], $0x80, v4, vm0, $0xb8;
	[tilespmem:$0x10200] =	vst v63  }
0xcd: {  	s25 =	simm.s32 $0xCA00;
	v3 =	vperm.xlane v3, v2  }
0xce: {  	[hbm4b:s4+s2] =	stream.indirect_vreg.scatter [tilespmem:s25], [sflag:$0x4], $0x80, v4, vm0, $0xb8;
	[tilespmem:$0x10200] =	vst v63  }
0xcf: {  	s23 =	simm.s32 $0xD200;
	v3 =	vadd.s32 v1, v3  }
0xd0: {  	[hbm4b:s5+s2] =	stream.indirect_vreg.scatter [tilespmem:s23], [sflag:$0x4], $0x80, v4, vm0, $0xb8;
	[tilespmem:$0x10200] =	vst v63  }
0xd1: {  	s7 =	simm.s32 $0xDA00  }
0xd2: {  	[hbm4b:s6+s2] =	stream.indirect_vreg.scatter [tilespmem:s7], [sflag:$0x4], $0x80, v4, vm0, $0xb8;
	[tilespmem:$0x10200] =	vst v63  }
0xd3: {  	s8 =	simm.s32 $0xE200  }
0xd4: {  	[hbm4b:s3+s2] =	stream.indirect_vreg.scatter [tilespmem:s8], [sflag:$0x4], $0x80, v3, vm0, $0xb8;
	[tilespmem:$0x10200] =	vst v63  }
0xd5: {  	s10 =	simm.s32 $0xEA00  }
0xd6: {  	[hbm4b:s4+s2] =	stream.indirect_vreg.scatter [tilespmem:s10], [sflag:$0x4], $0x80, v3, vm0, $0xb8;
	[tilespmem:$0x10200] =	vst v63  }
0xd7: {  	s11 =	simm.s32 $0xF200  }
0xd8: {  	[hbm4b:s5+s2] =	stream.indirect_vreg.scatter [tilespmem:s11], [sflag:$0x4], $0x80, v3, vm0, $0xb8;
	[tilespmem:$0x10200] =	vst v63  }
0xd9: {  	s0 =	simm.s32 $0xFA00  }
0xda: {  	[hbm4b:s6+s2] =	stream.indirect_vreg.scatter [tilespmem:s0], [sflag:$0x4], $0x80, v3, vm0, $0xb8;
	[tilespmem:$0x10200] =	vst v63  }
0xdb: {  	s0 =	simm.s32 $0x1  }
0xdc: {  	_ =	swait.ge [sflag:s0], $0x8000  }
0xdd: {  	[sflag:s0] =	ssyncset.done $0x0  }
0xde: {  	s1 =	simm.s32 $0x3;
	[sflag:s0] =	ssyncadd.s32 $0xFFFF8000  }
0xdf: {  	_ =	swait.ge [sflag:s1], $0x8000  }
0xe0: {  	[sflag:s1] =	ssyncset.done $0x0  }
0xe1: {  	s14 =	rddreg [dreg:$0x9];
	[sflag:s1] =	ssyncadd.s32 $0xFFFF8000  }
0xe2: {  	[tilespmem:s26], [sflag:$0x5] =	stream.linear.gather [hbm4b:s14+s2], $0x8000, $0x38;
	[tilespmem:$0x10200] =	vst v63  }
0xe3: {  	_ =	swait.ge [sflag:s9], $0x8000  }
0xe4: {  	[sflag:s9] =	ssyncset.done $0x0  }
0xe5: {  	s15 =	rddreg [dreg:$0xa];
	[sflag:s9] =	ssyncadd.s32 $0xFFFF8000  }
0xe6: {  	[tilespmem:s2], [sflag:$0x5] =	stream.linear.gather [hbm4b:s15+s2], $0x20, $0x38;
	[tilespmem:$0x10200] =	vst v63  }
0xe7: {  	_ =	swait.ge [sflag:s9], $0x20  }
0xe8: {  	[sflag:s9] =	ssyncset.done $0x0  }
0xe9: {  	s22 =	simm.s32 $0x100;
	s20 =	rddreg [dreg:$0xb];
	[sflag:s9] =	ssyncadd.s32 $0xFFFFFFE0  }
0xea: {  	[tilespmem:s22], [sflag:$0x5] =	stream.linear.gather [hbm4b:s20+s2], $0x20, $0x38;
	[tilespmem:$0x10200] =	vst v63  }
0xeb: {  	_ =	swait.ge [sflag:s9], $0x20  }
0xec: {  	[sflag:s9] =	ssyncset.done $0x0  }
0xed: {  	[sflag:s9] =	ssyncadd.s32 $0xFFFFFFE0  }
0xee: {  	v3 =	vld [tilespmem:$0x0];
	_ =	sdelay $0x4  }
0xef: {  	v56 =	vshll.u32 v3, $0x3  }
0xf0: {  	v3 =	vand.u32 $0x7, v3;
	v4 =	vand.u32 $0xFFFFFFC0, v56  }
0xf1: {  	v3 =	vor.u32 v3, v4  }
0xf2: {  	v4 =	vperm.xlane v3, v0;
	_ =	sdelay $0x1  }
0xf3: {  	v4 =	vadd.s32 v1, v4;
	_ =	sdelay $0x4  }
0xf4: {  	[hbm4b:s3+s2] =	stream.indirect_vreg.scatter [tilespmem:s26], [sflag:$0x1], $0x80, v4, vm0, $0xb8;
	[tilespmem:$0x10200] =	vst v63  }
0xf5: {  	s7 =	simm.s32 $0xA00;
	v3 =	vperm.xlane v3, v2  }
0xf6: {  	[hbm4b:s4+s2] =	stream.indirect_vreg.scatter [tilespmem:s7], [sflag:$0x1], $0x80, v4, vm0, $0xb8;
	[tilespmem:$0x10200] =	vst v63  }
0xf7: {  	v3 =	vadd.s32 v1, v3  }
0xf8: {  	[hbm4b:s5+s2] =	stream.indirect_vreg.scatter [tilespmem:s30], [sflag:$0x1], $0x80, v4, vm0, $0xb8;
	[tilespmem:$0x10200] =	vst v63  }
0xf9: {  	_ = 	snop  }
0xfa: {  	[hbm4b:s6+s2] =	stream.indirect_vreg.scatter [tilespmem:s31], [sflag:$0x1], $0x80, v4, vm0, $0xb8;
	[tilespmem:$0x10200] =	vst v63  }
0xfb: {  	_ = 	snop  }
0xfc: {  	[hbm4b:s3+s2] =	stream.indirect_vreg.scatter [tilespmem:s21], [sflag:$0x1], $0x80, v3, vm0, $0xb8;
	[tilespmem:$0x10200] =	vst v63  }
0xfd: {  	_ = 	snop  }
0xfe: {  	[hbm4b:s4+s2] =	stream.indirect_vreg.scatter [tilespmem:s18], [sflag:$0x1], $0x80, v3, vm0, $0xb8;
	[tilespmem:$0x10200] =	vst v63  }
0xff: {  	s8 =	simm.s32 $0x3200  }
0x100: {  	[hbm4b:s5+s2] =	stream.indirect_vreg.scatter [tilespmem:s8], [sflag:$0x1], $0x80, v3, vm0, $0xb8;
	[tilespmem:$0x10200] =	vst v63  }
0x101: {  	s10 =	simm.s32 $0x3A00  }
0x102: {  	[hbm4b:s6+s2] =	stream.indirect_vreg.scatter [tilespmem:s10], [sflag:$0x1], $0x80, v3, vm0, $0xb8;
	[tilespmem:$0x10200] =	vst v63  }
0x103: {  	v3 =	vld [tilespmem:$0x10];
	_ =	sdelay $0x4  }
0x104: {  	v57 =	vshll.u32 v3, $0x3  }
0x105: {  	v3 =	vand.u32 $0x7, v3;
	v4 =	vand.u32 $0xFFFFFFC0, v57  }
0x106: {  	v3 =	vor.u32 v3, v4  }
0x107: {  	v4 =	vperm.xlane v3, v0;
	_ =	sdelay $0x1  }
0x108: {  	v4 =	vadd.s32 v1, v4;
	_ =	sdelay $0x4  }
0x109: {  	[hbm4b:s3+s2] =	stream.indirect_vreg.scatter [tilespmem:s29], [sflag:$0x1], $0x80, v4, vm0, $0xb8;
	[tilespmem:$0x10200] =	vst v63  }
0x10a: {  	s11 =	simm.s32 $0x4A00;
	v3 =	vperm.xlane v3, v2  }
0x10b: {  	[hbm4b:s4+s2] =	stream.indirect_vreg.scatter [tilespmem:s11], [sflag:$0x1], $0x80, v4, vm0, $0xb8;
	[tilespmem:$0x10200] =	vst v63  }
0x10c: {  	s12 =	simm.s32 $0x5200;
	v3 =	vadd.s32 v1, v3  }
0x10d: {  	[hbm4b:s5+s2] =	stream.indirect_vreg.scatter [tilespmem:s12], [sflag:$0x1], $0x80, v4, vm0, $0xb8;
	[tilespmem:$0x10200] =	vst v63  }
0x10e: {  	s20 =	simm.s32 $0x5A00  }
0x10f: {  	[hbm4b:s6+s2] =	stream.indirect_vreg.scatter [tilespmem:s20], [sflag:$0x1], $0x80, v4, vm0, $0xb8;
	[tilespmem:$0x10200] =	vst v63  }
0x110: {  	s22 =	simm.s32 $0x6200  }
0x111: {  	[hbm4b:s3+s2] =	stream.indirect_vreg.scatter [tilespmem:s22], [sflag:$0x1], $0x80, v3, vm0, $0xb8;
	[tilespmem:$0x10200] =	vst v63  }
0x112: {  	s23 =	simm.s32 $0x6A00  }
0x113: {  	[hbm4b:s4+s2] =	stream.indirect_vreg.scatter [tilespmem:s23], [sflag:$0x1], $0x80, v3, vm0, $0xb8;
	[tilespmem:$0x10200] =	vst v63  }
0x114: {  	_ = 	snop  }
0x115: {  	[hbm4b:s5+s2] =	stream.indirect_vreg.scatter [tilespmem:s16], [sflag:$0x1], $0x80, v3, vm0, $0xb8;
	[tilespmem:$0x10200] =	vst v63  }
0x116: {  	_ = 	snop  }
0x117: {  	[hbm4b:s6+s2] =	stream.indirect_vreg.scatter [tilespmem:s17], [sflag:$0x1], $0x80, v3, vm0, $0xb8;
	[tilespmem:$0x10200] =	vst v63  }
0x118: {  	v3 =	vld [tilespmem:$0x100];
	_ =	sdelay $0x4  }
0x119: {  	v58 =	vshll.u32 v3, $0x3  }
0x11a: {  	v3 =	vand.u32 $0x7, v3;
	v4 =	vand.u32 $0xFFFFFFC0, v58  }
0x11b: {  	v3 =	vor.u32 v3, v4  }
0x11c: {  	v4 =	vperm.xlane v3, v0;
	_ =	sdelay $0x1  }
0x11d: {  	v4 =	vadd.s32 v1, v4;
	_ =	sdelay $0x4  }
0x11e: {  	[hbm4b:s3+s2] =	stream.indirect_vreg.scatter [tilespmem:s26], [sflag:$0x3], $0x80, v4, vm0, $0xb8;
	[tilespmem:$0x10200] =	vst v63  }
0x11f: {  	v3 =	vperm.xlane v3, v2  }
0x120: {  	[hbm4b:s4+s2] =	stream.indirect_vreg.scatter [tilespmem:s7], [sflag:$0x3], $0x80, v4, vm0, $0xb8;
	[tilespmem:$0x10200] =	vst v63  }
0x121: {  	v3 =	vadd.s32 v1, v3  }
0x122: {  	[hbm4b:s5+s2] =	stream.indirect_vreg.scatter [tilespmem:s30], [sflag:$0x3], $0x80, v4, vm0, $0xb8;
	[tilespmem:$0x10200] =	vst v63  }
0x123: {  	_ = 	snop  }
0x124: {  	[hbm4b:s6+s2] =	stream.indirect_vreg.scatter [tilespmem:s31], [sflag:$0x3], $0x80, v4, vm0, $0xb8;
	[tilespmem:$0x10200] =	vst v63  }
0x125: {  	_ = 	snop  }
0x126: {  	[hbm4b:s3+s2] =	stream.indirect_vreg.scatter [tilespmem:s21], [sflag:$0x3], $0x80, v3, vm0, $0xb8;
	[tilespmem:$0x10200] =	vst v63  }
0x127: {  	_ = 	snop  }
0x128: {  	[hbm4b:s4+s2] =	stream.indirect_vreg.scatter [tilespmem:s18], [sflag:$0x3], $0x80, v3, vm0, $0xb8;
	[tilespmem:$0x10200] =	vst v63  }
0x129: {  	_ = 	snop  }
0x12a: {  	[hbm4b:s5+s2] =	stream.indirect_vreg.scatter [tilespmem:s8], [sflag:$0x3], $0x80, v3, vm0, $0xb8;
	[tilespmem:$0x10200] =	vst v63  }
0x12b: {  	_ = 	snop  }
0x12c: {  	[hbm4b:s6+s2] =	stream.indirect_vreg.scatter [tilespmem:s10], [sflag:$0x3], $0x80, v3, vm0, $0xb8;
	[tilespmem:$0x10200] =	vst v63  }
0x12d: {  	v3 =	vld [tilespmem:$0x110];
	_ =	sdelay $0x4  }
0x12e: {  	v59 =	vshll.u32 v3, $0x3  }
0x12f: {  	v3 =	vand.u32 $0x7, v3;
	v4 =	vand.u32 $0xFFFFFFC0, v59  }
0x130: {  	v3 =	vor.u32 v3, v4  }
0x131: {  	v4 =	vperm.xlane v3, v0;
	_ =	sdelay $0x1  }
0x132: {  	v4 =	vadd.s32 v1, v4;
	_ =	sdelay $0x4  }
0x133: {  	[hbm4b:s3+s2] =	stream.indirect_vreg.scatter [tilespmem:s29], [sflag:$0x3], $0x80, v4, vm0, $0xb8;
	[tilespmem:$0x10200] =	vst v63  }
0x134: {  	v3 =	vperm.xlane v3, v2  }
0x135: {  	[hbm4b:s4+s2] =	stream.indirect_vreg.scatter [tilespmem:s11], [sflag:$0x3], $0x80, v4, vm0, $0xb8;
	[tilespmem:$0x10200] =	vst v63  }
0x136: {  	v3 =	vadd.s32 v1, v3  }
0x137: {  	[hbm4b:s5+s2] =	stream.indirect_vreg.scatter [tilespmem:s12], [sflag:$0x3], $0x80, v4, vm0, $0xb8;
	[tilespmem:$0x10200] =	vst v63  }
0x138: {  	_ = 	snop  }
0x139: {  	[hbm4b:s6+s2] =	stream.indirect_vreg.scatter [tilespmem:s20], [sflag:$0x3], $0x80, v4, vm0, $0xb8;
	[tilespmem:$0x10200] =	vst v63  }
0x13a: {  	_ = 	snop  }
0x13b: {  	[hbm4b:s3+s2] =	stream.indirect_vreg.scatter [tilespmem:s22], [sflag:$0x3], $0x80, v3, vm0, $0xb8;
	[tilespmem:$0x10200] =	vst v63  }
0x13c: {  	_ = 	snop  }
0x13d: {  	[hbm4b:s4+s2] =	stream.indirect_vreg.scatter [tilespmem:s23], [sflag:$0x3], $0x80, v3, vm0, $0xb8;
	[tilespmem:$0x10200] =	vst v63  }
0x13e: {  	_ = 	snop  }
0x13f: {  	[hbm4b:s5+s2] =	stream.indirect_vreg.scatter [tilespmem:s16], [sflag:$0x3], $0x80, v3, vm0, $0xb8;
	[tilespmem:$0x10200] =	vst v63  }
0x140: {  	s8 =	simm.s32 $0x2  }
0x141: {  	[hbm4b:s6+s2] =	stream.indirect_vreg.scatter [tilespmem:s17], [sflag:$0x3], $0x80, v3, vm0, $0xb8;
	[tilespmem:$0x10200] =	vst v63  }
0x142: {  	_ =	swait.ge [sflag:s8], $0x8000  }
0x143: {  	[sflag:s8] =	ssyncset.done $0x0  }
0x144: {  	s10 =	simm.s32 $0x4;
	[sflag:s8] =	ssyncadd.s32 $0xFFFF8000  }
0x145: {  	_ =	swait.ge [sflag:s10], $0x8000  }
0x146: {  	[sflag:s10] =	ssyncset.done $0x0  }
0x147: {  	s17 =	rddreg [dreg:$0xc];
	[sflag:s10] =	ssyncadd.s32 $0xFFFF8000  }
0x148: {  	[tilespmem:s19], [sflag:$0x5] =	stream.linear.gather [hbm4b:s17+s2], $0x8000, $0x38;
	[tilespmem:$0x10200] =	vst v63  }
0x149: {  	_ =	swait.ge [sflag:s9], $0x8000  }
0x14a: {  	[sflag:s9] =	ssyncset.done $0x0  }
0x14b: {  	s20 =	simm.s32 $0x80;
	s18 =	rddreg [dreg:$0xd];
	[sflag:s9] =	ssyncadd.s32 $0xFFFF8000  }
0x14c: {  	[tilespmem:s20], [sflag:$0x5] =	stream.linear.gather [hbm4b:s18+s2], $0x20, $0x38;
	[tilespmem:$0x10200] =	vst v63  }
0x14d: {  	_ =	swait.ge [sflag:s9], $0x20  }
0x14e: {  	[sflag:s9] =	ssyncset.done $0x0  }
0x14f: {  	s22 =	simm.s32 $0x180;
	s21 =	rddreg [dreg:$0xe];
	[sflag:s9] =	ssyncadd.s32 $0xFFFFFFE0  }
0x150: {  	[tilespmem:s22], [sflag:$0x5] =	stream.linear.gather [hbm4b:s21+s2], $0x20, $0x38;
	[tilespmem:$0x10200] =	vst v63  }
0x151: {  	_ =	swait.ge [sflag:s9], $0x20  }
0x152: {  	[sflag:s9] =	ssyncset.done $0x0  }
0x153: {  	[sflag:s9] =	ssyncadd.s32 $0xFFFFFFE0  }
0x154: {  	v3 =	vld [tilespmem:$0x80];
	_ =	sdelay $0x4  }
0x155: {  	v60 =	vshll.u32 v3, $0x3  }
0x156: {  	v3 =	vand.u32 $0x7, v3;
	v4 =	vand.u32 $0xFFFFFFC0, v60  }
0x157: {  	v3 =	vor.u32 v3, v4  }
0x158: {  	v4 =	vperm.xlane v3, v0;
	_ =	sdelay $0x1  }
0x159: {  	v4 =	vadd.s32 v1, v4;
	_ =	sdelay $0x4  }
0x15a: {  	[hbm4b:s3+s2] =	stream.indirect_vreg.scatter [tilespmem:s19], [sflag:$0x2], $0x80, v4, vm0, $0xb8;
	[tilespmem:$0x10200] =	vst v63  }
0x15b: {  	s20 =	simm.s32 $0x8A00;
	v3 =	vperm.xlane v3, v2  }
0x15c: {  	[hbm4b:s4+s2] =	stream.indirect_vreg.scatter [tilespmem:s20], [sflag:$0x2], $0x80, v4, vm0, $0xb8;
	[tilespmem:$0x10200] =	vst v63  }
0x15d: {  	s11 =	simm.s32 $0x9200;
	v3 =	vadd.s32 v1, v3  }
0x15e: {  	[hbm4b:s5+s2] =	stream.indirect_vreg.scatter [tilespmem:s11], [sflag:$0x2], $0x80, v4, vm0, $0xb8;
	[tilespmem:$0x10200] =	vst v63  }
0x15f: {  	s21 =	simm.s32 $0x9A00  }
0x160: {  	[hbm4b:s6+s2] =	stream.indirect_vreg.scatter [tilespmem:s21], [sflag:$0x2], $0x80, v4, vm0, $0xb8;
	[tilespmem:$0x10200] =	vst v63  }
0x161: {  	s16 =	simm.s32 $0xA200  }
0x162: {  	[hbm4b:s3+s2] =	stream.indirect_vreg.scatter [tilespmem:s16], [sflag:$0x2], $0x80, v3, vm0, $0xb8;
	[tilespmem:$0x10200] =	vst v63  }
0x163: {  	s17 =	simm.s32 $0xAA00  }
0x164: {  	[hbm4b:s4+s2] =	stream.indirect_vreg.scatter [tilespmem:s17], [sflag:$0x2], $0x80, v3, vm0, $0xb8;
	[tilespmem:$0x10200] =	vst v63  }
0x165: {  	s18 =	simm.s32 $0xB200  }
0x166: {  	[hbm4b:s5+s2] =	stream.indirect_vreg.scatter [tilespmem:s18], [sflag:$0x2], $0x80, v3, vm0, $0xb8;
	[tilespmem:$0x10200] =	vst v63  }
0x167: {  	s22 =	simm.s32 $0xBA00  }
0x168: {  	[hbm4b:s6+s2] =	stream.indirect_vreg.scatter [tilespmem:s22], [sflag:$0x2], $0x80, v3, vm0, $0xb8;
	[tilespmem:$0x10200] =	vst v63  }
0x169: {  	v3 =	vld [tilespmem:$0x90];
	_ =	sdelay $0x4  }
0x16a: {  	v61 =	vshll.u32 v3, $0x3  }
0x16b: {  	v3 =	vand.u32 $0x7, v3;
	v4 =	vand.u32 $0xFFFFFFC0, v61  }
0x16c: {  	v3 =	vor.u32 v3, v4  }
0x16d: {  	v4 =	vperm.xlane v3, v0;
	_ =	sdelay $0x1  }
0x16e: {  	v4 =	vadd.s32 v1, v4;
	_ =	sdelay $0x3  }
0x16f: {  	s23 =	simm.s32 $0xC200  }
0x170: {  	[hbm4b:s3+s2] =	stream.indirect_vreg.scatter [tilespmem:s23], [sflag:$0x2], $0x80, v4, vm0, $0xb8;
	[tilespmem:$0x10200] =	vst v63  }
0x171: {  	s24 =	simm.s32 $0xCA00;
	v3 =	vperm.xlane v3, v2  }
0x172: {  	[hbm4b:s4+s2] =	stream.indirect_vreg.scatter [tilespmem:s24], [sflag:$0x2], $0x80, v4, vm0, $0xb8;
	[tilespmem:$0x10200] =	vst v63  }
0x173: {  	s12 =	simm.s32 $0xD200;
	v3 =	vadd.s32 v1, v3  }
0x174: {  	[hbm4b:s5+s2] =	stream.indirect_vreg.scatter [tilespmem:s12], [sflag:$0x2], $0x80, v4, vm0, $0xb8;
	[tilespmem:$0x10200] =	vst v63  }
0x175: {  	s7 =	simm.s32 $0xDA00  }
0x176: {  	[hbm4b:s6+s2] =	stream.indirect_vreg.scatter [tilespmem:s7], [sflag:$0x2], $0x80, v4, vm0, $0xb8;
	[tilespmem:$0x10200] =	vst v63  }
0x177: {  	s13 =	simm.s32 $0xE200  }
0x178: {  	[hbm4b:s3+s2] =	stream.indirect_vreg.scatter [tilespmem:s13], [sflag:$0x2], $0x80, v3, vm0, $0xb8;
	[tilespmem:$0x10200] =	vst v63  }
0x179: {  	s14 =	simm.s32 $0xEA00  }
0x17a: {  	[hbm4b:s4+s2] =	stream.indirect_vreg.scatter [tilespmem:s14], [sflag:$0x2], $0x80, v3, vm0, $0xb8;
	[tilespmem:$0x10200] =	vst v63  }
0x17b: {  	s15 =	simm.s32 $0xF200  }
0x17c: {  	[hbm4b:s5+s2] =	stream.indirect_vreg.scatter [tilespmem:s15], [sflag:$0x2], $0x80, v3, vm0, $0xb8;
	[tilespmem:$0x10200] =	vst v63  }
0x17d: {  	s25 =	simm.s32 $0xFA00  }
0x17e: {  	[hbm4b:s6+s2] =	stream.indirect_vreg.scatter [tilespmem:s25], [sflag:$0x2], $0x80, v3, vm0, $0xb8;
	[tilespmem:$0x10200] =	vst v63  }
0x17f: {  	v3 =	vld [tilespmem:$0x180];
	_ =	sdelay $0x4  }
0x180: {  	v62 =	vshll.u32 v3, $0x3  }
0x181: {  	v3 =	vand.u32 $0x7, v3;
	v4 =	vand.u32 $0xFFFFFFC0, v62  }
0x182: {  	v3 =	vor.u32 v3, v4  }
0x183: {  	v4 =	vperm.xlane v3, v0;
	_ =	sdelay $0x1  }
0x184: {  	v4 =	vadd.s32 v1, v4;
	_ =	sdelay $0x4  }
0x185: {  	[hbm4b:s3+s2] =	stream.indirect_vreg.scatter [tilespmem:s19], [sflag:$0x4], $0x80, v4, vm0, $0xb8;
	[tilespmem:$0x10200] =	vst v63  }
0x186: {  	v3 =	vperm.xlane v3, v2  }
0x187: {  	[hbm4b:s4+s2] =	stream.indirect_vreg.scatter [tilespmem:s20], [sflag:$0x4], $0x80, v4, vm0, $0xb8;
	[tilespmem:$0x10200] =	vst v63  }
0x188: {  	v3 =	vadd.s32 v1, v3  }
0x189: {  	[hbm4b:s5+s2] =	stream.indirect_vreg.scatter [tilespmem:s11], [sflag:$0x4], $0x80, v4, vm0, $0xb8;
	[tilespmem:$0x10200] =	vst v63  }
0x18a: {  	_ = 	snop  }
0x18b: {  	[hbm4b:s6+s2] =	stream.indirect_vreg.scatter [tilespmem:s21], [sflag:$0x4], $0x80, v4, vm0, $0xb8;
	[tilespmem:$0x10200] =	vst v63  }
0x18c: {  	_ = 	snop  }
0x18d: {  	[hbm4b:s3+s2] =	stream.indirect_vreg.scatter [tilespmem:s16], [sflag:$0x4], $0x80, v3, vm0, $0xb8;
	[tilespmem:$0x10200] =	vst v63  }
0x18e: {  	_ = 	snop  }
0x18f: {  	[hbm4b:s4+s2] =	stream.indirect_vreg.scatter [tilespmem:s17], [sflag:$0x4], $0x80, v3, vm0, $0xb8;
	[tilespmem:$0x10200] =	vst v63  }
0x190: {  	_ = 	snop  }
0x191: {  	[hbm4b:s5+s2] =	stream.indirect_vreg.scatter [tilespmem:s18], [sflag:$0x4], $0x80, v3, vm0, $0xb8;
	[tilespmem:$0x10200] =	vst v63  }
0x192: {  	_ = 	snop  }
0x193: {  	[hbm4b:s6+s2] =	stream.indirect_vreg.scatter [tilespmem:s22], [sflag:$0x4], $0x80, v3, vm0, $0xb8;
	[tilespmem:$0x10200] =	vst v63  }
0x194: {  	v3 =	vld [tilespmem:$0x190];
	_ =	sdelay $0x4  }
0x195: {  	v63 =	vshll.u32 v3, $0x3  }
0x196: {  	v3 =	vand.u32 $0x7, v3;
	v4 =	vand.u32 $0xFFFFFFC0, v63  }
0x197: {  	v3 =	vor.u32 v3, v4  }
0x198: {  	v4 =	vperm.xlane v3, v0;
	_ =	sdelay $0x1  }
0x199: {  	v4 =	vadd.s32 v1, v4;
	_ =	sdelay $0x4  }
0x19a: {  	[hbm4b:s3+s2] =	stream.indirect_vreg.scatter [tilespmem:s23], [sflag:$0x4], $0x80, v4, vm0, $0xb8;
	[tilespmem:$0x10200] =	vst v63  }
0x19b: {  	v3 =	vperm.xlane v3, v2  }
0x19c: {  	[hbm4b:s4+s2] =	stream.indirect_vreg.scatter [tilespmem:s24], [sflag:$0x4], $0x80, v4, vm0, $0xb8;
	[tilespmem:$0x10200] =	vst v63  }
0x19d: {  	v3 =	vadd.s32 v1, v3  }
0x19e: {  	[hbm4b:s5+s2] =	stream.indirect_vreg.scatter [tilespmem:s12], [sflag:$0x4], $0x80, v4, vm0, $0xb8;
	[tilespmem:$0x10200] =	vst v63  }
0x19f: {  	_ = 	snop  }
0x1a0: {  	[hbm4b:s6+s2] =	stream.indirect_vreg.scatter [tilespmem:s7], [sflag:$0x4], $0x80, v4, vm0, $0xb8;
	[tilespmem:$0x10200] =	vst v63  }
0x1a1: {  	_ = 	snop  }
0x1a2: {  	[hbm4b:s3+s2] =	stream.indirect_vreg.scatter [tilespmem:s13], [sflag:$0x4], $0x80, v3, vm0, $0xb8;
	[tilespmem:$0x10200] =	vst v63  }
0x1a3: {  	_ = 	snop  }
0x1a4: {  	[hbm4b:s4+s2] =	stream.indirect_vreg.scatter [tilespmem:s14], [sflag:$0x4], $0x80, v3, vm0, $0xb8;
	[tilespmem:$0x10200] =	vst v63  }
0x1a5: {  	_ = 	snop  }
0x1a6: {  	[hbm4b:s5+s2] =	stream.indirect_vreg.scatter [tilespmem:s15], [sflag:$0x4], $0x80, v3, vm0, $0xb8;
	[tilespmem:$0x10200] =	vst v63  }
0x1a7: {  	_ = 	snop  }
0x1a8: {  	[hbm4b:s6+s2] =	stream.indirect_vreg.scatter [tilespmem:s25], [sflag:$0x4], $0x80, v3, vm0, $0xb8;
	[tilespmem:$0x10200] =	vst v63  }
0x1a9: {  	_ =	swait.ge [sflag:s0], $0x8000  }
0x1aa: {  	[sflag:s0] =	ssyncset.done $0x0  }
0x1ab: {  	[sflag:s0] =	ssyncadd.s32 $0xFFFF8000  }
0x1ac: {  	_ =	swait.ge [sflag:s1], $0x8000  }
0x1ad: {  	[sflag:s1] =	ssyncset.done $0x0  }
0x1ae: {  	[sflag:s1] =	ssyncadd.s32 $0xFFFF8000  }
0x1af: {  	p0 =	sne.s32 s28, $0x1;
	_ =	swait.ge [sflag:s8], $0x8000  }
.Ltmp0:
0x1b0: {  	[sflag:s8] =	ssyncset.done $0x0;
	(pc) =	sbr.rel @p0 .LBB2_1-.Ltmp0, $4  }
0x1b1: {  	[sflag:s8] =	ssyncadd.s32 $0xFFFF8000  }
0x1b2: {  	_ =	swait.ge [sflag:s10], $0x8000  }
0x1b3: {  	[sflag:s10] =	ssyncset.done $0x0  }
0x1b4: {  	s28 =	sadd.s32 $0xFFFFFFFF, s28;
	[sflag:s10] =	ssyncadd.s32 $0xFFFF8000  }
0x1b5: {  	_ =	sfence.sel $0x180000  }
0x1b6: {  	[bflag:$0x0] =	sbarrier.arrive $0xFFFF  }
0x1b7: {  	_ =	strace $0x90000047  }
0x1b8: {  	s0 =	stileid.u32;
	[bflag:$0x2] =	sbarrier.arrive $0xFFFF  }
0x1b9: {  	p0 =	sne.s32 s0, $0x0;
	s0 =	rddreg [dreg:$0x2]  }
0x1ba: {  	s0 =	sadd.s32 @!p0 $0x100000, s0  }
0x1bb: {  	[sflag:s0] =	ssyncadd.tile.s32 @!p0 $0x1;
	_ =	shalt  }
.Lfunc_end2:
_tile_overlayer_lowered:
.L_overlay_start_2:
0x1bc: {  	(tag) =	ssettag $0x2  }
0x1bd: {  	s0 =	rddreg [dreg:$0x0];
	s2 =	stileid.u32  }
0x1be: {  	s1 =	rddreg [dreg:$0x1];
	p0 =	sne.s32 s2, $0x0  }
0x1bf: {  	s3 =	rddreg [dreg:$0x2];
	[bflag:$0x3] =	sbarrier.arrive $0xFFFF;
	s2 =	simm.s32 @!p0 $0x1C05  }
0x1c0: {  	[timem:s3], [sflag:s2] =	dma.local @!p0 [hbm:s0], s1  }
0x1c1: {  	s0 =	simm.s32 @!p0 $0x5  }
0x1c2: {  	_ =	swait.ge @!p0 [sflag:s0], s1  }
0x1c3: {  	s1 =	ssub.s32 @!p0 $0x0, s1;
	[sflag:s0] =	ssyncset.done @!p0 $0x0  }
0x1c4: {  	[sflag:s0] =	ssyncadd.s32 @!p0 s1  }
0x1c5: {  	[bflag:$0x3] =	sbarrier.arrive $0xFFFF  }
0x1c6: {  	_ =	shalt  }

</sc_bundles>
